<compile_context>
chip_gen: v7x
topology: tpu7x:2x2x1
jax: 0.10.2.dev20260603
libtpu: 0.0.44.dev20260713+nightly
codegen_flags: <defaults>
</compile_context>

<pallas_src>
import functools

import jax
import jax.numpy as jnp
from jax import lax
from jax.experimental import pallas as pl
from jax.experimental.pallas import tpu as pltpu
from jax.experimental.pallas import tpu_sc as plsc

_INFO = plsc.get_sparse_core_info()
_NC = _INFO.num_cores
_NS = _INFO.num_subcores
_NW = _NC * _NS
_L = _INFO.num_lanes
_CH = 8


def _make_gather(V, D, B):
    assert B % (_NW * _L) == 0 and D % _L == 0
    b_per_w = B // _NW
    n_pairs = b_per_w // (2 * _CH)
    mesh = plsc.VectorSubcoreMesh(core_axis_name="c", subcore_axis_name="s")

    @functools.partial(
        pl.kernel,
        mesh=mesh,
        out_type=jax.ShapeDtypeStruct((D, B), jnp.float32),
        scratch_types=[
            pltpu.VMEM((b_per_w,), jnp.int32),
            pltpu.VMEM((_CH, D, 128), jnp.float32),
            pltpu.VMEM((_CH, D, 128), jnp.float32),
            pltpu.VMEM((D, b_per_w), jnp.float32),
            pltpu.SemaphoreType.DMA,
            pltpu.SemaphoreType.DMA,
        ],
        compiler_params=pltpu.CompilerParams(needs_layout_passes=False),
    )
    def k(table_hbm, idx_hbm, out_hbm, idx_v, bank0, bank1, gath_v, s0, s1):
        wid = lax.axis_index("s") * _NC + lax.axis_index("c")
        base = wid * b_per_w
        pltpu.sync_copy(idx_hbm.at[pl.ds(base, b_per_w)], idx_v)

        iota = lax.iota(jnp.int32, _L)

        def load_iv(p):
            return idx_v[pl.ds(p * 2 * _CH, _L)]

        def fire(iv, lane_base, bank, sem):
            for l in range(_CH):
                col_off = pl.multiple_of(iv[lane_base + l] & -128, 128)
                for r in range(D // 8):
                    pltpu.async_copy(
                        table_hbm.at[pl.ds(r * 8, 8), pl.ds(col_off, 128)],
                        bank.at[l, pl.ds(r * 8, 8), :],
                        sem,
                    )

        def drain_extract(c, iv, lane_base, bank, sem):
            for l in range(_CH):
                pltpu.make_async_copy(
                    table_hbm.at[:, pl.ds(0, 128)], bank.at[l], sem
                ).wait()
            lane = iv & 127
            for l in range(_CH):
                lc = jnp.full((_L,), lane[lane_base + l], jnp.int32)
                lv = jnp.full((_L,), l, jnp.int32)
                jv = jnp.full((_L,), c * _CH + l, jnp.int32)
                for h in range(D // _L):
                    dvec = iota + h * _L
                    val = plsc.load_gather(bank, [lv, dvec, lc])
                    plsc.store_scatter(gath_v, [dvec, jv], val)

        fire(load_iv(0), 0, bank0, s0)

        def pair(p, _):
            ivp = load_iv(p)
            fire(ivp, _CH, bank1, s1)
            drain_extract(2 * p, ivp, 0, bank0, s0)
            ivn = load_iv(jnp.minimum(p + 1, n_pairs - 1))

            @pl.when(p + 1 < n_pairs)
            def _fire_next():
                fire(ivn, 0, bank0, s0)

            drain_extract(2 * p + 1, ivp, _CH, bank1, s1)
            return _

        lax.fori_loop(0, n_pairs, pair, None)

        pltpu.sync_copy(gath_v, out_hbm.at[:, pl.ds(base, b_per_w)])

    return k


@jax.jit
def kernel(idx_list, embs):
    B = idx_list.shape[0]
    V, D = embs.shape
    out_t = _make_gather(V, D, B)(embs.T, idx_list)
    return out_t.T

# --- scband reference (transcript-rebuilt; emitter-appended) ---
"""Pipeline reference for scband-glove-embeddings-83811991814444 (READ-ONLY COPY).

The authoritative reference and input builder live on the scoring server;
editing this copy changes nothing except your own understanding.
"""

import jax, jax.numpy as jnp
import numpy as np

VOCAB = 1000000
EMBED_DIM = 32
BATCH = 16384


def setup_inputs(seed: int = 0) -> dict:
    key = jax.random.key(seed)
    k_idx, k_emb = jax.random.split(key)
    idx_list = jax.random.randint(k_idx, (BATCH,), 0, VOCAB, dtype=jnp.int32)
    embs = jax.random.normal(k_emb, (VOCAB, EMBED_DIM), dtype=jnp.float32)
    return {"idx_list": idx_list, "embs": embs}


def reference(idx_list, embs):
    # Faithful to GloveEmbeddings.forward: gather one embedding row per id
    # and stack them -> equivalent to a batched table lookup.
    return jnp.take(embs, idx_list, axis=0)

if __name__ == "__main__":
    import jax
    _d = setup_inputs()
    print(jax.jit(kernel)(*tuple(_d.values())))

</pallas_src>

<mosaic_0001>
#map = affine_map<(d0, d1) -> (0, 0)>
#map1 = affine_map<(d0, d1) -> (0)>
module attributes {stable_mosaic.version = 14 : i64} {
  func.func @k(%arg0: i32, %arg1: i32, %arg2: memref<32x1000000xf32, #tpu.memory_space<hbm>>, %arg3: memref<16384xi32, #tpu.memory_space<hbm>>, %arg4: memref<32x16384xf32, #tpu.memory_space<hbm>>, %arg5: memref<512xi32, #tpu.memory_space<vmem>>, %arg6: memref<8x32x128xf32, #tpu.memory_space<vmem>>, %arg7: memref<8x32x128xf32, #tpu.memory_space<vmem>>, %arg8: memref<32x512xf32, #tpu.memory_space<vmem>>, %arg9: memref<!tpu.dma_semaphore, #tpu.memory_space<semaphore_mem>>, %arg10: memref<!tpu.dma_semaphore, #tpu.memory_space<semaphore_mem>>) attributes {dimension_semantics = [#tpu.dimension_semantics<core_parallel>, #tpu.dimension_semantics<subcore_parallel>], iteration_bounds = array<i64: 2, 16>, scalar_prefetch = 0 : i64, scratch_operands = 6 : i64, tpu.core_type = #tpu.core_type<sc_vector_subcore>, window_params = [{transform_indices = #map}, {transform_indices = #map1}, {transform_indices = #map}]} {
    %mul3A = arith.constant 2 : i32
    %mul3A_0 = arith.muli %arg1, %mul3A : i32
    %add3A = arith.addi %mul3A_0, %arg0 : i32
    %mul3A_1 = arith.constant 512 : i32
    %mul3A_2 = arith.muli %add3A, %mul3A_1 : i32
    "tpu.region"() ({
      %run_scoped3A = tpu.sem_alloc : memref<!tpu.dma_semaphore, #tpu.memory_space<semaphore_mem>>
      %dma_start3A_459 = tpu.memref_slice %arg3[%mul3A_2] : memref<16384xi32, #tpu.memory_space<hbm>> -> memref<512xi32, #tpu.memory_space<hbm>>
      %dma_start3A_460 = tpu.memref_slice %arg3[%mul3A_2] : memref<16384xi32, #tpu.memory_space<hbm>> -> memref<512xi32, #tpu.memory_space<hbm>>
      tpu.enqueue_dma source(%dma_start3A_460 : memref<512xi32, #tpu.memory_space<hbm>>) target(%arg5 : memref<512xi32, #tpu.memory_space<vmem>>) target_semaphore(%run_scoped3A : memref<!tpu.dma_semaphore, #tpu.memory_space<semaphore_mem>>)
      %dma_wait3A = tpu.memref_slice %arg3[%mul3A_2] : memref<16384xi32, #tpu.memory_space<hbm>> -> memref<512xi32, #tpu.memory_space<hbm>>
      %dma_wait3A_461 = tpu.memref_slice %arg3[%mul3A_2] : memref<16384xi32, #tpu.memory_space<hbm>> -> memref<512xi32, #tpu.memory_space<hbm>>
      tpu.wait_dma2 semaphore(%run_scoped3A : memref<!tpu.dma_semaphore, #tpu.memory_space<semaphore_mem>>) src(%dma_wait3A_461 : memref<512xi32, #tpu.memory_space<hbm>>) dst(%arg5 : memref<512xi32, #tpu.memory_space<vmem>>)
      tpu.yield
    }) : () -> ()
    %iota3A = tpu.iota {dimensions = array<i32: 0>} : vector<16xi32>
    %get3A = arith.constant 0 : index
    %get3A_3 = tpu.vector_load %arg5[%get3A] {strides = array<i32>} : memref<512xi32, #tpu.memory_space<vmem>>, vector<16xi32>,
    %slice3A = vector.extract_strided_slice %get3A_3 {offsets = [0], sizes = [1], strides = [1]} : vector<16xi32> to vector<1xi32>
    %squeeze3A = vector.extract %slice3A[0] : i32 from vector<1xi32>
    %and3A = arith.constant -128 : i32
    %and3A_4 = arith.andi %squeeze3A, %and3A : i32
    %multiple_of3A = tpu.assume_multiple %and3A_4, 128 : i32
    %dma_start3A = arith.constant 0 : i32
    %dma_start3A_5 = arith.constant 0 : i32
    %dma_start3A_6 = arith.constant 0 : i32
    %dma_start3A_7 = tpu.memref_slice %arg6[%dma_start3A, %dma_start3A_5, %dma_start3A_6] : memref<8x32x128xf32, #tpu.memory_space<vmem>> -> memref<1x8x128xf32, #tpu.memory_space<vmem>>
    %dma_start3A_8 = tpu.memref_squeeze %dma_start3A_7 : memref<1x8x128xf32, #tpu.memory_space<vmem>> -> memref<8x128xf32, #tpu.memory_space<vmem>>
    %dma_start3A_9 = arith.constant 0 : i32
    %dma_start3A_10 = tpu.memref_slice %arg2[%dma_start3A_9, %multiple_of3A] : memref<32x1000000xf32, #tpu.memory_space<hbm>> -> memref<8x128xf32, #tpu.memory_space<hbm>>
    %dma_start3A_11 = arith.constant 0 : i32
    %dma_start3A_12 = arith.constant 0 : i32
    %dma_start3A_13 = tpu.memref_slice %arg6[%dma_start3A, %dma_start3A_11, %dma_start3A_12] : memref<8x32x128xf32, #tpu.memory_space<vmem>> -> memref<1x8x128xf32, #tpu.memory_space<vmem>>
    %dma_start3A_14 = tpu.memref_squeeze %dma_start3A_13 : memref<1x8x128xf32, #tpu.memory_space<vmem>> -> memref<8x128xf32, #tpu.memory_space<vmem>>
    %dma_start3A_15 = arith.constant 0 : i32
    %dma_start3A_16 = tpu.memref_slice %arg2[%dma_start3A_15, %multiple_of3A] : memref<32x1000000xf32, #tpu.memory_space<hbm>> -> memref<8x128xf32, #tpu.memory_space<hbm>>
    tpu.enqueue_dma source(%dma_start3A_16 : memref<8x128xf32, #tpu.memory_space<hbm>>) target(%dma_start3A_14 : memref<8x128xf32, #tpu.memory_space<vmem>>) target_semaphore(%arg9 : memref<!tpu.dma_semaphore, #tpu.memory_space<semaphore_mem>>)
    %dma_start3A_17 = arith.constant 0 : i32
    %dma_start3A_18 = arith.constant 8 : i32
    %dma_start3A_19 = arith.constant 0 : i32
    %dma_start3A_20 = tpu.memref_slice %arg6[%dma_start3A_17, %dma_start3A_18, %dma_start3A_19] : memref<8x32x128xf32, #tpu.memory_space<vmem>> -> memref<1x8x128xf32, #tpu.memory_space<vmem>>
    %dma_start3A_21 = tpu.memref_squeeze %dma_start3A_20 : memref<1x8x128xf32, #tpu.memory_space<vmem>> -> memref<8x128xf32, #tpu.memory_space<vmem>>
    %dma_start3A_22 = arith.constant 8 : i32
    %dma_start3A_23 = tpu.memref_slice %arg2[%dma_start3A_22, %multiple_of3A] : memref<32x1000000xf32, #tpu.memory_space<hbm>> -> memref<8x128xf32, #tpu.memory_space<hbm>>
    %dma_start3A_24 = arith.constant 8 : i32
    %dma_start3A_25 = arith.constant 0 : i32
    %dma_start3A_26 = tpu.memref_slice %arg6[%dma_start3A_17, %dma_start3A_24, %dma_start3A_25] : memref<8x32x128xf32, #tpu.memory_space<vmem>> -> memref<1x8x128xf32, #tpu.memory_space<vmem>>
    %dma_start3A_27 = tpu.memref_squeeze %dma_start3A_26 : memref<1x8x128xf32, #tpu.memory_space<vmem>> -> memref<8x128xf32, #tpu.memory_space<vmem>>
    %dma_start3A_28 = arith.constant 8 : i32
    %dma_start3A_29 = tpu.memref_slice %arg2[%dma_start3A_28, %multiple_of3A] : memref<32x1000000xf32, #tpu.memory_space<hbm>> -> memref<8x128xf32, #tpu.memory_space<hbm>>
    tpu.enqueue_dma source(%dma_start3A_29 : memref<8x128xf32, #tpu.memory_space<hbm>>) target(%dma_start3A_27 : memref<8x128xf32, #tpu.memory_space<vmem>>) target_semaphore(%arg9 : memref<!tpu.dma_semaphore, #tpu.memory_space<semaphore_mem>>)
    %dma_start3A_30 = arith.constant 0 : i32
    %dma_start3A_31 = arith.constant 16 : i32
    %dma_start3A_32 = arith.constant 0 : i32
    %dma_start3A_33 = tpu.memref_slice %arg6[%dma_start3A_30, %dma_start3A_31, %dma_start3A_32] : memref<8x32x128xf32, #tpu.memory_space<vmem>> -> memref<1x8x128xf32, #tpu.memory_space<vmem>>
    %dma_start3A_34 = tpu.memref_squeeze %dma_start3A_33 : memref<1x8x128xf32, #tpu.memory_space<vmem>> -> memref<8x128xf32, #tpu.memory_space<vmem>>
    %dma_start3A_35 = arith.constant 16 : i32
    %dma_start3A_36 = tpu.memref_slice %arg2[%dma_start3A_35, %multiple_of3A] : memref<32x1000000xf32, #tpu.memory_space<hbm>> -> memref<8x128xf32, #tpu.memory_space<hbm>>
    %dma_start3A_37 = arith.constant 16 : i32
    %dma_start3A_38 = arith.constant 0 : i32
    %dma_start3A_39 = tpu.memref_slice %arg6[%dma_start3A_30, %dma_start3A_37, %dma_start3A_38] : memref<8x32x128xf32, #tpu.memory_space<vmem>> -> memref<1x8x128xf32, #tpu.memory_space<vmem>>
    %dma_start3A_40 = tpu.memref_squeeze %dma_start3A_39 : memref<1x8x128xf32, #tpu.memory_space<vmem>> -> memref<8x128xf32, #tpu.memory_space<vmem>>
    %dma_start3A_41 = arith.constant 16 : i32
    %dma_start3A_42 = tpu.memref_slice %arg2[%dma_start3A_41, %multiple_of3A] : memref<32x1000000xf32, #tpu.memory_space<hbm>> -> memref<8x128xf32, #tpu.memory_space<hbm>>
    tpu.enqueue_dma source(%dma_start3A_42 : memref<8x128xf32, #tpu.memory_space<hbm>>) target(%dma_start3A_40 : memref<8x128xf32, #tpu.memory_space<vmem>>) target_semaphore(%arg9 : memref<!tpu.dma_semaphore, #tpu.memory_space<semaphore_mem>>)
    %dma_start3A_43 = arith.constant 0 : i32
    %dma_start3A_44 = arith.constant 24 : i32
    %dma_start3A_45 = arith.constant 0 : i32
    %dma_start3A_46 = tpu.memref_slice %arg6[%dma_start3A_43, %dma_start3A_44, %dma_start3A_45] : memref<8x32x128xf32, #tpu.memory_space<vmem>> -> memref<1x8x128xf32, #tpu.memory_space<vmem>>
    %dma_start3A_47 = tpu.memref_squeeze %dma_start3A_46 : memref<1x8x128xf32, #tpu.memory_space<vmem>> -> memref<8x128xf32, #tpu.memory_space<vmem>>
    %dma_start3A_48 = arith.constant 24 : i32
    %dma_start3A_49 = tpu.memref_slice %arg2[%dma_start3A_48, %multiple_of3A] : memref<32x1000000xf32, #tpu.memory_space<hbm>> -> memref<8x128xf32, #tpu.memory_space<hbm>>
    %dma_start3A_50 = arith.constant 24 : i32
    %dma_start3A_51 = arith.constant 0 : i32
    %dma_start3A_52 = tpu.memref_slice %arg6[%dma_start3A_43, %dma_start3A_50, %dma_start3A_51] : memref<8x32x128xf32, #tpu.memory_space<vmem>> -> memref<1x8x128xf32, #tpu.memory_space<vmem>>
    %dma_start3A_53 = tpu.memref_squeeze %dma_start3A_52 : memref<1x8x128xf32, #tpu.memory_space<vmem>> -> memref<8x128xf32, #tpu.memory_space<vmem>>
    %dma_start3A_54 = arith.constant 24 : i32
    %dma_start3A_55 = tpu.memref_slice %arg2[%dma_start3A_54, %multiple_of3A] : memref<32x1000000xf32, #tpu.memory_space<hbm>> -> memref<8x128xf32, #tpu.memory_space<hbm>>
    tpu.enqueue_dma source(%dma_start3A_55 : memref<8x128xf32, #tpu.memory_space<hbm>>) target(%dma_start3A_53 : memref<8x128xf32, #tpu.memory_space<vmem>>) target_semaphore(%arg9 : memref<!tpu.dma_semaphore, #tpu.memory_space<semaphore_mem>>)
    %slice3A_56 = vector.extract_strided_slice %get3A_3 {offsets = [1], sizes = [1], strides = [1]} : vector<16xi32> to vector<1xi32>
    %squeeze3A_57 = vector.extract %slice3A_56[0] : i32 from vector<1xi32>
    %and3A_58 = arith.constant -128 : i32
    %and3A_59 = arith.andi %squeeze3A_57, %and3A_58 : i32
    %multiple_of3A_60 = tpu.assume_multiple %and3A_59, 128 : i32
    %dma_start3A_61 = arith.constant 1 : i32
    %dma_start3A_62 = arith.constant 0 : i32
    %dma_start3A_63 = arith.constant 0 : i32
    %dma_start3A_64 = tpu.memref_slice %arg6[%dma_start3A_61, %dma_start3A_62, %dma_start3A_63] : memref<8x32x128xf32, #tpu.memory_space<vmem>> -> memref<1x8x128xf32, #tpu.memory_space<vmem>>
    %dma_start3A_65 = tpu.memref_squeeze %dma_start3A_64 : memref<1x8x128xf32, #tpu.memory_space<vmem>> -> memref<8x128xf32, #tpu.memory_space<vmem>>
    %dma_start3A_66 = arith.constant 0 : i32
    %dma_start3A_67 = tpu.memref_slice %arg2[%dma_start3A_66, %multiple_of3A_60] : memref<32x1000000xf32, #tpu.memory_space<hbm>> -> memref<8x128xf32, #tpu.memory_space<hbm>>
    %dma_start3A_68 = arith.constant 0 : i32
    %dma_start3A_69 = arith.constant 0 : i32
    %dma_start3A_70 = tpu.memref_slice %arg6[%dma_start3A_61, %dma_start3A_68, %dma_start3A_69] : memref<8x32x128xf32, #tpu.memory_space<vmem>> -> memref<1x8x128xf32, #tpu.memory_space<vmem>>
    %dma_start3A_71 = tpu.memref_squeeze %dma_start3A_70 : memref<1x8x128xf32, #tpu.memory_space<vmem>> -> memref<8x128xf32, #tpu.memory_space<vmem>>
    %dma_start3A_72 = arith.constant 0 : i32
    %dma_start3A_73 = tpu.memref_slice %arg2[%dma_start3A_72, %multiple_of3A_60] : memref<32x1000000xf32, #tpu.memory_space<hbm>> -> memref<8x128xf32, #tpu.memory_space<hbm>>
    tpu.enqueue_dma source(%dma_start3A_73 : memref<8x128xf32, #tpu.memory_space<hbm>>) target(%dma_start3A_71 : memref<8x128xf32, #tpu.memory_space<vmem>>) target_semaphore(%arg9 : memref<!tpu.dma_semaphore, #tpu.memory_space<semaphore_mem>>)
    %dma_start3A_74 = arith.constant 1 : i32
    %dma_start3A_75 = arith.constant 8 : i32
    %dma_start3A_76 = arith.constant 0 : i32
    %dma_start3A_77 = tpu.memref_slice %arg6[%dma_start3A_74, %dma_start3A_75, %dma_start3A_76] : memref<8x32x128xf32, #tpu.memory_space<vmem>> -> memref<1x8x128xf32, #tpu.memory_space<vmem>>
    %dma_start3A_78 = tpu.memref_squeeze %dma_start3A_77 : memref<1x8x128xf32, #tpu.memory_space<vmem>> -> memref<8x128xf32, #tpu.memory_space<vmem>>
    %dma_start3A_79 = arith.constant 8 : i32
    %dma_start3A_80 = tpu.memref_slice %arg2[%dma_start3A_79, %multiple_of3A_60] : memref<32x1000000xf32, #tpu.memory_space<hbm>> -> memref<8x128xf32, #tpu.memory_space<hbm>>
    %dma_start3A_81 = arith.constant 8 : i32
    %dma_start3A_82 = arith.constant 0 : i32
    %dma_start3A_83 = tpu.memref_slice %arg6[%dma_start3A_74, %dma_start3A_81, %dma_start3A_82] : memref<8x32x128xf32, #tpu.memory_space<vmem>> -> memref<1x8x128xf32, #tpu.memory_space<vmem>>
    %dma_start3A_84 = tpu.memref_squeeze %dma_start3A_83 : memref<1x8x128xf32, #tpu.memory_space<vmem>> -> memref<8x128xf32, #tpu.memory_space<vmem>>
    %dma_start3A_85 = arith.constant 8 : i32
    %dma_start3A_86 = tpu.memref_slice %arg2[%dma_start3A_85, %multiple_of3A_60] : memref<32x1000000xf32, #tpu.memory_space<hbm>> -> memref<8x128xf32, #tpu.memory_space<hbm>>
    tpu.enqueue_dma source(%dma_start3A_86 : memref<8x128xf32, #tpu.memory_space<hbm>>) target(%dma_start3A_84 : memref<8x128xf32, #tpu.memory_space<vmem>>) target_semaphore(%arg9 : memref<!tpu.dma_semaphore, #tpu.memory_space<semaphore_mem>>)
    %dma_start3A_87 = arith.constant 1 : i32
    %dma_start3A_88 = arith.constant 16 : i32
    %dma_start3A_89 = arith.constant 0 : i32
    %dma_start3A_90 = tpu.memref_slice %arg6[%dma_start3A_87, %dma_start3A_88, %dma_start3A_89] : memref<8x32x128xf32, #tpu.memory_space<vmem>> -> memref<1x8x128xf32, #tpu.memory_space<vmem>>
    %dma_start3A_91 = tpu.memref_squeeze %dma_start3A_90 : memref<1x8x128xf32, #tpu.memory_space<vmem>> -> memref<8x128xf32, #tpu.memory_space<vmem>>
    %dma_start3A_92 = arith.constant 16 : i32
    %dma_start3A_93 = tpu.memref_slice %arg2[%dma_start3A_92, %multiple_of3A_60] : memref<32x1000000xf32, #tpu.memory_space<hbm>> -> memref<8x128xf32, #tpu.memory_space<hbm>>
    %dma_start3A_94 = arith.constant 16 : i32
    %dma_start3A_95 = arith.constant 0 : i32
    %dma_start3A_96 = tpu.memref_slice %arg6[%dma_start3A_87, %dma_start3A_94, %dma_start3A_95] : memref<8x32x128xf32, #tpu.memory_space<vmem>> -> memref<1x8x128xf32, #tpu.memory_space<vmem>>
    %dma_start3A_97 = tpu.memref_squeeze %dma_start3A_96 : memref<1x8x128xf32, #tpu.memory_space<vmem>> -> memref<8x128xf32, #tpu.memory_space<vmem>>
    %dma_start3A_98 = arith.constant 16 : i32
    %dma_start3A_99 = tpu.memref_slice %arg2[%dma_start3A_98, %multiple_of3A_60] : memref<32x1000000xf32, #tpu.memory_space<hbm>> -> memref<8x128xf32, #tpu.memory_space<hbm>>
    tpu.enqueue_dma source(%dma_start3A_99 : memref<8x128xf32, #tpu.memory_space<hbm>>) target(%dma_start3A_97 : memref<8x128xf32, #tpu.memory_space<vmem>>) target_semaphore(%arg9 : memref<!tpu.dma_semaphore, #tpu.memory_space<semaphore_mem>>)
    %dma_start3A_100 = arith.constant 1 : i32
    %dma_start3A_101 = arith.constant 24 : i32
    %dma_start3A_102 = arith.constant 0 : i32
    %dma_start3A_103 = tpu.memref_slice %arg6[%dma_start3A_100, %dma_start3A_101, %dma_start3A_102] : memref<8x32x128xf32, #tpu.memory_space<vmem>> -> memref<1x8x128xf32, #tpu.memory_space<vmem>>
    %dma_start3A_104 = tpu.memref_squeeze %dma_start3A_103 : memref<1x8x128xf32, #tpu.memory_space<vmem>> -> memref<8x128xf32, #tpu.memory_space<vmem>>
    %dma_start3A_105 = arith.constant 24 : i32
    %dma_start3A_106 = tpu.memref_slice %arg2[%dma_start3A_105, %multiple_of3A_60] : memref<32x1000000xf32, #tpu.memory_space<hbm>> -> memref<8x128xf32, #tpu.memory_space<hbm>>
    %dma_start3A_107 = arith.constant 24 : i32
    %dma_start3A_108 = arith.constant 0 : i32
    %dma_start3A_109 = tpu.memref_slice %arg6[%dma_start3A_100, %dma_start3A_107, %dma_start3A_108] : memref<8x32x128xf32, #tpu.memory_space<vmem>> -> memref<1x8x128xf32, #tpu.memory_space<vmem>>
    %dma_start3A_110 = tpu.memref_squeeze %dma_start3A_109 : memref<1x8x128xf32, #tpu.memory_space<vmem>> -> memref<8x128xf32, #tpu.memory_space<vmem>>
    %dma_start3A_111 = arith.constant 24 : i32
    %dma_start3A_112 = tpu.memref_slice %arg2[%dma_start3A_111, %multiple_of3A_60] : memref<32x1000000xf32, #tpu.memory_space<hbm>> -> memref<8x128xf32, #tpu.memory_space<hbm>>
    tpu.enqueue_dma source(%dma_start3A_112 : memref<8x128xf32, #tpu.memory_space<hbm>>) target(%dma_start3A_110 : memref<8x128xf32, #tpu.memory_space<vmem>>) target_semaphore(%arg9 : memref<!tpu.dma_semaphore, #tpu.memory_space<semaphore_mem>>)
    %slice3A_113 = vector.extract_strided_slice %get3A_3 {offsets = [2], sizes = [1], strides = [1]} : vector<16xi32> to vector<1xi32>
    %squeeze3A_114 = vector.extract %slice3A_113[0] : i32 from vector<1xi32>
    %and3A_115 = arith.constant -128 : i32
    %and3A_116 = arith.andi %squeeze3A_114, %and3A_115 : i32
    %multiple_of3A_117 = tpu.assume_multiple %and3A_116, 128 : i32
    %dma_start3A_118 = arith.constant 2 : i32
    %dma_start3A_119 = arith.constant 0 : i32
    %dma_start3A_120 = arith.constant 0 : i32
    %dma_start3A_121 = tpu.memref_slice %arg6[%dma_start3A_118, %dma_start3A_119, %dma_start3A_120] : memref<8x32x128xf32, #tpu.memory_space<vmem>> -> memref<1x8x128xf32, #tpu.memory_space<vmem>>
    %dma_start3A_122 = tpu.memref_squeeze %dma_start3A_121 : memref<1x8x128xf32, #tpu.memory_space<vmem>> -> memref<8x128xf32, #tpu.memory_space<vmem>>
    %dma_start3A_123 = arith.constant 0 : i32
    %dma_start3A_124 = tpu.memref_slice %arg2[%dma_start3A_123, %multiple_of3A_117] : memref<32x1000000xf32, #tpu.memory_space<hbm>> -> memref<8x128xf32, #tpu.memory_space<hbm>>
    %dma_start3A_125 = arith.constant 0 : i32
    %dma_start3A_126 = arith.constant 0 : i32
    %dma_start3A_127 = tpu.memref_slice %arg6[%dma_start3A_118, %dma_start3A_125, %dma_start3A_126] : memref<8x32x128xf32, #tpu.memory_space<vmem>> -> memref<1x8x128xf32, #tpu.memory_space<vmem>>
    %dma_start3A_128 = tpu.memref_squeeze %dma_start3A_127 : memref<1x8x128xf32, #tpu.memory_space<vmem>> -> memref<8x128xf32, #tpu.memory_space<vmem>>
    %dma_start3A_129 = arith.constant 0 : i32
    %dma_start3A_130 = tpu.memref_slice %arg2[%dma_start3A_129, %multiple_of3A_117] : memref<32x1000000xf32, #tpu.memory_space<hbm>> -> memref<8x128xf32, #tpu.memory_space<hbm>>
    tpu.enqueue_dma source(%dma_start3A_130 : memref<8x128xf32, #tpu.memory_space<hbm>>) target(%dma_start3A_128 : memref<8x128xf32, #tpu.memory_space<vmem>>) target_semaphore(%arg9 : memref<!tpu.dma_semaphore, #tpu.memory_space<semaphore_mem>>)
    %dma_start3A_131 = arith.constant 2 : i32
    %dma_start3A_132 = arith.constant 8 : i32
    %dma_start3A_133 = arith.constant 0 : i32
    %dma_start3A_134 = tpu.memref_slice %arg6[%dma_start3A_131, %dma_start3A_132, %dma_start3A_133] : memref<8x32x128xf32, #tpu.memory_space<vmem>> -> memref<1x8x128xf32, #tpu.memory_space<vmem>>
    %dma_start3A_135 = tpu.memref_squeeze %dma_start3A_134 : memref<1x8x128xf32, #tpu.memory_space<vmem>> -> memref<8x128xf32, #tpu.memory_space<vmem>>
    %dma_start3A_136 = arith.constant 8 : i32
    %dma_start3A_137 = tpu.memref_slice %arg2[%dma_start3A_136, %multiple_of3A_117] : memref<32x1000000xf32, #tpu.memory_space<hbm>> -> memref<8x128xf32, #tpu.memory_space<hbm>>
    %dma_start3A_138 = arith.constant 8 : i32
    %dma_start3A_139 = arith.constant 0 : i32
    %dma_start3A_140 = tpu.memref_slice %arg6[%dma_start3A_131, %dma_start3A_138, %dma_start3A_139] : memref<8x32x128xf32, #tpu.memory_space<vmem>> -> memref<1x8x128xf32, #tpu.memory_space<vmem>>
    %dma_start3A_141 = tpu.memref_squeeze %dma_start3A_140 : memref<1x8x128xf32, #tpu.memory_space<vmem>> -> memref<8x128xf32, #tpu.memory_space<vmem>>
    %dma_start3A_142 = arith.constant 8 : i32
    %dma_start3A_143 = tpu.memref_slice %arg2[%dma_start3A_142, %multiple_of3A_117] : memref<32x1000000xf32, #tpu.memory_space<hbm>> -> memref<8x128xf32, #tpu.memory_space<hbm>>
    tpu.enqueue_dma source(%dma_start3A_143 : memref<8x128xf32, #tpu.memory_space<hbm>>) target(%dma_start3A_141 : memref<8x128xf32, #tpu.memory_space<vmem>>) target_semaphore(%arg9 : memref<!tpu.dma_semaphore, #tpu.memory_space<semaphore_mem>>)
    %dma_start3A_144 = arith.constant 2 : i32
    %dma_start3A_145 = arith.constant 16 : i32
    %dma_start3A_146 = arith.constant 0 : i32
    %dma_start3A_147 = tpu.memref_slice %arg6[%dma_start3A_144, %dma_start3A_145, %dma_start3A_146] : memref<8x32x128xf32, #tpu.memory_space<vmem>> -> memref<1x8x128xf32, #tpu.memory_space<vmem>>
    %dma_start3A_148 = tpu.memref_squeeze %dma_start3A_147 : memref<1x8x128xf32, #tpu.memory_space<vmem>> -> memref<8x128xf32, #tpu.memory_space<vmem>>
    %dma_start3A_149 = arith.constant 16 : i32
    %dma_start3A_150 = tpu.memref_slice %arg2[%dma_start3A_149, %multiple_of3A_117] : memref<32x1000000xf32, #tpu.memory_space<hbm>> -> memref<8x128xf32, #tpu.memory_space<hbm>>
    %dma_start3A_151 = arith.constant 16 : i32
    %dma_start3A_152 = arith.constant 0 : i32
    %dma_start3A_153 = tpu.memref_slice %arg6[%dma_start3A_144, %dma_start3A_151, %dma_start3A_152] : memref<8x32x128xf32, #tpu.memory_space<vmem>> -> memref<1x8x128xf32, #tpu.memory_space<vmem>>
    %dma_start3A_154 = tpu.memref_squeeze %dma_start3A_153 : memref<1x8x128xf32, #tpu.memory_space<vmem>> -> memref<8x128xf32, #tpu.memory_space<vmem>>
    %dma_start3A_155 = arith.constant 16 : i32
    %dma_start3A_156 = tpu.memref_slice %arg2[%dma_start3A_155, %multiple_of3A_117] : memref<32x1000000xf32, #tpu.memory_space<hbm>> -> memref<8x128xf32, #tpu.memory_space<hbm>>
    tpu.enqueue_dma source(%dma_start3A_156 : memref<8x128xf32, #tpu.memory_space<hbm>>) target(%dma_start3A_154 : memref<8x128xf32, #tpu.memory_space<vmem>>) target_semaphore(%arg9 : memref<!tpu.dma_semaphore, #tpu.memory_space<semaphore_mem>>)
    %dma_start3A_157 = arith.constant 2 : i32
    %dma_start3A_158 = arith.constant 24 : i32
    %dma_start3A_159 = arith.constant 0 : i32
    %dma_start3A_160 = tpu.memref_slice %arg6[%dma_start3A_157, %dma_start3A_158, %dma_start3A_159] : memref<8x32x128xf32, #tpu.memory_space<vmem>> -> memref<1x8x128xf32, #tpu.memory_space<vmem>>
    %dma_start3A_161 = tpu.memref_squeeze %dma_start3A_160 : memref<1x8x128xf32, #tpu.memory_space<vmem>> -> memref<8x128xf32, #tpu.memory_space<vmem>>
    %dma_start3A_162 = arith.constant 24 : i32
    %dma_start3A_163 = tpu.memref_slice %arg2[%dma_start3A_162, %multiple_of3A_117] : memref<32x1000000xf32, #tpu.memory_space<hbm>> -> memref<8x128xf32, #tpu.memory_space<hbm>>
    %dma_start3A_164 = arith.constant 24 : i32
    %dma_start3A_165 = arith.constant 0 : i32
    %dma_start3A_166 = tpu.memref_slice %arg6[%dma_start3A_157, %dma_start3A_164, %dma_start3A_165] : memref<8x32x128xf32, #tpu.memory_space<vmem>> -> memref<1x8x128xf32, #tpu.memory_space<vmem>>
    %dma_start3A_167 = tpu.memref_squeeze %dma_start3A_166 : memref<1x8x128xf32, #tpu.memory_space<vmem>> -> memref<8x128xf32, #tpu.memory_space<vmem>>
    %dma_start3A_168 = arith.constant 24 : i32
    %dma_start3A_169 = tpu.memref_slice %arg2[%dma_start3A_168, %multiple_of3A_117] : memref<32x1000000xf32, #tpu.memory_space<hbm>> -> memref<8x128xf32, #tpu.memory_space<hbm>>
    tpu.enqueue_dma source(%dma_start3A_169 : memref<8x128xf32, #tpu.memory_space<hbm>>) target(%dma_start3A_167 : memref<8x128xf32, #tpu.memory_space<vmem>>) target_semaphore(%arg9 : memref<!tpu.dma_semaphore, #tpu.memory_space<semaphore_mem>>)
    %slice3A_170 = vector.extract_strided_slice %get3A_3 {offsets = [3], sizes = [1], strides = [1]} : vector<16xi32> to vector<1xi32>
    %squeeze3A_171 = vector.extract %slice3A_170[0] : i32 from vector<1xi32>
    %and3A_172 = arith.constant -128 : i32
    %and3A_173 = arith.andi %squeeze3A_171, %and3A_172 : i32
    %multiple_of3A_174 = tpu.assume_multiple %and3A_173, 128 : i32
    %dma_start3A_175 = arith.constant 3 : i32
    %dma_start3A_176 = arith.constant 0 : i32
    %dma_start3A_177 = arith.constant 0 : i32
    %dma_start3A_178 = tpu.memref_slice %arg6[%dma_start3A_175, %dma_start3A_176, %dma_start3A_177] : memref<8x32x128xf32, #tpu.memory_space<vmem>> -> memref<1x8x128xf32, #tpu.memory_space<vmem>>
    %dma_start3A_179 = tpu.memref_squeeze %dma_start3A_178 : memref<1x8x128xf32, #tpu.memory_space<vmem>> -> memref<8x128xf32, #tpu.memory_space<vmem>>
    %dma_start3A_180 = arith.constant 0 : i32
    %dma_start3A_181 = tpu.memref_slice %arg2[%dma_start3A_180, %multiple_of3A_174] : memref<32x1000000xf32, #tpu.memory_space<hbm>> -> memref<8x128xf32, #tpu.memory_space<hbm>>
    %dma_start3A_182 = arith.constant 0 : i32
    %dma_start3A_183 = arith.constant 0 : i32
    %dma_start3A_184 = tpu.memref_slice %arg6[%dma_start3A_175, %dma_start3A_182, %dma_start3A_183] : memref<8x32x128xf32, #tpu.memory_space<vmem>> -> memref<1x8x128xf32, #tpu.memory_space<vmem>>
    %dma_start3A_185 = tpu.memref_squeeze %dma_start3A_184 : memref<1x8x128xf32, #tpu.memory_space<vmem>> -> memref<8x128xf32, #tpu.memory_space<vmem>>
    %dma_start3A_186 = arith.constant 0 : i32
    %dma_start3A_187 = tpu.memref_slice %arg2[%dma_start3A_186, %multiple_of3A_174] : memref<32x1000000xf32, #tpu.memory_space<hbm>> -> memref<8x128xf32, #tpu.memory_space<hbm>>
    tpu.enqueue_dma source(%dma_start3A_187 : memref<8x128xf32, #tpu.memory_space<hbm>>) target(%dma_start3A_185 : memref<8x128xf32, #tpu.memory_space<vmem>>) target_semaphore(%arg9 : memref<!tpu.dma_semaphore, #tpu.memory_space<semaphore_mem>>)
    %dma_start3A_188 = arith.constant 3 : i32
    %dma_start3A_189 = arith.constant 8 : i32
    %dma_start3A_190 = arith.constant 0 : i32
    %dma_start3A_191 = tpu.memref_slice %arg6[%dma_start3A_188, %dma_start3A_189, %dma_start3A_190] : memref<8x32x128xf32, #tpu.memory_space<vmem>> -> memref<1x8x128xf32, #tpu.memory_space<vmem>>
    %dma_start3A_192 = tpu.memref_squeeze %dma_start3A_191 : memref<1x8x128xf32, #tpu.memory_space<vmem>> -> memref<8x128xf32, #tpu.memory_space<vmem>>
    %dma_start3A_193 = arith.constant 8 : i32
    %dma_start3A_194 = tpu.memref_slice %arg2[%dma_start3A_193, %multiple_of3A_174] : memref<32x1000000xf32, #tpu.memory_space<hbm>> -> memref<8x128xf32, #tpu.memory_space<hbm>>
    %dma_start3A_195 = arith.constant 8 : i32
    %dma_start3A_196 = arith.constant 0 : i32
    %dma_start3A_197 = tpu.memref_slice %arg6[%dma_start3A_188, %dma_start3A_195, %dma_start3A_196] : memref<8x32x128xf32, #tpu.memory_space<vmem>> -> memref<1x8x128xf32, #tpu.memory_space<vmem>>
    %dma_start3A_198 = tpu.memref_squeeze %dma_start3A_197 : memref<1x8x128xf32, #tpu.memory_space<vmem>> -> memref<8x128xf32, #tpu.memory_space<vmem>>
    %dma_start3A_199 = arith.constant 8 : i32
    %dma_start3A_200 = tpu.memref_slice %arg2[%dma_start3A_199, %multiple_of3A_174] : memref<32x1000000xf32, #tpu.memory_space<hbm>> -> memref<8x128xf32, #tpu.memory_space<hbm>>
    tpu.enqueue_dma source(%dma_start3A_200 : memref<8x128xf32, #tpu.memory_space<hbm>>) target(%dma_start3A_198 : memref<8x128xf32, #tpu.memory_space<vmem>>) target_semaphore(%arg9 : memref<!tpu.dma_semaphore, #tpu.memory_space<semaphore_mem>>)
    %dma_start3A_201 = arith.constant 3 : i32
    %dma_start3A_202 = arith.constant 16 : i32
    %dma_start3A_203 = arith.constant 0 : i32
    %dma_start3A_204 = tpu.memref_slice %arg6[%dma_start3A_201, %dma_start3A_202, %dma_start3A_203] : memref<8x32x128xf32, #tpu.memory_space<vmem>> -> memref<1x8x128xf32, #tpu.memory_space<vmem>>
    %dma_start3A_205 = tpu.memref_squeeze %dma_start3A_204 : memref<1x8x128xf32, #tpu.memory_space<vmem>> -> memref<8x128xf32, #tpu.memory_space<vmem>>
    %dma_start3A_206 = arith.constant 16 : i32
    %dma_start3A_207 = tpu.memref_slice %arg2[%dma_start3A_206, %multiple_of3A_174] : memref<32x1000000xf32, #tpu.memory_space<hbm>> -> memref<8x128xf32, #tpu.memory_space<hbm>>
    %dma_start3A_208 = arith.constant 16 : i32
    %dma_start3A_209 = arith.constant 0 : i32
    %dma_start3A_210 = tpu.memref_slice %arg6[%dma_start3A_201, %dma_start3A_208, %dma_start3A_209] : memref<8x32x128xf32, #tpu.memory_space<vmem>> -> memref<1x8x128xf32, #tpu.memory_space<vmem>>
    %dma_start3A_211 = tpu.memref_squeeze %dma_start3A_210 : memref<1x8x128xf32, #tpu.memory_space<vmem>> -> memref<8x128xf32, #tpu.memory_space<vmem>>
    %dma_start3A_212 = arith.constant 16 : i32
    %dma_start3A_213 = tpu.memref_slice %arg2[%dma_start3A_212, %multiple_of3A_174] : memref<32x1000000xf32, #tpu.memory_space<hbm>> -> memref<8x128xf32, #tpu.memory_space<hbm>>
    tpu.enqueue_dma source(%dma_start3A_213 : memref<8x128xf32, #tpu.memory_space<hbm>>) target(%dma_start3A_211 : memref<8x128xf32, #tpu.memory_space<vmem>>) target_semaphore(%arg9 : memref<!tpu.dma_semaphore, #tpu.memory_space<semaphore_mem>>)
    %dma_start3A_214 = arith.constant 3 : i32
    %dma_start3A_215 = arith.constant 24 : i32
    %dma_start3A_216 = arith.constant 0 : i32
    %dma_start3A_217 = tpu.memref_slice %arg6[%dma_start3A_214, %dma_start3A_215, %dma_start3A_216] : memref<8x32x128xf32, #tpu.memory_space<vmem>> -> memref<1x8x128xf32, #tpu.memory_space<vmem>>
    %dma_start3A_218 = tpu.memref_squeeze %dma_start3A_217 : memref<1x8x128xf32, #tpu.memory_space<vmem>> -> memref<8x128xf32, #tpu.memory_space<vmem>>
    %dma_start3A_219 = arith.constant 24 : i32
    %dma_start3A_220 = tpu.memref_slice %arg2[%dma_start3A_219, %multiple_of3A_174] : memref<32x1000000xf32, #tpu.memory_space<hbm>> -> memref<8x128xf32, #tpu.memory_space<hbm>>
    %dma_start3A_221 = arith.constant 24 : i32
    %dma_start3A_222 = arith.constant 0 : i32
    %dma_start3A_223 = tpu.memref_slice %arg6[%dma_start3A_214, %dma_start3A_221, %dma_start3A_222] : memref<8x32x128xf32, #tpu.memory_space<vmem>> -> memref<1x8x128xf32, #tpu.memory_space<vmem>>
    %dma_start3A_224 = tpu.memref_squeeze %dma_start3A_223 : memref<1x8x128xf32, #tpu.memory_space<vmem>> -> memref<8x128xf32, #tpu.memory_space<vmem>>
    %dma_start3A_225 = arith.constant 24 : i32
    %dma_start3A_226 = tpu.memref_slice %arg2[%dma_start3A_225, %multiple_of3A_174] : memref<32x1000000xf32, #tpu.memory_space<hbm>> -> memref<8x128xf32, #tpu.memory_space<hbm>>
    tpu.enqueue_dma source(%dma_start3A_226 : memref<8x128xf32, #tpu.memory_space<hbm>>) target(%dma_start3A_224 : memref<8x128xf32, #tpu.memory_space<vmem>>) target_semaphore(%arg9 : memref<!tpu.dma_semaphore, #tpu.memory_space<semaphore_mem>>)
    %slice3A_227 = vector.extract_strided_slice %get3A_3 {offsets = [4], sizes = [1], strides = [1]} : vector<16xi32> to vector<1xi32>
    %squeeze3A_228 = vector.extract %slice3A_227[0] : i32 from vector<1xi32>
    %and3A_229 = arith.constant -128 : i32
    %and3A_230 = arith.andi %squeeze3A_228, %and3A_229 : i32
    %multiple_of3A_231 = tpu.assume_multiple %and3A_230, 128 : i32
    %dma_start3A_232 = arith.constant 4 : i32
    %dma_start3A_233 = arith.constant 0 : i32
    %dma_start3A_234 = arith.constant 0 : i32
    %dma_start3A_235 = tpu.memref_slice %arg6[%dma_start3A_232, %dma_start3A_233, %dma_start3A_234] : memref<8x32x128xf32, #tpu.memory_space<vmem>> -> memref<1x8x128xf32, #tpu.memory_space<vmem>>
    %dma_start3A_236 = tpu.memref_squeeze %dma_start3A_235 : memref<1x8x128xf32, #tpu.memory_space<vmem>> -> memref<8x128xf32, #tpu.memory_space<vmem>>
    %dma_start3A_237 = arith.constant 0 : i32
    %dma_start3A_238 = tpu.memref_slice %arg2[%dma_start3A_237, %multiple_of3A_231] : memref<32x1000000xf32, #tpu.memory_space<hbm>> -> memref<8x128xf32, #tpu.memory_space<hbm>>
    %dma_start3A_239 = arith.constant 0 : i32
    %dma_start3A_240 = arith.constant 0 : i32
    %dma_start3A_241 = tpu.memref_slice %arg6[%dma_start3A_232, %dma_start3A_239, %dma_start3A_240] : memref<8x32x128xf32, #tpu.memory_space<vmem>> -> memref<1x8x128xf32, #tpu.memory_space<vmem>>
    %dma_start3A_242 = tpu.memref_squeeze %dma_start3A_241 : memref<1x8x128xf32, #tpu.memory_space<vmem>> -> memref<8x128xf32, #tpu.memory_space<vmem>>
    %dma_start3A_243 = arith.constant 0 : i32
    %dma_start3A_244 = tpu.memref_slice %arg2[%dma_start3A_243, %multiple_of3A_231] : memref<32x1000000xf32, #tpu.memory_space<hbm>> -> memref<8x128xf32, #tpu.memory_space<hbm>>
    tpu.enqueue_dma source(%dma_start3A_244 : memref<8x128xf32, #tpu.memory_space<hbm>>) target(%dma_start3A_242 : memref<8x128xf32, #tpu.memory_space<vmem>>) target_semaphore(%arg9 : memref<!tpu.dma_semaphore, #tpu.memory_space<semaphore_mem>>)
    %dma_start3A_245 = arith.constant 4 : i32
    %dma_start3A_246 = arith.constant 8 : i32
    %dma_start3A_247 = arith.constant 0 : i32
    %dma_start3A_248 = tpu.memref_slice %arg6[%dma_start3A_245, %dma_start3A_246, %dma_start3A_247] : memref<8x32x128xf32, #tpu.memory_space<vmem>> -> memref<1x8x128xf32, #tpu.memory_space<vmem>>
    %dma_start3A_249 = tpu.memref_squeeze %dma_start3A_248 : memref<1x8x128xf32, #tpu.memory_space<vmem>> -> memref<8x128xf32, #tpu.memory_space<vmem>>
    %dma_start3A_250 = arith.constant 8 : i32
    %dma_start3A_251 = tpu.memref_slice %arg2[%dma_start3A_250, %multiple_of3A_231] : memref<32x1000000xf32, #tpu.memory_space<hbm>> -> memref<8x128xf32, #tpu.memory_space<hbm>>
    %dma_start3A_252 = arith.constant 8 : i32
    %dma_start3A_253 = arith.constant 0 : i32
    %dma_start3A_254 = tpu.memref_slice %arg6[%dma_start3A_245, %dma_start3A_252, %dma_start3A_253] : memref<8x32x128xf32, #tpu.memory_space<vmem>> -> memref<1x8x128xf32, #tpu.memory_space<vmem>>
    %dma_start3A_255 = tpu.memref_squeeze %dma_start3A_254 : memref<1x8x128xf32, #tpu.memory_space<vmem>> -> memref<8x128xf32, #tpu.memory_space<vmem>>
    %dma_start3A_256 = arith.constant 8 : i32
    %dma_start3A_257 = tpu.memref_slice %arg2[%dma_start3A_256, %multiple_of3A_231] : memref<32x1000000xf32, #tpu.memory_space<hbm>> -> memref<8x128xf32, #tpu.memory_space<hbm>>
    tpu.enqueue_dma source(%dma_start3A_257 : memref<8x128xf32, #tpu.memory_space<hbm>>) target(%dma_start3A_255 : memref<8x128xf32, #tpu.memory_space<vmem>>) target_semaphore(%arg9 : memref<!tpu.dma_semaphore, #tpu.memory_space<semaphore_mem>>)
    %dma_start3A_258 = arith.constant 4 : i32
    %dma_start3A_259 = arith.constant 16 : i32
    %dma_start3A_260 = arith.constant 0 : i32
    %dma_start3A_261 = tpu.memref_slice %arg6[%dma_start3A_258, %dma_start3A_259, %dma_start3A_260] : memref<8x32x128xf32, #tpu.memory_space<vmem>> -> memref<1x8x128xf32, #tpu.memory_space<vmem>>
    %dma_start3A_262 = tpu.memref_squeeze %dma_start3A_261 : memref<1x8x128xf32, #tpu.memory_space<vmem>> -> memref<8x128xf32, #tpu.memory_space<vmem>>
    %dma_start3A_263 = arith.constant 16 : i32
    %dma_start3A_264 = tpu.memref_slice %arg2[%dma_start3A_263, %multiple_of3A_231] : memref<32x1000000xf32, #tpu.memory_space<hbm>> -> memref<8x128xf32, #tpu.memory_space<hbm>>
    %dma_start3A_265 = arith.constant 16 : i32
    %dma_start3A_266 = arith.constant 0 : i32
    %dma_start3A_267 = tpu.memref_slice %arg6[%dma_start3A_258, %dma_start3A_265, %dma_start3A_266] : memref<8x32x128xf32, #tpu.memory_space<vmem>> -> memref<1x8x128xf32, #tpu.memory_space<vmem>>
    %dma_start3A_268 = tpu.memref_squeeze %dma_start3A_267 : memref<1x8x128xf32, #tpu.memory_space<vmem>> -> memref<8x128xf32, #tpu.memory_space<vmem>>
    %dma_start3A_269 = arith.constant 16 : i32
    %dma_start3A_270 = tpu.memref_slice %arg2[%dma_start3A_269, %multiple_of3A_231] : memref<32x1000000xf32, #tpu.memory_space<hbm>> -> memref<8x128xf32, #tpu.memory_space<hbm>>
    tpu.enqueue_dma source(%dma_start3A_270 : memref<8x128xf32, #tpu.memory_space<hbm>>) target(%dma_start3A_268 : memref<8x128xf32, #tpu.memory_space<vmem>>) target_semaphore(%arg9 : memref<!tpu.dma_semaphore, #tpu.memory_space<semaphore_mem>>)
    %dma_start3A_271 = arith.constant 4 : i32
    %dma_start3A_272 = arith.constant 24 : i32
    %dma_start3A_273 = arith.constant 0 : i32
    %dma_start3A_274 = tpu.memref_slice %arg6[%dma_start3A_271, %dma_start3A_272, %dma_start3A_273] : memref<8x32x128xf32, #tpu.memory_space<vmem>> -> memref<1x8x128xf32, #tpu.memory_space<vmem>>
    %dma_start3A_275 = tpu.memref_squeeze %dma_start3A_274 : memref<1x8x128xf32, #tpu.memory_space<vmem>> -> memref<8x128xf32, #tpu.memory_space<vmem>>
    %dma_start3A_276 = arith.constant 24 : i32
    %dma_start3A_277 = tpu.memref_slice %arg2[%dma_start3A_276, %multiple_of3A_231] : memref<32x1000000xf32, #tpu.memory_space<hbm>> -> memref<8x128xf32, #tpu.memory_space<hbm>>
    %dma_start3A_278 = arith.constant 24 : i32
    %dma_start3A_279 = arith.constant 0 : i32
    %dma_start3A_280 = tpu.memref_slice %arg6[%dma_start3A_271, %dma_start3A_278, %dma_start3A_279] : memref<8x32x128xf32, #tpu.memory_space<vmem>> -> memref<1x8x128xf32, #tpu.memory_space<vmem>>
    %dma_start3A_281 = tpu.memref_squeeze %dma_start3A_280 : memref<1x8x128xf32, #tpu.memory_space<vmem>> -> memref<8x128xf32, #tpu.memory_space<vmem>>
    %dma_start3A_282 = arith.constant 24 : i32
    %dma_start3A_283 = tpu.memref_slice %arg2[%dma_start3A_282, %multiple_of3A_231] : memref<32x1000000xf32, #tpu.memory_space<hbm>> -> memref<8x128xf32, #tpu.memory_space<hbm>>
    tpu.enqueue_dma source(%dma_start3A_283 : memref<8x128xf32, #tpu.memory_space<hbm>>) target(%dma_start3A_281 : memref<8x128xf32, #tpu.memory_space<vmem>>) target_semaphore(%arg9 : memref<!tpu.dma_semaphore, #tpu.memory_space<semaphore_mem>>)
    %slice3A_284 = vector.extract_strided_slice %get3A_3 {offsets = [5], sizes = [1], strides = [1]} : vector<16xi32> to vector<1xi32>
    %squeeze3A_285 = vector.extract %slice3A_284[0] : i32 from vector<1xi32>
    %and3A_286 = arith.constant -128 : i32
    %and3A_287 = arith.andi %squeeze3A_285, %and3A_286 : i32
    %multiple_of3A_288 = tpu.assume_multiple %and3A_287, 128 : i32
    %dma_start3A_289 = arith.constant 5 : i32
    %dma_start3A_290 = arith.constant 0 : i32
    %dma_start3A_291 = arith.constant 0 : i32
    %dma_start3A_292 = tpu.memref_slice %arg6[%dma_start3A_289, %dma_start3A_290, %dma_start3A_291] : memref<8x32x128xf32, #tpu.memory_space<vmem>> -> memref<1x8x128xf32, #tpu.memory_space<vmem>>
    %dma_start3A_293 = tpu.memref_squeeze %dma_start3A_292 : memref<1x8x128xf32, #tpu.memory_space<vmem>> -> memref<8x128xf32, #tpu.memory_space<vmem>>
    %dma_start3A_294 = arith.constant 0 : i32
    %dma_start3A_295 = tpu.memref_slice %arg2[%dma_start3A_294, %multiple_of3A_288] : memref<32x1000000xf32, #tpu.memory_space<hbm>> -> memref<8x128xf32, #tpu.memory_space<hbm>>
    %dma_start3A_296 = arith.constant 0 : i32
    %dma_start3A_297 = arith.constant 0 : i32
    %dma_start3A_298 = tpu.memref_slice %arg6[%dma_start3A_289, %dma_start3A_296, %dma_start3A_297] : memref<8x32x128xf32, #tpu.memory_space<vmem>> -> memref<1x8x128xf32, #tpu.memory_space<vmem>>
    %dma_start3A_299 = tpu.memref_squeeze %dma_start3A_298 : memref<1x8x128xf32, #tpu.memory_space<vmem>> -> memref<8x128xf32, #tpu.memory_space<vmem>>
    %dma_start3A_300 = arith.constant 0 : i32
    %dma_start3A_301 = tpu.memref_slice %arg2[%dma_start3A_300, %multiple_of3A_288] : memref<32x1000000xf32, #tpu.memory_space<hbm>> -> memref<8x128xf32, #tpu.memory_space<hbm>>
    tpu.enqueue_dma source(%dma_start3A_301 : memref<8x128xf32, #tpu.memory_space<hbm>>) target(%dma_start3A_299 : memref<8x128xf32, #tpu.memory_space<vmem>>) target_semaphore(%arg9 : memref<!tpu.dma_semaphore, #tpu.memory_space<semaphore_mem>>)
    %dma_start3A_302 = arith.constant 5 : i32
    %dma_start3A_303 = arith.constant 8 : i32
    %dma_start3A_304 = arith.constant 0 : i32
    %dma_start3A_305 = tpu.memref_slice %arg6[%dma_start3A_302, %dma_start3A_303, %dma_start3A_304] : memref<8x32x128xf32, #tpu.memory_space<vmem>> -> memref<1x8x128xf32, #tpu.memory_space<vmem>>
    %dma_start3A_306 = tpu.memref_squeeze %dma_start3A_305 : memref<1x8x128xf32, #tpu.memory_space<vmem>> -> memref<8x128xf32, #tpu.memory_space<vmem>>
    %dma_start3A_307 = arith.constant 8 : i32
    %dma_start3A_308 = tpu.memref_slice %arg2[%dma_start3A_307, %multiple_of3A_288] : memref<32x1000000xf32, #tpu.memory_space<hbm>> -> memref<8x128xf32, #tpu.memory_space<hbm>>
    %dma_start3A_309 = arith.constant 8 : i32
    %dma_start3A_310 = arith.constant 0 : i32
    %dma_start3A_311 = tpu.memref_slice %arg6[%dma_start3A_302, %dma_start3A_309, %dma_start3A_310] : memref<8x32x128xf32, #tpu.memory_space<vmem>> -> memref<1x8x128xf32, #tpu.memory_space<vmem>>
    %dma_start3A_312 = tpu.memref_squeeze %dma_start3A_311 : memref<1x8x128xf32, #tpu.memory_space<vmem>> -> memref<8x128xf32, #tpu.memory_space<vmem>>
    %dma_start3A_313 = arith.constant 8 : i32
    %dma_start3A_314 = tpu.memref_slice %arg2[%dma_start3A_313, %multiple_of3A_288] : memref<32x1000000xf32, #tpu.memory_space<hbm>> -> memref<8x128xf32, #tpu.memory_space<hbm>>
    tpu.enqueue_dma source(%dma_start3A_314 : memref<8x128xf32, #tpu.memory_space<hbm>>) target(%dma_start3A_312 : memref<8x128xf32, #tpu.memory_space<vmem>>) target_semaphore(%arg9 : memref<!tpu.dma_semaphore, #tpu.memory_space<semaphore_mem>>)
    %dma_start3A_315 = arith.constant 5 : i32
    %dma_start3A_316 = arith.constant 16 : i32
    %dma_start3A_317 = arith.constant 0 : i32
    %dma_start3A_318 = tpu.memref_slice %arg6[%dma_start3A_315, %dma_start3A_316, %dma_start3A_317] : memref<8x32x128xf32, #tpu.memory_space<vmem>> -> memref<1x8x128xf32, #tpu.memory_space<vmem>>
    %dma_start3A_319 = tpu.memref_squeeze %dma_start3A_318 : memref<1x8x128xf32, #tpu.memory_space<vmem>> -> memref<8x128xf32, #tpu.memory_space<vmem>>
    %dma_start3A_320 = arith.constant 16 : i32
    %dma_start3A_321 = tpu.memref_slice %arg2[%dma_start3A_320, %multiple_of3A_288] : memref<32x1000000xf32, #tpu.memory_space<hbm>> -> memref<8x128xf32, #tpu.memory_space<hbm>>
    %dma_start3A_322 = arith.constant 16 : i32
    %dma_start3A_323 = arith.constant 0 : i32
    %dma_start3A_324 = tpu.memref_slice %arg6[%dma_start3A_315, %dma_start3A_322, %dma_start3A_323] : memref<8x32x128xf32, #tpu.memory_space<vmem>> -> memref<1x8x128xf32, #tpu.memory_space<vmem>>
    %dma_start3A_325 = tpu.memref_squeeze %dma_start3A_324 : memref<1x8x128xf32, #tpu.memory_space<vmem>> -> memref<8x128xf32, #tpu.memory_space<vmem>>
    %dma_start3A_326 = arith.constant 16 : i32
    %dma_start3A_327 = tpu.memref_slice %arg2[%dma_start3A_326, %multiple_of3A_288] : memref<32x1000000xf32, #tpu.memory_space<hbm>> -> memref<8x128xf32, #tpu.memory_space<hbm>>
    tpu.enqueue_dma source(%dma_start3A_327 : memref<8x128xf32, #tpu.memory_space<hbm>>) target(%dma_start3A_325 : memref<8x128xf32, #tpu.memory_space<vmem>>) target_semaphore(%arg9 : memref<!tpu.dma_semaphore, #tpu.memory_space<semaphore_mem>>)
    %dma_start3A_328 = arith.constant 5 : i32
    %dma_start3A_329 = arith.constant 24 : i32
    %dma_start3A_330 = arith.constant 0 : i32
    %dma_start3A_331 = tpu.memref_slice %arg6[%dma_start3A_328, %dma_start3A_329, %dma_start3A_330] : memref<8x32x128xf32, #tpu.memory_space<vmem>> -> memref<1x8x128xf32, #tpu.memory_space<vmem>>
    %dma_start3A_332 = tpu.memref_squeeze %dma_start3A_331 : memref<1x8x128xf32, #tpu.memory_space<vmem>> -> memref<8x128xf32, #tpu.memory_space<vmem>>
    %dma_start3A_333 = arith.constant 24 : i32
    %dma_start3A_334 = tpu.memref_slice %arg2[%dma_start3A_333, %multiple_of3A_288] : memref<32x1000000xf32, #tpu.memory_space<hbm>> -> memref<8x128xf32, #tpu.memory_space<hbm>>
    %dma_start3A_335 = arith.constant 24 : i32
    %dma_start3A_336 = arith.constant 0 : i32
    %dma_start3A_337 = tpu.memref_slice %arg6[%dma_start3A_328, %dma_start3A_335, %dma_start3A_336] : memref<8x32x128xf32, #tpu.memory_space<vmem>> -> memref<1x8x128xf32, #tpu.memory_space<vmem>>
    %dma_start3A_338 = tpu.memref_squeeze %dma_start3A_337 : memref<1x8x128xf32, #tpu.memory_space<vmem>> -> memref<8x128xf32, #tpu.memory_space<vmem>>
    %dma_start3A_339 = arith.constant 24 : i32
    %dma_start3A_340 = tpu.memref_slice %arg2[%dma_start3A_339, %multiple_of3A_288] : memref<32x1000000xf32, #tpu.memory_space<hbm>> -> memref<8x128xf32, #tpu.memory_space<hbm>>
    tpu.enqueue_dma source(%dma_start3A_340 : memref<8x128xf32, #tpu.memory_space<hbm>>) target(%dma_start3A_338 : memref<8x128xf32, #tpu.memory_space<vmem>>) target_semaphore(%arg9 : memref<!tpu.dma_semaphore, #tpu.memory_space<semaphore_mem>>)
    %slice3A_341 = vector.extract_strided_slice %get3A_3 {offsets = [6], sizes = [1], strides = [1]} : vector<16xi32> to vector<1xi32>
    %squeeze3A_342 = vector.extract %slice3A_341[0] : i32 from vector<1xi32>
    %and3A_343 = arith.constant -128 : i32
    %and3A_344 = arith.andi %squeeze3A_342, %and3A_343 : i32
    %multiple_of3A_345 = tpu.assume_multiple %and3A_344, 128 : i32
    %dma_start3A_346 = arith.constant 6 : i32
    %dma_start3A_347 = arith.constant 0 : i32
    %dma_start3A_348 = arith.constant 0 : i32
    %dma_start3A_349 = tpu.memref_slice %arg6[%dma_start3A_346, %dma_start3A_347, %dma_start3A_348] : memref<8x32x128xf32, #tpu.memory_space<vmem>> -> memref<1x8x128xf32, #tpu.memory_space<vmem>>
    %dma_start3A_350 = tpu.memref_squeeze %dma_start3A_349 : memref<1x8x128xf32, #tpu.memory_space<vmem>> -> memref<8x128xf32, #tpu.memory_space<vmem>>
    %dma_start3A_351 = arith.constant 0 : i32
    %dma_start3A_352 = tpu.memref_slice %arg2[%dma_start3A_351, %multiple_of3A_345] : memref<32x1000000xf32, #tpu.memory_space<hbm>> -> memref<8x128xf32, #tpu.memory_space<hbm>>
    %dma_start3A_353 = arith.constant 0 : i32
    %dma_start3A_354 = arith.constant 0 : i32
    %dma_start3A_355 = tpu.memref_slice %arg6[%dma_start3A_346, %dma_start3A_353, %dma_start3A_354] : memref<8x32x128xf32, #tpu.memory_space<vmem>> -> memref<1x8x128xf32, #tpu.memory_space<vmem>>
    %dma_start3A_356 = tpu.memref_squeeze %dma_start3A_355 : memref<1x8x128xf32, #tpu.memory_space<vmem>> -> memref<8x128xf32, #tpu.memory_space<vmem>>
    %dma_start3A_357 = arith.constant 0 : i32
    %dma_start3A_358 = tpu.memref_slice %arg2[%dma_start3A_357, %multiple_of3A_345] : memref<32x1000000xf32, #tpu.memory_space<hbm>> -> memref<8x128xf32, #tpu.memory_space<hbm>>
    tpu.enqueue_dma source(%dma_start3A_358 : memref<8x128xf32, #tpu.memory_space<hbm>>) target(%dma_start3A_356 : memref<8x128xf32, #tpu.memory_space<vmem>>) target_semaphore(%arg9 : memref<!tpu.dma_semaphore, #tpu.memory_space<semaphore_mem>>)
    %dma_start3A_359 = arith.constant 6 : i32
    %dma_start3A_360 = arith.constant 8 : i32
    %dma_start3A_361 = arith.constant 0 : i32
    %dma_start3A_362 = tpu.memref_slice %arg6[%dma_start3A_359, %dma_start3A_360, %dma_start3A_361] : memref<8x32x128xf32, #tpu.memory_space<vmem>> -> memref<1x8x128xf32, #tpu.memory_space<vmem>>
    %dma_start3A_363 = tpu.memref_squeeze %dma_start3A_362 : memref<1x8x128xf32, #tpu.memory_space<vmem>> -> memref<8x128xf32, #tpu.memory_space<vmem>>
    %dma_start3A_364 = arith.constant 8 : i32
    %dma_start3A_365 = tpu.memref_slice %arg2[%dma_start3A_364, %multiple_of3A_345] : memref<32x1000000xf32, #tpu.memory_space<hbm>> -> memref<8x128xf32, #tpu.memory_space<hbm>>
    %dma_start3A_366 = arith.constant 8 : i32
    %dma_start3A_367 = arith.constant 0 : i32
    %dma_start3A_368 = tpu.memref_slice %arg6[%dma_start3A_359, %dma_start3A_366, %dma_start3A_367] : memref<8x32x128xf32, #tpu.memory_space<vmem>> -> memref<1x8x128xf32, #tpu.memory_space<vmem>>
    %dma_start3A_369 = tpu.memref_squeeze %dma_start3A_368 : memref<1x8x128xf32, #tpu.memory_space<vmem>> -> memref<8x128xf32, #tpu.memory_space<vmem>>
    %dma_start3A_370 = arith.constant 8 : i32
    %dma_start3A_371 = tpu.memref_slice %arg2[%dma_start3A_370, %multiple_of3A_345] : memref<32x1000000xf32, #tpu.memory_space<hbm>> -> memref<8x128xf32, #tpu.memory_space<hbm>>
    tpu.enqueue_dma source(%dma_start3A_371 : memref<8x128xf32, #tpu.memory_space<hbm>>) target(%dma_start3A_369 : memref<8x128xf32, #tpu.memory_space<vmem>>) target_semaphore(%arg9 : memref<!tpu.dma_semaphore, #tpu.memory_space<semaphore_mem>>)
    %dma_start3A_372 = arith.constant 6 : i32
    %dma_start3A_373 = arith.constant 16 : i32
    %dma_start3A_374 = arith.constant 0 : i32
    %dma_start3A_375 = tpu.memref_slice %arg6[%dma_start3A_372, %dma_start3A_373, %dma_start3A_374] : memref<8x32x128xf32, #tpu.memory_space<vmem>> -> memref<1x8x128xf32, #tpu.memory_space<vmem>>
    %dma_start3A_376 = tpu.memref_squeeze %dma_start3A_375 : memref<1x8x128xf32, #tpu.memory_space<vmem>> -> memref<8x128xf32, #tpu.memory_space<vmem>>
    %dma_start3A_377 = arith.constant 16 : i32
    %dma_start3A_378 = tpu.memref_slice %arg2[%dma_start3A_377, %multiple_of3A_345] : memref<32x1000000xf32, #tpu.memory_space<hbm>> -> memref<8x128xf32, #tpu.memory_space<hbm>>
    %dma_start3A_379 = arith.constant 16 : i32
    %dma_start3A_380 = arith.constant 0 : i32
    %dma_start3A_381 = tpu.memref_slice %arg6[%dma_start3A_372, %dma_start3A_379, %dma_start3A_380] : memref<8x32x128xf32, #tpu.memory_space<vmem>> -> memref<1x8x128xf32, #tpu.memory_space<vmem>>
    %dma_start3A_382 = tpu.memref_squeeze %dma_start3A_381 : memref<1x8x128xf32, #tpu.memory_space<vmem>> -> memref<8x128xf32, #tpu.memory_space<vmem>>
    %dma_start3A_383 = arith.constant 16 : i32
    %dma_start3A_384 = tpu.memref_slice %arg2[%dma_start3A_383, %multiple_of3A_345] : memref<32x1000000xf32, #tpu.memory_space<hbm>> -> memref<8x128xf32, #tpu.memory_space<hbm>>
    tpu.enqueue_dma source(%dma_start3A_384 : memref<8x128xf32, #tpu.memory_space<hbm>>) target(%dma_start3A_382 : memref<8x128xf32, #tpu.memory_space<vmem>>) target_semaphore(%arg9 : memref<!tpu.dma_semaphore, #tpu.memory_space<semaphore_mem>>)
    %dma_start3A_385 = arith.constant 6 : i32
    %dma_start3A_386 = arith.constant 24 : i32
    %dma_start3A_387 = arith.constant 0 : i32
    %dma_start3A_388 = tpu.memref_slice %arg6[%dma_start3A_385, %dma_start3A_386, %dma_start3A_387] : memref<8x32x128xf32, #tpu.memory_space<vmem>> -> memref<1x8x128xf32, #tpu.memory_space<vmem>>
    %dma_start3A_389 = tpu.memref_squeeze %dma_start3A_388 : memref<1x8x128xf32, #tpu.memory_space<vmem>> -> memref<8x128xf32, #tpu.memory_space<vmem>>
    %dma_start3A_390 = arith.constant 24 : i32
    %dma_start3A_391 = tpu.memref_slice %arg2[%dma_start3A_390, %multiple_of3A_345] : memref<32x1000000xf32, #tpu.memory_space<hbm>> -> memref<8x128xf32, #tpu.memory_space<hbm>>
    %dma_start3A_392 = arith.constant 24 : i32
    %dma_start3A_393 = arith.constant 0 : i32
    %dma_start3A_394 = tpu.memref_slice %arg6[%dma_start3A_385, %dma_start3A_392, %dma_start3A_393] : memref<8x32x128xf32, #tpu.memory_space<vmem>> -> memref<1x8x128xf32, #tpu.memory_space<vmem>>
    %dma_start3A_395 = tpu.memref_squeeze %dma_start3A_394 : memref<1x8x128xf32, #tpu.memory_space<vmem>> -> memref<8x128xf32, #tpu.memory_space<vmem>>
    %dma_start3A_396 = arith.constant 24 : i32
    %dma_start3A_397 = tpu.memref_slice %arg2[%dma_start3A_396, %multiple_of3A_345] : memref<32x1000000xf32, #tpu.memory_space<hbm>> -> memref<8x128xf32, #tpu.memory_space<hbm>>
    tpu.enqueue_dma source(%dma_start3A_397 : memref<8x128xf32, #tpu.memory_space<hbm>>) target(%dma_start3A_395 : memref<8x128xf32, #tpu.memory_space<vmem>>) target_semaphore(%arg9 : memref<!tpu.dma_semaphore, #tpu.memory_space<semaphore_mem>>)
    %slice3A_398 = vector.extract_strided_slice %get3A_3 {offsets = [7], sizes = [1], strides = [1]} : vector<16xi32> to vector<1xi32>
    %squeeze3A_399 = vector.extract %slice3A_398[0] : i32 from vector<1xi32>
    %and3A_400 = arith.constant -128 : i32
    %and3A_401 = arith.andi %squeeze3A_399, %and3A_400 : i32
    %multiple_of3A_402 = tpu.assume_multiple %and3A_401, 128 : i32
    %dma_start3A_403 = arith.constant 7 : i32
    %dma_start3A_404 = arith.constant 0 : i32
    %dma_start3A_405 = arith.constant 0 : i32
    %dma_start3A_406 = tpu.memref_slice %arg6[%dma_start3A_403, %dma_start3A_404, %dma_start3A_405] : memref<8x32x128xf32, #tpu.memory_space<vmem>> -> memref<1x8x128xf32, #tpu.memory_space<vmem>>
    %dma_start3A_407 = tpu.memref_squeeze %dma_start3A_406 : memref<1x8x128xf32, #tpu.memory_space<vmem>> -> memref<8x128xf32, #tpu.memory_space<vmem>>
    %dma_start3A_408 = arith.constant 0 : i32
    %dma_start3A_409 = tpu.memref_slice %arg2[%dma_start3A_408, %multiple_of3A_402] : memref<32x1000000xf32, #tpu.memory_space<hbm>> -> memref<8x128xf32, #tpu.memory_space<hbm>>
    %dma_start3A_410 = arith.constant 0 : i32
    %dma_start3A_411 = arith.constant 0 : i32
    %dma_start3A_412 = tpu.memref_slice %arg6[%dma_start3A_403, %dma_start3A_410, %dma_start3A_411] : memref<8x32x128xf32, #tpu.memory_space<vmem>> -> memref<1x8x128xf32, #tpu.memory_space<vmem>>
    %dma_start3A_413 = tpu.memref_squeeze %dma_start3A_412 : memref<1x8x128xf32, #tpu.memory_space<vmem>> -> memref<8x128xf32, #tpu.memory_space<vmem>>
    %dma_start3A_414 = arith.constant 0 : i32
    %dma_start3A_415 = tpu.memref_slice %arg2[%dma_start3A_414, %multiple_of3A_402] : memref<32x1000000xf32, #tpu.memory_space<hbm>> -> memref<8x128xf32, #tpu.memory_space<hbm>>
    tpu.enqueue_dma source(%dma_start3A_415 : memref<8x128xf32, #tpu.memory_space<hbm>>) target(%dma_start3A_413 : memref<8x128xf32, #tpu.memory_space<vmem>>) target_semaphore(%arg9 : memref<!tpu.dma_semaphore, #tpu.memory_space<semaphore_mem>>)
    %dma_start3A_416 = arith.constant 7 : i32
    %dma_start3A_417 = arith.constant 8 : i32
    %dma_start3A_418 = arith.constant 0 : i32
    %dma_start3A_419 = tpu.memref_slice %arg6[%dma_start3A_416, %dma_start3A_417, %dma_start3A_418] : memref<8x32x128xf32, #tpu.memory_space<vmem>> -> memref<1x8x128xf32, #tpu.memory_space<vmem>>
    %dma_start3A_420 = tpu.memref_squeeze %dma_start3A_419 : memref<1x8x128xf32, #tpu.memory_space<vmem>> -> memref<8x128xf32, #tpu.memory_space<vmem>>
    %dma_start3A_421 = arith.constant 8 : i32
    %dma_start3A_422 = tpu.memref_slice %arg2[%dma_start3A_421, %multiple_of3A_402] : memref<32x1000000xf32, #tpu.memory_space<hbm>> -> memref<8x128xf32, #tpu.memory_space<hbm>>
    %dma_start3A_423 = arith.constant 8 : i32
    %dma_start3A_424 = arith.constant 0 : i32
    %dma_start3A_425 = tpu.memref_slice %arg6[%dma_start3A_416, %dma_start3A_423, %dma_start3A_424] : memref<8x32x128xf32, #tpu.memory_space<vmem>> -> memref<1x8x128xf32, #tpu.memory_space<vmem>>
    %dma_start3A_426 = tpu.memref_squeeze %dma_start3A_425 : memref<1x8x128xf32, #tpu.memory_space<vmem>> -> memref<8x128xf32, #tpu.memory_space<vmem>>
    %dma_start3A_427 = arith.constant 8 : i32
    %dma_start3A_428 = tpu.memref_slice %arg2[%dma_start3A_427, %multiple_of3A_402] : memref<32x1000000xf32, #tpu.memory_space<hbm>> -> memref<8x128xf32, #tpu.memory_space<hbm>>
    tpu.enqueue_dma source(%dma_start3A_428 : memref<8x128xf32, #tpu.memory_space<hbm>>) target(%dma_start3A_426 : memref<8x128xf32, #tpu.memory_space<vmem>>) target_semaphore(%arg9 : memref<!tpu.dma_semaphore, #tpu.memory_space<semaphore_mem>>)
    %dma_start3A_429 = arith.constant 7 : i32
    %dma_start3A_430 = arith.constant 16 : i32
    %dma_start3A_431 = arith.constant 0 : i32
    %dma_start3A_432 = tpu.memref_slice %arg6[%dma_start3A_429, %dma_start3A_430, %dma_start3A_431] : memref<8x32x128xf32, #tpu.memory_space<vmem>> -> memref<1x8x128xf32, #tpu.memory_space<vmem>>
    %dma_start3A_433 = tpu.memref_squeeze %dma_start3A_432 : memref<1x8x128xf32, #tpu.memory_space<vmem>> -> memref<8x128xf32, #tpu.memory_space<vmem>>
    %dma_start3A_434 = arith.constant 16 : i32
    %dma_start3A_435 = tpu.memref_slice %arg2[%dma_start3A_434, %multiple_of3A_402] : memref<32x1000000xf32, #tpu.memory_space<hbm>> -> memref<8x128xf32, #tpu.memory_space<hbm>>
    %dma_start3A_436 = arith.constant 16 : i32
    %dma_start3A_437 = arith.constant 0 : i32
    %dma_start3A_438 = tpu.memref_slice %arg6[%dma_start3A_429, %dma_start3A_436, %dma_start3A_437] : memref<8x32x128xf32, #tpu.memory_space<vmem>> -> memref<1x8x128xf32, #tpu.memory_space<vmem>>
    %dma_start3A_439 = tpu.memref_squeeze %dma_start3A_438 : memref<1x8x128xf32, #tpu.memory_space<vmem>> -> memref<8x128xf32, #tpu.memory_space<vmem>>
    %dma_start3A_440 = arith.constant 16 : i32
    %dma_start3A_441 = tpu.memref_slice %arg2[%dma_start3A_440, %multiple_of3A_402] : memref<32x1000000xf32, #tpu.memory_space<hbm>> -> memref<8x128xf32, #tpu.memory_space<hbm>>
    tpu.enqueue_dma source(%dma_start3A_441 : memref<8x128xf32, #tpu.memory_space<hbm>>) target(%dma_start3A_439 : memref<8x128xf32, #tpu.memory_space<vmem>>) target_semaphore(%arg9 : memref<!tpu.dma_semaphore, #tpu.memory_space<semaphore_mem>>)
    %dma_start3A_442 = arith.constant 7 : i32
    %dma_start3A_443 = arith.constant 24 : i32
    %dma_start3A_444 = arith.constant 0 : i32
    %dma_start3A_445 = tpu.memref_slice %arg6[%dma_start3A_442, %dma_start3A_443, %dma_start3A_444] : memref<8x32x128xf32, #tpu.memory_space<vmem>> -> memref<1x8x128xf32, #tpu.memory_space<vmem>>
    %dma_start3A_446 = tpu.memref_squeeze %dma_start3A_445 : memref<1x8x128xf32, #tpu.memory_space<vmem>> -> memref<8x128xf32, #tpu.memory_space<vmem>>
    %dma_start3A_447 = arith.constant 24 : i32
    %dma_start3A_448 = tpu.memref_slice %arg2[%dma_start3A_447, %multiple_of3A_402] : memref<32x1000000xf32, #tpu.memory_space<hbm>> -> memref<8x128xf32, #tpu.memory_space<hbm>>
    %dma_start3A_449 = arith.constant 24 : i32
    %dma_start3A_450 = arith.constant 0 : i32
    %dma_start3A_451 = tpu.memref_slice %arg6[%dma_start3A_442, %dma_start3A_449, %dma_start3A_450] : memref<8x32x128xf32, #tpu.memory_space<vmem>> -> memref<1x8x128xf32, #tpu.memory_space<vmem>>
    %dma_start3A_452 = tpu.memref_squeeze %dma_start3A_451 : memref<1x8x128xf32, #tpu.memory_space<vmem>> -> memref<8x128xf32, #tpu.memory_space<vmem>>
    %dma_start3A_453 = arith.constant 24 : i32
    %dma_start3A_454 = tpu.memref_slice %arg2[%dma_start3A_453, %multiple_of3A_402] : memref<32x1000000xf32, #tpu.memory_space<hbm>> -> memref<8x128xf32, #tpu.memory_space<hbm>>
    tpu.enqueue_dma source(%dma_start3A_454 : memref<8x128xf32, #tpu.memory_space<hbm>>) target(%dma_start3A_452 : memref<8x128xf32, #tpu.memory_space<vmem>>) target_semaphore(%arg9 : memref<!tpu.dma_semaphore, #tpu.memory_space<semaphore_mem>>)
    %scan3A = arith.constant 0 : i32
    %scan3A_455 = arith.constant 32 : i32
    %scan3A_456 = arith.addi %scan3A, %scan3A_455 : i32
    %scan3A_457 = arith.constant 1 : i32
    scf.for %scan3A_459 = %scan3A to %scan3A_456 step %scan3A_457  : i32 {
      %mul3A_460 = arith.constant 2 : i32
      %mul3A_461 = arith.muli %scan3A_459, %mul3A_460 : i32
      %mul3A_462 = arith.constant 8 : i32
      %mul3A_463 = arith.muli %mul3A_461, %mul3A_462 : i32
      %get3A_464 = arith.index_cast %mul3A_463 : i32 to index
      %get3A_465 = tpu.vector_load %arg5[%get3A_464] {strides = array<i32>} : memref<512xi32, #tpu.memory_space<vmem>>, vector<16xi32>,
      %slice3A_466 = vector.extract_strided_slice %get3A_465 {offsets = [8], sizes = [1], strides = [1]} : vector<16xi32> to vector<1xi32>
      %squeeze3A_467 = vector.extract %slice3A_466[0] : i32 from vector<1xi32>
      %and3A_468 = arith.constant -128 : i32
      %and3A_469 = arith.andi %squeeze3A_467, %and3A_468 : i32
      %multiple_of3A_470 = tpu.assume_multiple %and3A_469, 128 : i32
      %dma_start3A_471 = arith.constant 0 : i32
      %dma_start3A_472 = arith.constant 0 : i32
      %dma_start3A_473 = arith.constant 0 : i32
      %dma_start3A_474 = tpu.memref_slice %arg7[%dma_start3A_471, %dma_start3A_472, %dma_start3A_473] : memref<8x32x128xf32, #tpu.memory_space<vmem>> -> memref<1x8x128xf32, #tpu.memory_space<vmem>>
      %dma_start3A_475 = tpu.memref_squeeze %dma_start3A_474 : memref<1x8x128xf32, #tpu.memory_space<vmem>> -> memref<8x128xf32, #tpu.memory_space<vmem>>
      %dma_start3A_476 = arith.constant 0 : i32
      %dma_start3A_477 = tpu.memref_slice %arg2[%dma_start3A_476, %multiple_of3A_470] : memref<32x1000000xf32, #tpu.memory_space<hbm>> -> memref<8x128xf32, #tpu.memory_space<hbm>>
      %dma_start3A_478 = arith.constant 0 : i32
      %dma_start3A_479 = arith.constant 0 : i32
      %dma_start3A_480 = tpu.memref_slice %arg7[%dma_start3A_471, %dma_start3A_478, %dma_start3A_479] : memref<8x32x128xf32, #tpu.memory_space<vmem>> -> memref<1x8x128xf32, #tpu.memory_space<vmem>>
      %dma_start3A_481 = tpu.memref_squeeze %dma_start3A_480 : memref<1x8x128xf32, #tpu.memory_space<vmem>> -> memref<8x128xf32, #tpu.memory_space<vmem>>
      %dma_start3A_482 = arith.constant 0 : i32
      %dma_start3A_483 = tpu.memref_slice %arg2[%dma_start3A_482, %multiple_of3A_470] : memref<32x1000000xf32, #tpu.memory_space<hbm>> -> memref<8x128xf32, #tpu.memory_space<hbm>>
      tpu.enqueue_dma source(%dma_start3A_483 : memref<8x128xf32, #tpu.memory_space<hbm>>) target(%dma_start3A_481 : memref<8x128xf32, #tpu.memory_space<vmem>>) target_semaphore(%arg10 : memref<!tpu.dma_semaphore, #tpu.memory_space<semaphore_mem>>)
      %dma_start3A_484 = arith.constant 0 : i32
      %dma_start3A_485 = arith.constant 8 : i32
      %dma_start3A_486 = arith.constant 0 : i32
      %dma_start3A_487 = tpu.memref_slice %arg7[%dma_start3A_484, %dma_start3A_485, %dma_start3A_486] : memref<8x32x128xf32, #tpu.memory_space<vmem>> -> memref<1x8x128xf32, #tpu.memory_space<vmem>>
      %dma_start3A_488 = tpu.memref_squeeze %dma_start3A_487 : memref<1x8x128xf32, #tpu.memory_space<vmem>> -> memref<8x128xf32, #tpu.memory_space<vmem>>
      %dma_start3A_489 = arith.constant 8 : i32
      %dma_start3A_490 = tpu.memref_slice %arg2[%dma_start3A_489, %multiple_of3A_470] : memref<32x1000000xf32, #tpu.memory_space<hbm>> -> memref<8x128xf32, #tpu.memory_space<hbm>>
      %dma_start3A_491 = arith.constant 8 : i32
      %dma_start3A_492 = arith.constant 0 : i32
      %dma_start3A_493 = tpu.memref_slice %arg7[%dma_start3A_484, %dma_start3A_491, %dma_start3A_492] : memref<8x32x128xf32, #tpu.memory_space<vmem>> -> memref<1x8x128xf32, #tpu.memory_space<vmem>>
      %dma_start3A_494 = tpu.memref_squeeze %dma_start3A_493 : memref<1x8x128xf32, #tpu.memory_space<vmem>> -> memref<8x128xf32, #tpu.memory_space<vmem>>
      %dma_start3A_495 = arith.constant 8 : i32
      %dma_start3A_496 = tpu.memref_slice %arg2[%dma_start3A_495, %multiple_of3A_470] : memref<32x1000000xf32, #tpu.memory_space<hbm>> -> memref<8x128xf32, #tpu.memory_space<hbm>>
      tpu.enqueue_dma source(%dma_start3A_496 : memref<8x128xf32, #tpu.memory_space<hbm>>) target(%dma_start3A_494 : memref<8x128xf32, #tpu.memory_space<vmem>>) target_semaphore(%arg10 : memref<!tpu.dma_semaphore, #tpu.memory_space<semaphore_mem>>)
      %dma_start3A_497 = arith.constant 0 : i32
      %dma_start3A_498 = arith.constant 16 : i32
      %dma_start3A_499 = arith.constant 0 : i32
      %dma_start3A_500 = tpu.memref_slice %arg7[%dma_start3A_497, %dma_start3A_498, %dma_start3A_499] : memref<8x32x128xf32, #tpu.memory_space<vmem>> -> memref<1x8x128xf32, #tpu.memory_space<vmem>>
      %dma_start3A_501 = tpu.memref_squeeze %dma_start3A_500 : memref<1x8x128xf32, #tpu.memory_space<vmem>> -> memref<8x128xf32, #tpu.memory_space<vmem>>
      %dma_start3A_502 = arith.constant 16 : i32
      %dma_start3A_503 = tpu.memref_slice %arg2[%dma_start3A_502, %multiple_of3A_470] : memref<32x1000000xf32, #tpu.memory_space<hbm>> -> memref<8x128xf32, #tpu.memory_space<hbm>>
      %dma_start3A_504 = arith.constant 16 : i32
      %dma_start3A_505 = arith.constant 0 : i32
      %dma_start3A_506 = tpu.memref_slice %arg7[%dma_start3A_497, %dma_start3A_504, %dma_start3A_505] : memref<8x32x128xf32, #tpu.memory_space<vmem>> -> memref<1x8x128xf32, #tpu.memory_space<vmem>>
      %dma_start3A_507 = tpu.memref_squeeze %dma_start3A_506 : memref<1x8x128xf32, #tpu.memory_space<vmem>> -> memref<8x128xf32, #tpu.memory_space<vmem>>
      %dma_start3A_508 = arith.constant 16 : i32
      %dma_start3A_509 = tpu.memref_slice %arg2[%dma_start3A_508, %multiple_of3A_470] : memref<32x1000000xf32, #tpu.memory_space<hbm>> -> memref<8x128xf32, #tpu.memory_space<hbm>>
      tpu.enqueue_dma source(%dma_start3A_509 : memref<8x128xf32, #tpu.memory_space<hbm>>) target(%dma_start3A_507 : memref<8x128xf32, #tpu.memory_space<vmem>>) target_semaphore(%arg10 : memref<!tpu.dma_semaphore, #tpu.memory_space<semaphore_mem>>)
      %dma_start3A_510 = arith.constant 0 : i32
      %dma_start3A_511 = arith.constant 24 : i32
      %dma_start3A_512 = arith.constant 0 : i32
      %dma_start3A_513 = tpu.memref_slice %arg7[%dma_start3A_510, %dma_start3A_511, %dma_start3A_512] : memref<8x32x128xf32, #tpu.memory_space<vmem>> -> memref<1x8x128xf32, #tpu.memory_space<vmem>>
      %dma_start3A_514 = tpu.memref_squeeze %dma_start3A_513 : memref<1x8x128xf32, #tpu.memory_space<vmem>> -> memref<8x128xf32, #tpu.memory_space<vmem>>
      %dma_start3A_515 = arith.constant 24 : i32
      %dma_start3A_516 = tpu.memref_slice %arg2[%dma_start3A_515, %multiple_of3A_470] : memref<32x1000000xf32, #tpu.memory_space<hbm>> -> memref<8x128xf32, #tpu.memory_space<hbm>>
      %dma_start3A_517 = arith.constant 24 : i32
      %dma_start3A_518 = arith.constant 0 : i32
      %dma_start3A_519 = tpu.memref_slice %arg7[%dma_start3A_510, %dma_start3A_517, %dma_start3A_518] : memref<8x32x128xf32, #tpu.memory_space<vmem>> -> memref<1x8x128xf32, #tpu.memory_space<vmem>>
      %dma_start3A_520 = tpu.memref_squeeze %dma_start3A_519 : memref<1x8x128xf32, #tpu.memory_space<vmem>> -> memref<8x128xf32, #tpu.memory_space<vmem>>
      %dma_start3A_521 = arith.constant 24 : i32
      %dma_start3A_522 = tpu.memref_slice %arg2[%dma_start3A_521, %multiple_of3A_470] : memref<32x1000000xf32, #tpu.memory_space<hbm>> -> memref<8x128xf32, #tpu.memory_space<hbm>>
      tpu.enqueue_dma source(%dma_start3A_522 : memref<8x128xf32, #tpu.memory_space<hbm>>) target(%dma_start3A_520 : memref<8x128xf32, #tpu.memory_space<vmem>>) target_semaphore(%arg10 : memref<!tpu.dma_semaphore, #tpu.memory_space<semaphore_mem>>)
      %slice3A_523 = vector.extract_strided_slice %get3A_465 {offsets = [9], sizes = [1], strides = [1]} : vector<16xi32> to vector<1xi32>
      %squeeze3A_524 = vector.extract %slice3A_523[0] : i32 from vector<1xi32>
      %and3A_525 = arith.constant -128 : i32
      %and3A_526 = arith.andi %squeeze3A_524, %and3A_525 : i32
      %multiple_of3A_527 = tpu.assume_multiple %and3A_526, 128 : i32
      %dma_start3A_528 = arith.constant 1 : i32
      %dma_start3A_529 = arith.constant 0 : i32
      %dma_start3A_530 = arith.constant 0 : i32
      %dma_start3A_531 = tpu.memref_slice %arg7[%dma_start3A_528, %dma_start3A_529, %dma_start3A_530] : memref<8x32x128xf32, #tpu.memory_space<vmem>> -> memref<1x8x128xf32, #tpu.memory_space<vmem>>
      %dma_start3A_532 = tpu.memref_squeeze %dma_start3A_531 : memref<1x8x128xf32, #tpu.memory_space<vmem>> -> memref<8x128xf32, #tpu.memory_space<vmem>>
      %dma_start3A_533 = arith.constant 0 : i32
      %dma_start3A_534 = tpu.memref_slice %arg2[%dma_start3A_533, %multiple_of3A_527] : memref<32x1000000xf32, #tpu.memory_space<hbm>> -> memref<8x128xf32, #tpu.memory_space<hbm>>
      %dma_start3A_535 = arith.constant 0 : i32
      %dma_start3A_536 = arith.constant 0 : i32
      %dma_start3A_537 = tpu.memref_slice %arg7[%dma_start3A_528, %dma_start3A_535, %dma_start3A_536] : memref<8x32x128xf32, #tpu.memory_space<vmem>> -> memref<1x8x128xf32, #tpu.memory_space<vmem>>
      %dma_start3A_538 = tpu.memref_squeeze %dma_start3A_537 : memref<1x8x128xf32, #tpu.memory_space<vmem>> -> memref<8x128xf32, #tpu.memory_space<vmem>>
      %dma_start3A_539 = arith.constant 0 : i32
      %dma_start3A_540 = tpu.memref_slice %arg2[%dma_start3A_539, %multiple_of3A_527] : memref<32x1000000xf32, #tpu.memory_space<hbm>> -> memref<8x128xf32, #tpu.memory_space<hbm>>
      tpu.enqueue_dma source(%dma_start3A_540 : memref<8x128xf32, #tpu.memory_space<hbm>>) target(%dma_start3A_538 : memref<8x128xf32, #tpu.memory_space<vmem>>) target_semaphore(%arg10 : memref<!tpu.dma_semaphore, #tpu.memory_space<semaphore_mem>>)
      %dma_start3A_541 = arith.constant 1 : i32
      %dma_start3A_542 = arith.constant 8 : i32
      %dma_start3A_543 = arith.constant 0 : i32
      %dma_start3A_544 = tpu.memref_slice %arg7[%dma_start3A_541, %dma_start3A_542, %dma_start3A_543] : memref<8x32x128xf32, #tpu.memory_space<vmem>> -> memref<1x8x128xf32, #tpu.memory_space<vmem>>
      %dma_start3A_545 = tpu.memref_squeeze %dma_start3A_544 : memref<1x8x128xf32, #tpu.memory_space<vmem>> -> memref<8x128xf32, #tpu.memory_space<vmem>>
      %dma_start3A_546 = arith.constant 8 : i32
      %dma_start3A_547 = tpu.memref_slice %arg2[%dma_start3A_546, %multiple_of3A_527] : memref<32x1000000xf32, #tpu.memory_space<hbm>> -> memref<8x128xf32, #tpu.memory_space<hbm>>
      %dma_start3A_548 = arith.constant 8 : i32
      %dma_start3A_549 = arith.constant 0 : i32
      %dma_start3A_550 = tpu.memref_slice %arg7[%dma_start3A_541, %dma_start3A_548, %dma_start3A_549] : memref<8x32x128xf32, #tpu.memory_space<vmem>> -> memref<1x8x128xf32, #tpu.memory_space<vmem>>
      %dma_start3A_551 = tpu.memref_squeeze %dma_start3A_550 : memref<1x8x128xf32, #tpu.memory_space<vmem>> -> memref<8x128xf32, #tpu.memory_space<vmem>>
      %dma_start3A_552 = arith.constant 8 : i32
      %dma_start3A_553 = tpu.memref_slice %arg2[%dma_start3A_552, %multiple_of3A_527] : memref<32x1000000xf32, #tpu.memory_space<hbm>> -> memref<8x128xf32, #tpu.memory_space<hbm>>
      tpu.enqueue_dma source(%dma_start3A_553 : memref<8x128xf32, #tpu.memory_space<hbm>>) target(%dma_start3A_551 : memref<8x128xf32, #tpu.memory_space<vmem>>) target_semaphore(%arg10 : memref<!tpu.dma_semaphore, #tpu.memory_space<semaphore_mem>>)
      %dma_start3A_554 = arith.constant 1 : i32
      %dma_start3A_555 = arith.constant 16 : i32
      %dma_start3A_556 = arith.constant 0 : i32
      %dma_start3A_557 = tpu.memref_slice %arg7[%dma_start3A_554, %dma_start3A_555, %dma_start3A_556] : memref<8x32x128xf32, #tpu.memory_space<vmem>> -> memref<1x8x128xf32, #tpu.memory_space<vmem>>
      %dma_start3A_558 = tpu.memref_squeeze %dma_start3A_557 : memref<1x8x128xf32, #tpu.memory_space<vmem>> -> memref<8x128xf32, #tpu.memory_space<vmem>>
      %dma_start3A_559 = arith.constant 16 : i32
      %dma_start3A_560 = tpu.memref_slice %arg2[%dma_start3A_559, %multiple_of3A_527] : memref<32x1000000xf32, #tpu.memory_space<hbm>> -> memref<8x128xf32, #tpu.memory_space<hbm>>
      %dma_start3A_561 = arith.constant 16 : i32
      %dma_start3A_562 = arith.constant 0 : i32
      %dma_start3A_563 = tpu.memref_slice %arg7[%dma_start3A_554, %dma_start3A_561, %dma_start3A_562] : memref<8x32x128xf32, #tpu.memory_space<vmem>> -> memref<1x8x128xf32, #tpu.memory_space<vmem>>
      %dma_start3A_564 = tpu.memref_squeeze %dma_start3A_563 : memref<1x8x128xf32, #tpu.memory_space<vmem>> -> memref<8x128xf32, #tpu.memory_space<vmem>>
      %dma_start3A_565 = arith.constant 16 : i32
      %dma_start3A_566 = tpu.memref_slice %arg2[%dma_start3A_565, %multiple_of3A_527] : memref<32x1000000xf32, #tpu.memory_space<hbm>> -> memref<8x128xf32, #tpu.memory_space<hbm>>
      tpu.enqueue_dma source(%dma_start3A_566 : memref<8x128xf32, #tpu.memory_space<hbm>>) target(%dma_start3A_564 : memref<8x128xf32, #tpu.memory_space<vmem>>) target_semaphore(%arg10 : memref<!tpu.dma_semaphore, #tpu.memory_space<semaphore_mem>>)
      %dma_start3A_567 = arith.constant 1 : i32
      %dma_start3A_568 = arith.constant 24 : i32
      %dma_start3A_569 = arith.constant 0 : i32
      %dma_start3A_570 = tpu.memref_slice %arg7[%dma_start3A_567, %dma_start3A_568, %dma_start3A_569] : memref<8x32x128xf32, #tpu.memory_space<vmem>> -> memref<1x8x128xf32, #tpu.memory_space<vmem>>
      %dma_start3A_571 = tpu.memref_squeeze %dma_start3A_570 : memref<1x8x128xf32, #tpu.memory_space<vmem>> -> memref<8x128xf32, #tpu.memory_space<vmem>>
      %dma_start3A_572 = arith.constant 24 : i32
      %dma_start3A_573 = tpu.memref_slice %arg2[%dma_start3A_572, %multiple_of3A_527] : memref<32x1000000xf32, #tpu.memory_space<hbm>> -> memref<8x128xf32, #tpu.memory_space<hbm>>
      %dma_start3A_574 = arith.constant 24 : i32
      %dma_start3A_575 = arith.constant 0 : i32
      %dma_start3A_576 = tpu.memref_slice %arg7[%dma_start3A_567, %dma_start3A_574, %dma_start3A_575] : memref<8x32x128xf32, #tpu.memory_space<vmem>> -> memref<1x8x128xf32, #tpu.memory_space<vmem>>
      %dma_start3A_577 = tpu.memref_squeeze %dma_start3A_576 : memref<1x8x128xf32, #tpu.memory_space<vmem>> -> memref<8x128xf32, #tpu.memory_space<vmem>>
      %dma_start3A_578 = arith.constant 24 : i32
      %dma_start3A_579 = tpu.memref_slice %arg2[%dma_start3A_578, %multiple_of3A_527] : memref<32x1000000xf32, #tpu.memory_space<hbm>> -> memref<8x128xf32, #tpu.memory_space<hbm>>
      tpu.enqueue_dma source(%dma_start3A_579 : memref<8x128xf32, #tpu.memory_space<hbm>>) target(%dma_start3A_577 : memref<8x128xf32, #tpu.memory_space<vmem>>) target_semaphore(%arg10 : memref<!tpu.dma_semaphore, #tpu.memory_space<semaphore_mem>>)
      %slice3A_580 = vector.extract_strided_slice %get3A_465 {offsets = [10], sizes = [1], strides = [1]} : vector<16xi32> to vector<1xi32>
      %squeeze3A_581 = vector.extract %slice3A_580[0] : i32 from vector<1xi32>
      %and3A_582 = arith.constant -128 : i32
      %and3A_583 = arith.andi %squeeze3A_581, %and3A_582 : i32
      %multiple_of3A_584 = tpu.assume_multiple %and3A_583, 128 : i32
      %dma_start3A_585 = arith.constant 2 : i32
      %dma_start3A_586 = arith.constant 0 : i32
      %dma_start3A_587 = arith.constant 0 : i32
      %dma_start3A_588 = tpu.memref_slice %arg7[%dma_start3A_585, %dma_start3A_586, %dma_start3A_587] : memref<8x32x128xf32, #tpu.memory_space<vmem>> -> memref<1x8x128xf32, #tpu.memory_space<vmem>>
      %dma_start3A_589 = tpu.memref_squeeze %dma_start3A_588 : memref<1x8x128xf32, #tpu.memory_space<vmem>> -> memref<8x128xf32, #tpu.memory_space<vmem>>
      %dma_start3A_590 = arith.constant 0 : i32
      %dma_start3A_591 = tpu.memref_slice %arg2[%dma_start3A_590, %multiple_of3A_584] : memref<32x1000000xf32, #tpu.memory_space<hbm>> -> memref<8x128xf32, #tpu.memory_space<hbm>>
      %dma_start3A_592 = arith.constant 0 : i32
      %dma_start3A_593 = arith.constant 0 : i32
      %dma_start3A_594 = tpu.memref_slice %arg7[%dma_start3A_585, %dma_start3A_592, %dma_start3A_593] : memref<8x32x128xf32, #tpu.memory_space<vmem>> -> memref<1x8x128xf32, #tpu.memory_space<vmem>>
      %dma_start3A_595 = tpu.memref_squeeze %dma_start3A_594 : memref<1x8x128xf32, #tpu.memory_space<vmem>> -> memref<8x128xf32, #tpu.memory_space<vmem>>
      %dma_start3A_596 = arith.constant 0 : i32
      %dma_start3A_597 = tpu.memref_slice %arg2[%dma_start3A_596, %multiple_of3A_584] : memref<32x1000000xf32, #tpu.memory_space<hbm>> -> memref<8x128xf32, #tpu.memory_space<hbm>>
      tpu.enqueue_dma source(%dma_start3A_597 : memref<8x128xf32, #tpu.memory_space<hbm>>) target(%dma_start3A_595 : memref<8x128xf32, #tpu.memory_space<vmem>>) target_semaphore(%arg10 : memref<!tpu.dma_semaphore, #tpu.memory_space<semaphore_mem>>)
      %dma_start3A_598 = arith.constant 2 : i32
      %dma_start3A_599 = arith.constant 8 : i32
      %dma_start3A_600 = arith.constant 0 : i32
      %dma_start3A_601 = tpu.memref_slice %arg7[%dma_start3A_598, %dma_start3A_599, %dma_start3A_600] : memref<8x32x128xf32, #tpu.memory_space<vmem>> -> memref<1x8x128xf32, #tpu.memory_space<vmem>>
      %dma_start3A_602 = tpu.memref_squeeze %dma_start3A_601 : memref<1x8x128xf32, #tpu.memory_space<vmem>> -> memref<8x128xf32, #tpu.memory_space<vmem>>
      %dma_start3A_603 = arith.constant 8 : i32
      %dma_start3A_604 = tpu.memref_slice %arg2[%dma_start3A_603, %multiple_of3A_584] : memref<32x1000000xf32, #tpu.memory_space<hbm>> -> memref<8x128xf32, #tpu.memory_space<hbm>>
      %dma_start3A_605 = arith.constant 8 : i32
      %dma_start3A_606 = arith.constant 0 : i32
      %dma_start3A_607 = tpu.memref_slice %arg7[%dma_start3A_598, %dma_start3A_605, %dma_start3A_606] : memref<8x32x128xf32, #tpu.memory_space<vmem>> -> memref<1x8x128xf32, #tpu.memory_space<vmem>>
      %dma_start3A_608 = tpu.memref_squeeze %dma_start3A_607 : memref<1x8x128xf32, #tpu.memory_space<vmem>> -> memref<8x128xf32, #tpu.memory_space<vmem>>
      %dma_start3A_609 = arith.constant 8 : i32
      %dma_start3A_610 = tpu.memref_slice %arg2[%dma_start3A_609, %multiple_of3A_584] : memref<32x1000000xf32, #tpu.memory_space<hbm>> -> memref<8x128xf32, #tpu.memory_space<hbm>>
      tpu.enqueue_dma source(%dma_start3A_610 : memref<8x128xf32, #tpu.memory_space<hbm>>) target(%dma_start3A_608 : memref<8x128xf32, #tpu.memory_space<vmem>>) target_semaphore(%arg10 : memref<!tpu.dma_semaphore, #tpu.memory_space<semaphore_mem>>)
      %dma_start3A_611 = arith.constant 2 : i32
      %dma_start3A_612 = arith.constant 16 : i32
      %dma_start3A_613 = arith.constant 0 : i32
      %dma_start3A_614 = tpu.memref_slice %arg7[%dma_start3A_611, %dma_start3A_612, %dma_start3A_613] : memref<8x32x128xf32, #tpu.memory_space<vmem>> -> memref<1x8x128xf32, #tpu.memory_space<vmem>>
      %dma_start3A_615 = tpu.memref_squeeze %dma_start3A_614 : memref<1x8x128xf32, #tpu.memory_space<vmem>> -> memref<8x128xf32, #tpu.memory_space<vmem>>
      %dma_start3A_616 = arith.constant 16 : i32
      %dma_start3A_617 = tpu.memref_slice %arg2[%dma_start3A_616, %multiple_of3A_584] : memref<32x1000000xf32, #tpu.memory_space<hbm>> -> memref<8x128xf32, #tpu.memory_space<hbm>>
      %dma_start3A_618 = arith.constant 16 : i32
      %dma_start3A_619 = arith.constant 0 : i32
      %dma_start3A_620 = tpu.memref_slice %arg7[%dma_start3A_611, %dma_start3A_618, %dma_start3A_619] : memref<8x32x128xf32, #tpu.memory_space<vmem>> -> memref<1x8x128xf32, #tpu.memory_space<vmem>>
      %dma_start3A_621 = tpu.memref_squeeze %dma_start3A_620 : memref<1x8x128xf32, #tpu.memory_space<vmem>> -> memref<8x128xf32, #tpu.memory_space<vmem>>
      %dma_start3A_622 = arith.constant 16 : i32
      %dma_start3A_623 = tpu.memref_slice %arg2[%dma_start3A_622, %multiple_of3A_584] : memref<32x1000000xf32, #tpu.memory_space<hbm>> -> memref<8x128xf32, #tpu.memory_space<hbm>>
      tpu.enqueue_dma source(%dma_start3A_623 : memref<8x128xf32, #tpu.memory_space<hbm>>) target(%dma_start3A_621 : memref<8x128xf32, #tpu.memory_space<vmem>>) target_semaphore(%arg10 : memref<!tpu.dma_semaphore, #tpu.memory_space<semaphore_mem>>)
      %dma_start3A_624 = arith.constant 2 : i32
      %dma_start3A_625 = arith.constant 24 : i32
      %dma_start3A_626 = arith.constant 0 : i32
      %dma_start3A_627 = tpu.memref_slice %arg7[%dma_start3A_624, %dma_start3A_625, %dma_start3A_626] : memref<8x32x128xf32, #tpu.memory_space<vmem>> -> memref<1x8x128xf32, #tpu.memory_space<vmem>>
      %dma_start3A_628 = tpu.memref_squeeze %dma_start3A_627 : memref<1x8x128xf32, #tpu.memory_space<vmem>> -> memref<8x128xf32, #tpu.memory_space<vmem>>
      %dma_start3A_629 = arith.constant 24 : i32
      %dma_start3A_630 = tpu.memref_slice %arg2[%dma_start3A_629, %multiple_of3A_584] : memref<32x1000000xf32, #tpu.memory_space<hbm>> -> memref<8x128xf32, #tpu.memory_space<hbm>>
      %dma_start3A_631 = arith.constant 24 : i32
      %dma_start3A_632 = arith.constant 0 : i32
      %dma_start3A_633 = tpu.memref_slice %arg7[%dma_start3A_624, %dma_start3A_631, %dma_start3A_632] : memref<8x32x128xf32, #tpu.memory_space<vmem>> -> memref<1x8x128xf32, #tpu.memory_space<vmem>>
      %dma_start3A_634 = tpu.memref_squeeze %dma_start3A_633 : memref<1x8x128xf32, #tpu.memory_space<vmem>> -> memref<8x128xf32, #tpu.memory_space<vmem>>
      %dma_start3A_635 = arith.constant 24 : i32
      %dma_start3A_636 = tpu.memref_slice %arg2[%dma_start3A_635, %multiple_of3A_584] : memref<32x1000000xf32, #tpu.memory_space<hbm>> -> memref<8x128xf32, #tpu.memory_space<hbm>>
      tpu.enqueue_dma source(%dma_start3A_636 : memref<8x128xf32, #tpu.memory_space<hbm>>) target(%dma_start3A_634 : memref<8x128xf32, #tpu.memory_space<vmem>>) target_semaphore(%arg10 : memref<!tpu.dma_semaphore, #tpu.memory_space<semaphore_mem>>)
      %slice3A_637 = vector.extract_strided_slice %get3A_465 {offsets = [11], sizes = [1], strides = [1]} : vector<16xi32> to vector<1xi32>
      %squeeze3A_638 = vector.extract %slice3A_637[0] : i32 from vector<1xi32>
      %and3A_639 = arith.constant -128 : i32
      %and3A_640 = arith.andi %squeeze3A_638, %and3A_639 : i32
      %multiple_of3A_641 = tpu.assume_multiple %and3A_640, 128 : i32
      %dma_start3A_642 = arith.constant 3 : i32
      %dma_start3A_643 = arith.constant 0 : i32
      %dma_start3A_644 = arith.constant 0 : i32
      %dma_start3A_645 = tpu.memref_slice %arg7[%dma_start3A_642, %dma_start3A_643, %dma_start3A_644] : memref<8x32x128xf32, #tpu.memory_space<vmem>> -> memref<1x8x128xf32, #tpu.memory_space<vmem>>
      %dma_start3A_646 = tpu.memref_squeeze %dma_start3A_645 : memref<1x8x128xf32, #tpu.memory_space<vmem>> -> memref<8x128xf32, #tpu.memory_space<vmem>>
      %dma_start3A_647 = arith.constant 0 : i32
      %dma_start3A_648 = tpu.memref_slice %arg2[%dma_start3A_647, %multiple_of3A_641] : memref<32x1000000xf32, #tpu.memory_space<hbm>> -> memref<8x128xf32, #tpu.memory_space<hbm>>
      %dma_start3A_649 = arith.constant 0 : i32
      %dma_start3A_650 = arith.constant 0 : i32
      %dma_start3A_651 = tpu.memref_slice %arg7[%dma_start3A_642, %dma_start3A_649, %dma_start3A_650] : memref<8x32x128xf32, #tpu.memory_space<vmem>> -> memref<1x8x128xf32, #tpu.memory_space<vmem>>
      %dma_start3A_652 = tpu.memref_squeeze %dma_start3A_651 : memref<1x8x128xf32, #tpu.memory_space<vmem>> -> memref<8x128xf32, #tpu.memory_space<vmem>>
      %dma_start3A_653 = arith.constant 0 : i32
      %dma_start3A_654 = tpu.memref_slice %arg2[%dma_start3A_653, %multiple_of3A_641] : memref<32x1000000xf32, #tpu.memory_space<hbm>> -> memref<8x128xf32, #tpu.memory_space<hbm>>
      tpu.enqueue_dma source(%dma_start3A_654 : memref<8x128xf32, #tpu.memory_space<hbm>>) target(%dma_start3A_652 : memref<8x128xf32, #tpu.memory_space<vmem>>) target_semaphore(%arg10 : memref<!tpu.dma_semaphore, #tpu.memory_space<semaphore_mem>>)
      %dma_start3A_655 = arith.constant 3 : i32
      %dma_start3A_656 = arith.constant 8 : i32
      %dma_start3A_657 = arith.constant 0 : i32
      %dma_start3A_658 = tpu.memref_slice %arg7[%dma_start3A_655, %dma_start3A_656, %dma_start3A_657] : memref<8x32x128xf32, #tpu.memory_space<vmem>> -> memref<1x8x128xf32, #tpu.memory_space<vmem>>
      %dma_start3A_659 = tpu.memref_squeeze %dma_start3A_658 : memref<1x8x128xf32, #tpu.memory_space<vmem>> -> memref<8x128xf32, #tpu.memory_space<vmem>>
      %dma_start3A_660 = arith.constant 8 : i32
      %dma_start3A_661 = tpu.memref_slice %arg2[%dma_start3A_660, %multiple_of3A_641] : memref<32x1000000xf32, #tpu.memory_space<hbm>> -> memref<8x128xf32, #tpu.memory_space<hbm>>
      %dma_start3A_662 = arith.constant 8 : i32
      %dma_start3A_663 = arith.constant 0 : i32
      %dma_start3A_664 = tpu.memref_slice %arg7[%dma_start3A_655, %dma_start3A_662, %dma_start3A_663] : memref<8x32x128xf32, #tpu.memory_space<vmem>> -> memref<1x8x128xf32, #tpu.memory_space<vmem>>
      %dma_start3A_665 = tpu.memref_squeeze %dma_start3A_664 : memref<1x8x128xf32, #tpu.memory_space<vmem>> -> memref<8x128xf32, #tpu.memory_space<vmem>>
      %dma_start3A_666 = arith.constant 8 : i32
      %dma_start3A_667 = tpu.memref_slice %arg2[%dma_start3A_666, %multiple_of3A_641] : memref<32x1000000xf32, #tpu.memory_space<hbm>> -> memref<8x128xf32, #tpu.memory_space<hbm>>
      tpu.enqueue_dma source(%dma_start3A_667 : memref<8x128xf32, #tpu.memory_space<hbm>>) target(%dma_start3A_665 : memref<8x128xf32, #tpu.memory_space<vmem>>) target_semaphore(%arg10 : memref<!tpu.dma_semaphore, #tpu.memory_space<semaphore_mem>>)
      %dma_start3A_668 = arith.constant 3 : i32
      %dma_start3A_669 = arith.constant 16 : i32
      %dma_start3A_670 = arith.constant 0 : i32
      %dma_start3A_671 = tpu.memref_slice %arg7[%dma_start3A_668, %dma_start3A_669, %dma_start3A_670] : memref<8x32x128xf32, #tpu.memory_space<vmem>> -> memref<1x8x128xf32, #tpu.memory_space<vmem>>
      %dma_start3A_672 = tpu.memref_squeeze %dma_start3A_671 : memref<1x8x128xf32, #tpu.memory_space<vmem>> -> memref<8x128xf32, #tpu.memory_space<vmem>>
      %dma_start3A_673 = arith.constant 16 : i32
      %dma_start3A_674 = tpu.memref_slice %arg2[%dma_start3A_673, %multiple_of3A_641] : memref<32x1000000xf32, #tpu.memory_space<hbm>> -> memref<8x128xf32, #tpu.memory_space<hbm>>
      %dma_start3A_675 = arith.constant 16 : i32
      %dma_start3A_676 = arith.constant 0 : i32
      %dma_start3A_677 = tpu.memref_slice %arg7[%dma_start3A_668, %dma_start3A_675, %dma_start3A_676] : memref<8x32x128xf32, #tpu.memory_space<vmem>> -> memref<1x8x128xf32, #tpu.memory_space<vmem>>
      %dma_start3A_678 = tpu.memref_squeeze %dma_start3A_677 : memref<1x8x128xf32, #tpu.memory_space<vmem>> -> memref<8x128xf32, #tpu.memory_space<vmem>>
      %dma_start3A_679 = arith.constant 16 : i32
      %dma_start3A_680 = tpu.memref_slice %arg2[%dma_start3A_679, %multiple_of3A_641] : memref<32x1000000xf32, #tpu.memory_space<hbm>> -> memref<8x128xf32, #tpu.memory_space<hbm>>
      tpu.enqueue_dma source(%dma_start3A_680 : memref<8x128xf32, #tpu.memory_space<hbm>>) target(%dma_start3A_678 : memref<8x128xf32, #tpu.memory_space<vmem>>) target_semaphore(%arg10 : memref<!tpu.dma_semaphore, #tpu.memory_space<semaphore_mem>>)
      %dma_start3A_681 = arith.constant 3 : i32
      %dma_start3A_682 = arith.constant 24 : i32
      %dma_start3A_683 = arith.constant 0 : i32
      %dma_start3A_684 = tpu.memref_slice %arg7[%dma_start3A_681, %dma_start3A_682, %dma_start3A_683] : memref<8x32x128xf32, #tpu.memory_space<vmem>> -> memref<1x8x128xf32, #tpu.memory_space<vmem>>
      %dma_start3A_685 = tpu.memref_squeeze %dma_start3A_684 : memref<1x8x128xf32, #tpu.memory_space<vmem>> -> memref<8x128xf32, #tpu.memory_space<vmem>>
      %dma_start3A_686 = arith.constant 24 : i32
      %dma_start3A_687 = tpu.memref_slice %arg2[%dma_start3A_686, %multiple_of3A_641] : memref<32x1000000xf32, #tpu.memory_space<hbm>> -> memref<8x128xf32, #tpu.memory_space<hbm>>
      %dma_start3A_688 = arith.constant 24 : i32
      %dma_start3A_689 = arith.constant 0 : i32
      %dma_start3A_690 = tpu.memref_slice %arg7[%dma_start3A_681, %dma_start3A_688, %dma_start3A_689] : memref<8x32x128xf32, #tpu.memory_space<vmem>> -> memref<1x8x128xf32, #tpu.memory_space<vmem>>
      %dma_start3A_691 = tpu.memref_squeeze %dma_start3A_690 : memref<1x8x128xf32, #tpu.memory_space<vmem>> -> memref<8x128xf32, #tpu.memory_space<vmem>>
      %dma_start3A_692 = arith.constant 24 : i32
      %dma_start3A_693 = tpu.memref_slice %arg2[%dma_start3A_692, %multiple_of3A_641] : memref<32x1000000xf32, #tpu.memory_space<hbm>> -> memref<8x128xf32, #tpu.memory_space<hbm>>
      tpu.enqueue_dma source(%dma_start3A_693 : memref<8x128xf32, #tpu.memory_space<hbm>>) target(%dma_start3A_691 : memref<8x128xf32, #tpu.memory_space<vmem>>) target_semaphore(%arg10 : memref<!tpu.dma_semaphore, #tpu.memory_space<semaphore_mem>>)
      %slice3A_694 = vector.extract_strided_slice %get3A_465 {offsets = [12], sizes = [1], strides = [1]} : vector<16xi32> to vector<1xi32>
      %squeeze3A_695 = vector.extract %slice3A_694[0] : i32 from vector<1xi32>
      %and3A_696 = arith.constant -128 : i32
      %and3A_697 = arith.andi %squeeze3A_695, %and3A_696 : i32
      %multiple_of3A_698 = tpu.assume_multiple %and3A_697, 128 : i32
      %dma_start3A_699 = arith.constant 4 : i32
      %dma_start3A_700 = arith.constant 0 : i32
      %dma_start3A_701 = arith.constant 0 : i32
      %dma_start3A_702 = tpu.memref_slice %arg7[%dma_start3A_699, %dma_start3A_700, %dma_start3A_701] : memref<8x32x128xf32, #tpu.memory_space<vmem>> -> memref<1x8x128xf32, #tpu.memory_space<vmem>>
      %dma_start3A_703 = tpu.memref_squeeze %dma_start3A_702 : memref<1x8x128xf32, #tpu.memory_space<vmem>> -> memref<8x128xf32, #tpu.memory_space<vmem>>
      %dma_start3A_704 = arith.constant 0 : i32
      %dma_start3A_705 = tpu.memref_slice %arg2[%dma_start3A_704, %multiple_of3A_698] : memref<32x1000000xf32, #tpu.memory_space<hbm>> -> memref<8x128xf32, #tpu.memory_space<hbm>>
      %dma_start3A_706 = arith.constant 0 : i32
      %dma_start3A_707 = arith.constant 0 : i32
      %dma_start3A_708 = tpu.memref_slice %arg7[%dma_start3A_699, %dma_start3A_706, %dma_start3A_707] : memref<8x32x128xf32, #tpu.memory_space<vmem>> -> memref<1x8x128xf32, #tpu.memory_space<vmem>>
      %dma_start3A_709 = tpu.memref_squeeze %dma_start3A_708 : memref<1x8x128xf32, #tpu.memory_space<vmem>> -> memref<8x128xf32, #tpu.memory_space<vmem>>
      %dma_start3A_710 = arith.constant 0 : i32
      %dma_start3A_711 = tpu.memref_slice %arg2[%dma_start3A_710, %multiple_of3A_698] : memref<32x1000000xf32, #tpu.memory_space<hbm>> -> memref<8x128xf32, #tpu.memory_space<hbm>>
      tpu.enqueue_dma source(%dma_start3A_711 : memref<8x128xf32, #tpu.memory_space<hbm>>) target(%dma_start3A_709 : memref<8x128xf32, #tpu.memory_space<vmem>>) target_semaphore(%arg10 : memref<!tpu.dma_semaphore, #tpu.memory_space<semaphore_mem>>)
      %dma_start3A_712 = arith.constant 4 : i32
      %dma_start3A_713 = arith.constant 8 : i32
      %dma_start3A_714 = arith.constant 0 : i32
      %dma_start3A_715 = tpu.memref_slice %arg7[%dma_start3A_712, %dma_start3A_713, %dma_start3A_714] : memref<8x32x128xf32, #tpu.memory_space<vmem>> -> memref<1x8x128xf32, #tpu.memory_space<vmem>>
      %dma_start3A_716 = tpu.memref_squeeze %dma_start3A_715 : memref<1x8x128xf32, #tpu.memory_space<vmem>> -> memref<8x128xf32, #tpu.memory_space<vmem>>
      %dma_start3A_717 = arith.constant 8 : i32
      %dma_start3A_718 = tpu.memref_slice %arg2[%dma_start3A_717, %multiple_of3A_698] : memref<32x1000000xf32, #tpu.memory_space<hbm>> -> memref<8x128xf32, #tpu.memory_space<hbm>>
      %dma_start3A_719 = arith.constant 8 : i32
      %dma_start3A_720 = arith.constant 0 : i32
      %dma_start3A_721 = tpu.memref_slice %arg7[%dma_start3A_712, %dma_start3A_719, %dma_start3A_720] : memref<8x32x128xf32, #tpu.memory_space<vmem>> -> memref<1x8x128xf32, #tpu.memory_space<vmem>>
      %dma_start3A_722 = tpu.memref_squeeze %dma_start3A_721 : memref<1x8x128xf32, #tpu.memory_space<vmem>> -> memref<8x128xf32, #tpu.memory_space<vmem>>
      %dma_start3A_723 = arith.constant 8 : i32
      %dma_start3A_724 = tpu.memref_slice %arg2[%dma_start3A_723, %multiple_of3A_698] : memref<32x1000000xf32, #tpu.memory_space<hbm>> -> memref<8x128xf32, #tpu.memory_space<hbm>>
      tpu.enqueue_dma source(%dma_start3A_724 : memref<8x128xf32, #tpu.memory_space<hbm>>) target(%dma_start3A_722 : memref<8x128xf32, #tpu.memory_space<vmem>>) target_semaphore(%arg10 : memref<!tpu.dma_semaphore, #tpu.memory_space<semaphore_mem>>)
      %dma_start3A_725 = arith.constant 4 : i32
      %dma_start3A_726 = arith.constant 16 : i32
      %dma_start3A_727 = arith.constant 0 : i32
      %dma_start3A_728 = tpu.memref_slice %arg7[%dma_start3A_725, %dma_start3A_726, %dma_start3A_727] : memref<8x32x128xf32, #tpu.memory_space<vmem>> -> memref<1x8x128xf32, #tpu.memory_space<vmem>>
      %dma_start3A_729 = tpu.memref_squeeze %dma_start3A_728 : memref<1x8x128xf32, #tpu.memory_space<vmem>> -> memref<8x128xf32, #tpu.memory_space<vmem>>
      %dma_start3A_730 = arith.constant 16 : i32
      %dma_start3A_731 = tpu.memref_slice %arg2[%dma_start3A_730, %multiple_of3A_698] : memref<32x1000000xf32, #tpu.memory_space<hbm>> -> memref<8x128xf32, #tpu.memory_space<hbm>>
      %dma_start3A_732 = arith.constant 16 : i32
      %dma_start3A_733 = arith.constant 0 : i32
      %dma_start3A_734 = tpu.memref_slice %arg7[%dma_start3A_725, %dma_start3A_732, %dma_start3A_733] : memref<8x32x128xf32, #tpu.memory_space<vmem>> -> memref<1x8x128xf32, #tpu.memory_space<vmem>>
      %dma_start3A_735 = tpu.memref_squeeze %dma_start3A_734 : memref<1x8x128xf32, #tpu.memory_space<vmem>> -> memref<8x128xf32, #tpu.memory_space<vmem>>
      %dma_start3A_736 = arith.constant 16 : i32
      %dma_start3A_737 = tpu.memref_slice %arg2[%dma_start3A_736, %multiple_of3A_698] : memref<32x1000000xf32, #tpu.memory_space<hbm>> -> memref<8x128xf32, #tpu.memory_space<hbm>>
      tpu.enqueue_dma source(%dma_start3A_737 : memref<8x128xf32, #tpu.memory_space<hbm>>) target(%dma_start3A_735 : memref<8x128xf32, #tpu.memory_space<vmem>>) target_semaphore(%arg10 : memref<!tpu.dma_semaphore, #tpu.memory_space<semaphore_mem>>)
      %dma_start3A_738 = arith.constant 4 : i32
      %dma_start3A_739 = arith.constant 24 : i32
      %dma_start3A_740 = arith.constant 0 : i32
      %dma_start3A_741 = tpu.memref_slice %arg7[%dma_start3A_738, %dma_start3A_739, %dma_start3A_740] : memref<8x32x128xf32, #tpu.memory_space<vmem>> -> memref<1x8x128xf32, #tpu.memory_space<vmem>>
      %dma_start3A_742 = tpu.memref_squeeze %dma_start3A_741 : memref<1x8x128xf32, #tpu.memory_space<vmem>> -> memref<8x128xf32, #tpu.memory_space<vmem>>
      %dma_start3A_743 = arith.constant 24 : i32
      %dma_start3A_744 = tpu.memref_slice %arg2[%dma_start3A_743, %multiple_of3A_698] : memref<32x1000000xf32, #tpu.memory_space<hbm>> -> memref<8x128xf32, #tpu.memory_space<hbm>>
      %dma_start3A_745 = arith.constant 24 : i32
      %dma_start3A_746 = arith.constant 0 : i32
      %dma_start3A_747 = tpu.memref_slice %arg7[%dma_start3A_738, %dma_start3A_745, %dma_start3A_746] : memref<8x32x128xf32, #tpu.memory_space<vmem>> -> memref<1x8x128xf32, #tpu.memory_space<vmem>>
      %dma_start3A_748 = tpu.memref_squeeze %dma_start3A_747 : memref<1x8x128xf32, #tpu.memory_space<vmem>> -> memref<8x128xf32, #tpu.memory_space<vmem>>
      %dma_start3A_749 = arith.constant 24 : i32
      %dma_start3A_750 = tpu.memref_slice %arg2[%dma_start3A_749, %multiple_of3A_698] : memref<32x1000000xf32, #tpu.memory_space<hbm>> -> memref<8x128xf32, #tpu.memory_space<hbm>>
      tpu.enqueue_dma source(%dma_start3A_750 : memref<8x128xf32, #tpu.memory_space<hbm>>) target(%dma_start3A_748 : memref<8x128xf32, #tpu.memory_space<vmem>>) target_semaphore(%arg10 : memref<!tpu.dma_semaphore, #tpu.memory_space<semaphore_mem>>)
      %slice3A_751 = vector.extract_strided_slice %get3A_465 {offsets = [13], sizes = [1], strides = [1]} : vector<16xi32> to vector<1xi32>
      %squeeze3A_752 = vector.extract %slice3A_751[0] : i32 from vector<1xi32>
      %and3A_753 = arith.constant -128 : i32
      %and3A_754 = arith.andi %squeeze3A_752, %and3A_753 : i32
      %multiple_of3A_755 = tpu.assume_multiple %and3A_754, 128 : i32
      %dma_start3A_756 = arith.constant 5 : i32
      %dma_start3A_757 = arith.constant 0 : i32
      %dma_start3A_758 = arith.constant 0 : i32
      %dma_start3A_759 = tpu.memref_slice %arg7[%dma_start3A_756, %dma_start3A_757, %dma_start3A_758] : memref<8x32x128xf32, #tpu.memory_space<vmem>> -> memref<1x8x128xf32, #tpu.memory_space<vmem>>
      %dma_start3A_760 = tpu.memref_squeeze %dma_start3A_759 : memref<1x8x128xf32, #tpu.memory_space<vmem>> -> memref<8x128xf32, #tpu.memory_space<vmem>>
      %dma_start3A_761 = arith.constant 0 : i32
      %dma_start3A_762 = tpu.memref_slice %arg2[%dma_start3A_761, %multiple_of3A_755] : memref<32x1000000xf32, #tpu.memory_space<hbm>> -> memref<8x128xf32, #tpu.memory_space<hbm>>
      %dma_start3A_763 = arith.constant 0 : i32
      %dma_start3A_764 = arith.constant 0 : i32
      %dma_start3A_765 = tpu.memref_slice %arg7[%dma_start3A_756, %dma_start3A_763, %dma_start3A_764] : memref<8x32x128xf32, #tpu.memory_space<vmem>> -> memref<1x8x128xf32, #tpu.memory_space<vmem>>
      %dma_start3A_766 = tpu.memref_squeeze %dma_start3A_765 : memref<1x8x128xf32, #tpu.memory_space<vmem>> -> memref<8x128xf32, #tpu.memory_space<vmem>>
      %dma_start3A_767 = arith.constant 0 : i32
      %dma_start3A_768 = tpu.memref_slice %arg2[%dma_start3A_767, %multiple_of3A_755] : memref<32x1000000xf32, #tpu.memory_space<hbm>> -> memref<8x128xf32, #tpu.memory_space<hbm>>
      tpu.enqueue_dma source(%dma_start3A_768 : memref<8x128xf32, #tpu.memory_space<hbm>>) target(%dma_start3A_766 : memref<8x128xf32, #tpu.memory_space<vmem>>) target_semaphore(%arg10 : memref<!tpu.dma_semaphore, #tpu.memory_space<semaphore_mem>>)
      %dma_start3A_769 = arith.constant 5 : i32
      %dma_start3A_770 = arith.constant 8 : i32
      %dma_start3A_771 = arith.constant 0 : i32
      %dma_start3A_772 = tpu.memref_slice %arg7[%dma_start3A_769, %dma_start3A_770, %dma_start3A_771] : memref<8x32x128xf32, #tpu.memory_space<vmem>> -> memref<1x8x128xf32, #tpu.memory_space<vmem>>
      %dma_start3A_773 = tpu.memref_squeeze %dma_start3A_772 : memref<1x8x128xf32, #tpu.memory_space<vmem>> -> memref<8x128xf32, #tpu.memory_space<vmem>>
      %dma_start3A_774 = arith.constant 8 : i32
      %dma_start3A_775 = tpu.memref_slice %arg2[%dma_start3A_774, %multiple_of3A_755] : memref<32x1000000xf32, #tpu.memory_space<hbm>> -> memref<8x128xf32, #tpu.memory_space<hbm>>
      %dma_start3A_776 = arith.constant 8 : i32
      %dma_start3A_777 = arith.constant 0 : i32
      %dma_start3A_778 = tpu.memref_slice %arg7[%dma_start3A_769, %dma_start3A_776, %dma_start3A_777] : memref<8x32x128xf32, #tpu.memory_space<vmem>> -> memref<1x8x128xf32, #tpu.memory_space<vmem>>
      %dma_start3A_779 = tpu.memref_squeeze %dma_start3A_778 : memref<1x8x128xf32, #tpu.memory_space<vmem>> -> memref<8x128xf32, #tpu.memory_space<vmem>>
      %dma_start3A_780 = arith.constant 8 : i32
      %dma_start3A_781 = tpu.memref_slice %arg2[%dma_start3A_780, %multiple_of3A_755] : memref<32x1000000xf32, #tpu.memory_space<hbm>> -> memref<8x128xf32, #tpu.memory_space<hbm>>
      tpu.enqueue_dma source(%dma_start3A_781 : memref<8x128xf32, #tpu.memory_space<hbm>>) target(%dma_start3A_779 : memref<8x128xf32, #tpu.memory_space<vmem>>) target_semaphore(%arg10 : memref<!tpu.dma_semaphore, #tpu.memory_space<semaphore_mem>>)
      %dma_start3A_782 = arith.constant 5 : i32
      %dma_start3A_783 = arith.constant 16 : i32
      %dma_start3A_784 = arith.constant 0 : i32
      %dma_start3A_785 = tpu.memref_slice %arg7[%dma_start3A_782, %dma_start3A_783, %dma_start3A_784] : memref<8x32x128xf32, #tpu.memory_space<vmem>> -> memref<1x8x128xf32, #tpu.memory_space<vmem>>
      %dma_start3A_786 = tpu.memref_squeeze %dma_start3A_785 : memref<1x8x128xf32, #tpu.memory_space<vmem>> -> memref<8x128xf32, #tpu.memory_space<vmem>>
      %dma_start3A_787 = arith.constant 16 : i32
      %dma_start3A_788 = tpu.memref_slice %arg2[%dma_start3A_787, %multiple_of3A_755] : memref<32x1000000xf32, #tpu.memory_space<hbm>> -> memref<8x128xf32, #tpu.memory_space<hbm>>
      %dma_start3A_789 = arith.constant 16 : i32
      %dma_start3A_790 = arith.constant 0 : i32
      %dma_start3A_791 = tpu.memref_slice %arg7[%dma_start3A_782, %dma_start3A_789, %dma_start3A_790] : memref<8x32x128xf32, #tpu.memory_space<vmem>> -> memref<1x8x128xf32, #tpu.memory_space<vmem>>
      %dma_start3A_792 = tpu.memref_squeeze %dma_start3A_791 : memref<1x8x128xf32, #tpu.memory_space<vmem>> -> memref<8x128xf32, #tpu.memory_space<vmem>>
      %dma_start3A_793 = arith.constant 16 : i32
      %dma_start3A_794 = tpu.memref_slice %arg2[%dma_start3A_793, %multiple_of3A_755] : memref<32x1000000xf32, #tpu.memory_space<hbm>> -> memref<8x128xf32, #tpu.memory_space<hbm>>
      tpu.enqueue_dma source(%dma_start3A_794 : memref<8x128xf32, #tpu.memory_space<hbm>>) target(%dma_start3A_792 : memref<8x128xf32, #tpu.memory_space<vmem>>) target_semaphore(%arg10 : memref<!tpu.dma_semaphore, #tpu.memory_space<semaphore_mem>>)
      %dma_start3A_795 = arith.constant 5 : i32
      %dma_start3A_796 = arith.constant 24 : i32
      %dma_start3A_797 = arith.constant 0 : i32
      %dma_start3A_798 = tpu.memref_slice %arg7[%dma_start3A_795, %dma_start3A_796, %dma_start3A_797] : memref<8x32x128xf32, #tpu.memory_space<vmem>> -> memref<1x8x128xf32, #tpu.memory_space<vmem>>
      %dma_start3A_799 = tpu.memref_squeeze %dma_start3A_798 : memref<1x8x128xf32, #tpu.memory_space<vmem>> -> memref<8x128xf32, #tpu.memory_space<vmem>>
      %dma_start3A_800 = arith.constant 24 : i32
      %dma_start3A_801 = tpu.memref_slice %arg2[%dma_start3A_800, %multiple_of3A_755] : memref<32x1000000xf32, #tpu.memory_space<hbm>> -> memref<8x128xf32, #tpu.memory_space<hbm>>
      %dma_start3A_802 = arith.constant 24 : i32
      %dma_start3A_803 = arith.constant 0 : i32
      %dma_start3A_804 = tpu.memref_slice %arg7[%dma_start3A_795, %dma_start3A_802, %dma_start3A_803] : memref<8x32x128xf32, #tpu.memory_space<vmem>> -> memref<1x8x128xf32, #tpu.memory_space<vmem>>
      %dma_start3A_805 = tpu.memref_squeeze %dma_start3A_804 : memref<1x8x128xf32, #tpu.memory_space<vmem>> -> memref<8x128xf32, #tpu.memory_space<vmem>>
      %dma_start3A_806 = arith.constant 24 : i32
      %dma_start3A_807 = tpu.memref_slice %arg2[%dma_start3A_806, %multiple_of3A_755] : memref<32x1000000xf32, #tpu.memory_space<hbm>> -> memref<8x128xf32, #tpu.memory_space<hbm>>
      tpu.enqueue_dma source(%dma_start3A_807 : memref<8x128xf32, #tpu.memory_space<hbm>>) target(%dma_start3A_805 : memref<8x128xf32, #tpu.memory_space<vmem>>) target_semaphore(%arg10 : memref<!tpu.dma_semaphore, #tpu.memory_space<semaphore_mem>>)
      %slice3A_808 = vector.extract_strided_slice %get3A_465 {offsets = [14], sizes = [1], strides = [1]} : vector<16xi32> to vector<1xi32>
      %squeeze3A_809 = vector.extract %slice3A_808[0] : i32 from vector<1xi32>
      %and3A_810 = arith.constant -128 : i32
      %and3A_811 = arith.andi %squeeze3A_809, %and3A_810 : i32
      %multiple_of3A_812 = tpu.assume_multiple %and3A_811, 128 : i32
      %dma_start3A_813 = arith.constant 6 : i32
      %dma_start3A_814 = arith.constant 0 : i32
      %dma_start3A_815 = arith.constant 0 : i32
      %dma_start3A_816 = tpu.memref_slice %arg7[%dma_start3A_813, %dma_start3A_814, %dma_start3A_815] : memref<8x32x128xf32, #tpu.memory_space<vmem>> -> memref<1x8x128xf32, #tpu.memory_space<vmem>>
      %dma_start3A_817 = tpu.memref_squeeze %dma_start3A_816 : memref<1x8x128xf32, #tpu.memory_space<vmem>> -> memref<8x128xf32, #tpu.memory_space<vmem>>
      %dma_start3A_818 = arith.constant 0 : i32
      %dma_start3A_819 = tpu.memref_slice %arg2[%dma_start3A_818, %multiple_of3A_812] : memref<32x1000000xf32, #tpu.memory_space<hbm>> -> memref<8x128xf32, #tpu.memory_space<hbm>>
      %dma_start3A_820 = arith.constant 0 : i32
      %dma_start3A_821 = arith.constant 0 : i32
      %dma_start3A_822 = tpu.memref_slice %arg7[%dma_start3A_813, %dma_start3A_820, %dma_start3A_821] : memref<8x32x128xf32, #tpu.memory_space<vmem>> -> memref<1x8x128xf32, #tpu.memory_space<vmem>>
      %dma_start3A_823 = tpu.memref_squeeze %dma_start3A_822 : memref<1x8x128xf32, #tpu.memory_space<vmem>> -> memref<8x128xf32, #tpu.memory_space<vmem>>
      %dma_start3A_824 = arith.constant 0 : i32
      %dma_start3A_825 = tpu.memref_slice %arg2[%dma_start3A_824, %multiple_of3A_812] : memref<32x1000000xf32, #tpu.memory_space<hbm>> -> memref<8x128xf32, #tpu.memory_space<hbm>>
      tpu.enqueue_dma source(%dma_start3A_825 : memref<8x128xf32, #tpu.memory_space<hbm>>) target(%dma_start3A_823 : memref<8x128xf32, #tpu.memory_space<vmem>>) target_semaphore(%arg10 : memref<!tpu.dma_semaphore, #tpu.memory_space<semaphore_mem>>)
      %dma_start3A_826 = arith.constant 6 : i32
      %dma_start3A_827 = arith.constant 8 : i32
      %dma_start3A_828 = arith.constant 0 : i32
      %dma_start3A_829 = tpu.memref_slice %arg7[%dma_start3A_826, %dma_start3A_827, %dma_start3A_828] : memref<8x32x128xf32, #tpu.memory_space<vmem>> -> memref<1x8x128xf32, #tpu.memory_space<vmem>>
      %dma_start3A_830 = tpu.memref_squeeze %dma_start3A_829 : memref<1x8x128xf32, #tpu.memory_space<vmem>> -> memref<8x128xf32, #tpu.memory_space<vmem>>
      %dma_start3A_831 = arith.constant 8 : i32
      %dma_start3A_832 = tpu.memref_slice %arg2[%dma_start3A_831, %multiple_of3A_812] : memref<32x1000000xf32, #tpu.memory_space<hbm>> -> memref<8x128xf32, #tpu.memory_space<hbm>>
      %dma_start3A_833 = arith.constant 8 : i32
      %dma_start3A_834 = arith.constant 0 : i32
      %dma_start3A_835 = tpu.memref_slice %arg7[%dma_start3A_826, %dma_start3A_833, %dma_start3A_834] : memref<8x32x128xf32, #tpu.memory_space<vmem>> -> memref<1x8x128xf32, #tpu.memory_space<vmem>>
      %dma_start3A_836 = tpu.memref_squeeze %dma_start3A_835 : memref<1x8x128xf32, #tpu.memory_space<vmem>> -> memref<8x128xf32, #tpu.memory_space<vmem>>
      %dma_start3A_837 = arith.constant 8 : i32
      %dma_start3A_838 = tpu.memref_slice %arg2[%dma_start3A_837, %multiple_of3A_812] : memref<32x1000000xf32, #tpu.memory_space<hbm>> -> memref<8x128xf32, #tpu.memory_space<hbm>>
      tpu.enqueue_dma source(%dma_start3A_838 : memref<8x128xf32, #tpu.memory_space<hbm>>) target(%dma_start3A_836 : memref<8x128xf32, #tpu.memory_space<vmem>>) target_semaphore(%arg10 : memref<!tpu.dma_semaphore, #tpu.memory_space<semaphore_mem>>)
      %dma_start3A_839 = arith.constant 6 : i32
      %dma_start3A_840 = arith.constant 16 : i32
      %dma_start3A_841 = arith.constant 0 : i32
      %dma_start3A_842 = tpu.memref_slice %arg7[%dma_start3A_839, %dma_start3A_840, %dma_start3A_841] : memref<8x32x128xf32, #tpu.memory_space<vmem>> -> memref<1x8x128xf32, #tpu.memory_space<vmem>>
      %dma_start3A_843 = tpu.memref_squeeze %dma_start3A_842 : memref<1x8x128xf32, #tpu.memory_space<vmem>> -> memref<8x128xf32, #tpu.memory_space<vmem>>
      %dma_start3A_844 = arith.constant 16 : i32
      %dma_start3A_845 = tpu.memref_slice %arg2[%dma_start3A_844, %multiple_of3A_812] : memref<32x1000000xf32, #tpu.memory_space<hbm>> -> memref<8x128xf32, #tpu.memory_space<hbm>>
      %dma_start3A_846 = arith.constant 16 : i32
      %dma_start3A_847 = arith.constant 0 : i32
      %dma_start3A_848 = tpu.memref_slice %arg7[%dma_start3A_839, %dma_start3A_846, %dma_start3A_847] : memref<8x32x128xf32, #tpu.memory_space<vmem>> -> memref<1x8x128xf32, #tpu.memory_space<vmem>>
      %dma_start3A_849 = tpu.memref_squeeze %dma_start3A_848 : memref<1x8x128xf32, #tpu.memory_space<vmem>> -> memref<8x128xf32, #tpu.memory_space<vmem>>
      %dma_start3A_850 = arith.constant 16 : i32
      %dma_start3A_851 = tpu.memref_slice %arg2[%dma_start3A_850, %multiple_of3A_812] : memref<32x1000000xf32, #tpu.memory_space<hbm>> -> memref<8x128xf32, #tpu.memory_space<hbm>>
      tpu.enqueue_dma source(%dma_start3A_851 : memref<8x128xf32, #tpu.memory_space<hbm>>) target(%dma_start3A_849 : memref<8x128xf32, #tpu.memory_space<vmem>>) target_semaphore(%arg10 : memref<!tpu.dma_semaphore, #tpu.memory_space<semaphore_mem>>)
      %dma_start3A_852 = arith.constant 6 : i32
      %dma_start3A_853 = arith.constant 24 : i32
      %dma_start3A_854 = arith.constant 0 : i32
      %dma_start3A_855 = tpu.memref_slice %arg7[%dma_start3A_852, %dma_start3A_853, %dma_start3A_854] : memref<8x32x128xf32, #tpu.memory_space<vmem>> -> memref<1x8x128xf32, #tpu.memory_space<vmem>>
      %dma_start3A_856 = tpu.memref_squeeze %dma_start3A_855 : memref<1x8x128xf32, #tpu.memory_space<vmem>> -> memref<8x128xf32, #tpu.memory_space<vmem>>
      %dma_start3A_857 = arith.constant 24 : i32
      %dma_start3A_858 = tpu.memref_slice %arg2[%dma_start3A_857, %multiple_of3A_812] : memref<32x1000000xf32, #tpu.memory_space<hbm>> -> memref<8x128xf32, #tpu.memory_space<hbm>>
      %dma_start3A_859 = arith.constant 24 : i32
      %dma_start3A_860 = arith.constant 0 : i32
      %dma_start3A_861 = tpu.memref_slice %arg7[%dma_start3A_852, %dma_start3A_859, %dma_start3A_860] : memref<8x32x128xf32, #tpu.memory_space<vmem>> -> memref<1x8x128xf32, #tpu.memory_space<vmem>>
      %dma_start3A_862 = tpu.memref_squeeze %dma_start3A_861 : memref<1x8x128xf32, #tpu.memory_space<vmem>> -> memref<8x128xf32, #tpu.memory_space<vmem>>
      %dma_start3A_863 = arith.constant 24 : i32
      %dma_start3A_864 = tpu.memref_slice %arg2[%dma_start3A_863, %multiple_of3A_812] : memref<32x1000000xf32, #tpu.memory_space<hbm>> -> memref<8x128xf32, #tpu.memory_space<hbm>>
      tpu.enqueue_dma source(%dma_start3A_864 : memref<8x128xf32, #tpu.memory_space<hbm>>) target(%dma_start3A_862 : memref<8x128xf32, #tpu.memory_space<vmem>>) target_semaphore(%arg10 : memref<!tpu.dma_semaphore, #tpu.memory_space<semaphore_mem>>)
      %slice3A_865 = vector.extract_strided_slice %get3A_465 {offsets = [15], sizes = [1], strides = [1]} : vector<16xi32> to vector<1xi32>
      %squeeze3A_866 = vector.extract %slice3A_865[0] : i32 from vector<1xi32>
      %and3A_867 = arith.constant -128 : i32
      %and3A_868 = arith.andi %squeeze3A_866, %and3A_867 : i32
      %multiple_of3A_869 = tpu.assume_multiple %and3A_868, 128 : i32
      %dma_start3A_870 = arith.constant 7 : i32
      %dma_start3A_871 = arith.constant 0 : i32
      %dma_start3A_872 = arith.constant 0 : i32
      %dma_start3A_873 = tpu.memref_slice %arg7[%dma_start3A_870, %dma_start3A_871, %dma_start3A_872] : memref<8x32x128xf32, #tpu.memory_space<vmem>> -> memref<1x8x128xf32, #tpu.memory_space<vmem>>
      %dma_start3A_874 = tpu.memref_squeeze %dma_start3A_873 : memref<1x8x128xf32, #tpu.memory_space<vmem>> -> memref<8x128xf32, #tpu.memory_space<vmem>>
      %dma_start3A_875 = arith.constant 0 : i32
      %dma_start3A_876 = tpu.memref_slice %arg2[%dma_start3A_875, %multiple_of3A_869] : memref<32x1000000xf32, #tpu.memory_space<hbm>> -> memref<8x128xf32, #tpu.memory_space<hbm>>
      %dma_start3A_877 = arith.constant 0 : i32
      %dma_start3A_878 = arith.constant 0 : i32
      %dma_start3A_879 = tpu.memref_slice %arg7[%dma_start3A_870, %dma_start3A_877, %dma_start3A_878] : memref<8x32x128xf32, #tpu.memory_space<vmem>> -> memref<1x8x128xf32, #tpu.memory_space<vmem>>
      %dma_start3A_880 = tpu.memref_squeeze %dma_start3A_879 : memref<1x8x128xf32, #tpu.memory_space<vmem>> -> memref<8x128xf32, #tpu.memory_space<vmem>>
      %dma_start3A_881 = arith.constant 0 : i32
      %dma_start3A_882 = tpu.memref_slice %arg2[%dma_start3A_881, %multiple_of3A_869] : memref<32x1000000xf32, #tpu.memory_space<hbm>> -> memref<8x128xf32, #tpu.memory_space<hbm>>
      tpu.enqueue_dma source(%dma_start3A_882 : memref<8x128xf32, #tpu.memory_space<hbm>>) target(%dma_start3A_880 : memref<8x128xf32, #tpu.memory_space<vmem>>) target_semaphore(%arg10 : memref<!tpu.dma_semaphore, #tpu.memory_space<semaphore_mem>>)
      %dma_start3A_883 = arith.constant 7 : i32
      %dma_start3A_884 = arith.constant 8 : i32
      %dma_start3A_885 = arith.constant 0 : i32
      %dma_start3A_886 = tpu.memref_slice %arg7[%dma_start3A_883, %dma_start3A_884, %dma_start3A_885] : memref<8x32x128xf32, #tpu.memory_space<vmem>> -> memref<1x8x128xf32, #tpu.memory_space<vmem>>
      %dma_start3A_887 = tpu.memref_squeeze %dma_start3A_886 : memref<1x8x128xf32, #tpu.memory_space<vmem>> -> memref<8x128xf32, #tpu.memory_space<vmem>>
      %dma_start3A_888 = arith.constant 8 : i32
      %dma_start3A_889 = tpu.memref_slice %arg2[%dma_start3A_888, %multiple_of3A_869] : memref<32x1000000xf32, #tpu.memory_space<hbm>> -> memref<8x128xf32, #tpu.memory_space<hbm>>
      %dma_start3A_890 = arith.constant 8 : i32
      %dma_start3A_891 = arith.constant 0 : i32
      %dma_start3A_892 = tpu.memref_slice %arg7[%dma_start3A_883, %dma_start3A_890, %dma_start3A_891] : memref<8x32x128xf32, #tpu.memory_space<vmem>> -> memref<1x8x128xf32, #tpu.memory_space<vmem>>
      %dma_start3A_893 = tpu.memref_squeeze %dma_start3A_892 : memref<1x8x128xf32, #tpu.memory_space<vmem>> -> memref<8x128xf32, #tpu.memory_space<vmem>>
      %dma_start3A_894 = arith.constant 8 : i32
      %dma_start3A_895 = tpu.memref_slice %arg2[%dma_start3A_894, %multiple_of3A_869] : memref<32x1000000xf32, #tpu.memory_space<hbm>> -> memref<8x128xf32, #tpu.memory_space<hbm>>
      tpu.enqueue_dma source(%dma_start3A_895 : memref<8x128xf32, #tpu.memory_space<hbm>>) target(%dma_start3A_893 : memref<8x128xf32, #tpu.memory_space<vmem>>) target_semaphore(%arg10 : memref<!tpu.dma_semaphore, #tpu.memory_space<semaphore_mem>>)
      %dma_start3A_896 = arith.constant 7 : i32
      %dma_start3A_897 = arith.constant 16 : i32
      %dma_start3A_898 = arith.constant 0 : i32
      %dma_start3A_899 = tpu.memref_slice %arg7[%dma_start3A_896, %dma_start3A_897, %dma_start3A_898] : memref<8x32x128xf32, #tpu.memory_space<vmem>> -> memref<1x8x128xf32, #tpu.memory_space<vmem>>
      %dma_start3A_900 = tpu.memref_squeeze %dma_start3A_899 : memref<1x8x128xf32, #tpu.memory_space<vmem>> -> memref<8x128xf32, #tpu.memory_space<vmem>>
      %dma_start3A_901 = arith.constant 16 : i32
      %dma_start3A_902 = tpu.memref_slice %arg2[%dma_start3A_901, %multiple_of3A_869] : memref<32x1000000xf32, #tpu.memory_space<hbm>> -> memref<8x128xf32, #tpu.memory_space<hbm>>
      %dma_start3A_903 = arith.constant 16 : i32
      %dma_start3A_904 = arith.constant 0 : i32
      %dma_start3A_905 = tpu.memref_slice %arg7[%dma_start3A_896, %dma_start3A_903, %dma_start3A_904] : memref<8x32x128xf32, #tpu.memory_space<vmem>> -> memref<1x8x128xf32, #tpu.memory_space<vmem>>
      %dma_start3A_906 = tpu.memref_squeeze %dma_start3A_905 : memref<1x8x128xf32, #tpu.memory_space<vmem>> -> memref<8x128xf32, #tpu.memory_space<vmem>>
      %dma_start3A_907 = arith.constant 16 : i32
      %dma_start3A_908 = tpu.memref_slice %arg2[%dma_start3A_907, %multiple_of3A_869] : memref<32x1000000xf32, #tpu.memory_space<hbm>> -> memref<8x128xf32, #tpu.memory_space<hbm>>
      tpu.enqueue_dma source(%dma_start3A_908 : memref<8x128xf32, #tpu.memory_space<hbm>>) target(%dma_start3A_906 : memref<8x128xf32, #tpu.memory_space<vmem>>) target_semaphore(%arg10 : memref<!tpu.dma_semaphore, #tpu.memory_space<semaphore_mem>>)
      %dma_start3A_909 = arith.constant 7 : i32
      %dma_start3A_910 = arith.constant 24 : i32
      %dma_start3A_911 = arith.constant 0 : i32
      %dma_start3A_912 = tpu.memref_slice %arg7[%dma_start3A_909, %dma_start3A_910, %dma_start3A_911] : memref<8x32x128xf32, #tpu.memory_space<vmem>> -> memref<1x8x128xf32, #tpu.memory_space<vmem>>
      %dma_start3A_913 = tpu.memref_squeeze %dma_start3A_912 : memref<1x8x128xf32, #tpu.memory_space<vmem>> -> memref<8x128xf32, #tpu.memory_space<vmem>>
      %dma_start3A_914 = arith.constant 24 : i32
      %dma_start3A_915 = tpu.memref_slice %arg2[%dma_start3A_914, %multiple_of3A_869] : memref<32x1000000xf32, #tpu.memory_space<hbm>> -> memref<8x128xf32, #tpu.memory_space<hbm>>
      %dma_start3A_916 = arith.constant 24 : i32
      %dma_start3A_917 = arith.constant 0 : i32
      %dma_start3A_918 = tpu.memref_slice %arg7[%dma_start3A_909, %dma_start3A_916, %dma_start3A_917] : memref<8x32x128xf32, #tpu.memory_space<vmem>> -> memref<1x8x128xf32, #tpu.memory_space<vmem>>
      %dma_start3A_919 = tpu.memref_squeeze %dma_start3A_918 : memref<1x8x128xf32, #tpu.memory_space<vmem>> -> memref<8x128xf32, #tpu.memory_space<vmem>>
      %dma_start3A_920 = arith.constant 24 : i32
      %dma_start3A_921 = tpu.memref_slice %arg2[%dma_start3A_920, %multiple_of3A_869] : memref<32x1000000xf32, #tpu.memory_space<hbm>> -> memref<8x128xf32, #tpu.memory_space<hbm>>
      tpu.enqueue_dma source(%dma_start3A_921 : memref<8x128xf32, #tpu.memory_space<hbm>>) target(%dma_start3A_919 : memref<8x128xf32, #tpu.memory_space<vmem>>) target_semaphore(%arg10 : memref<!tpu.dma_semaphore, #tpu.memory_space<semaphore_mem>>)
      %mul3A_922 = arith.constant 2 : i32
      %mul3A_923 = arith.muli %mul3A_922, %scan3A_459 : i32
      %dma_wait3A = arith.constant 0 : i32
      %dma_wait3A_924 = arith.constant 0 : i32
      %dma_wait3A_925 = arith.constant 0 : i32
      %dma_wait3A_926 = tpu.memref_slice %arg6[%dma_wait3A, %dma_wait3A_924, %dma_wait3A_925] : memref<8x32x128xf32, #tpu.memory_space<vmem>> -> memref<1x32x128xf32, #tpu.memory_space<vmem>>
      %dma_wait3A_927 = tpu.memref_squeeze %dma_wait3A_926 : memref<1x32x128xf32, #tpu.memory_space<vmem>> -> memref<32x128xf32, #tpu.memory_space<vmem>>
      %dma_wait3A_928 = arith.constant 0 : i32
      %dma_wait3A_929 = arith.constant 0 : i32
      %dma_wait3A_930 = tpu.memref_slice %arg2[%dma_wait3A_928, %dma_wait3A_929] : memref<32x1000000xf32, #tpu.memory_space<hbm>> -> memref<32x128xf32, #tpu.memory_space<hbm>>
      %dma_wait3A_931 = arith.constant 0 : i32
      %dma_wait3A_932 = arith.constant 0 : i32
      %dma_wait3A_933 = tpu.memref_slice %arg6[%dma_wait3A, %dma_wait3A_931, %dma_wait3A_932] : memref<8x32x128xf32, #tpu.memory_space<vmem>> -> memref<1x32x128xf32, #tpu.memory_space<vmem>>
      %dma_wait3A_934 = tpu.memref_squeeze %dma_wait3A_933 : memref<1x32x128xf32, #tpu.memory_space<vmem>> -> memref<32x128xf32, #tpu.memory_space<vmem>>
      %dma_wait3A_935 = arith.constant 0 : i32
      %dma_wait3A_936 = arith.constant 0 : i32
      %dma_wait3A_937 = tpu.memref_slice %arg2[%dma_wait3A_935, %dma_wait3A_936] : memref<32x1000000xf32, #tpu.memory_space<hbm>> -> memref<32x128xf32, #tpu.memory_space<hbm>>
      tpu.wait_dma2 semaphore(%arg9 : memref<!tpu.dma_semaphore, #tpu.memory_space<semaphore_mem>>) src(%dma_wait3A_937 : memref<32x128xf32, #tpu.memory_space<hbm>>) dst(%dma_wait3A_934 : memref<32x128xf32, #tpu.memory_space<vmem>>)
      %dma_wait3A_938 = arith.constant 1 : i32
      %dma_wait3A_939 = arith.constant 0 : i32
      %dma_wait3A_940 = arith.constant 0 : i32
      %dma_wait3A_941 = tpu.memref_slice %arg6[%dma_wait3A_938, %dma_wait3A_939, %dma_wait3A_940] : memref<8x32x128xf32, #tpu.memory_space<vmem>> -> memref<1x32x128xf32, #tpu.memory_space<vmem>>
      %dma_wait3A_942 = tpu.memref_squeeze %dma_wait3A_941 : memref<1x32x128xf32, #tpu.memory_space<vmem>> -> memref<32x128xf32, #tpu.memory_space<vmem>>
      %dma_wait3A_943 = arith.constant 0 : i32
      %dma_wait3A_944 = arith.constant 0 : i32
      %dma_wait3A_945 = tpu.memref_slice %arg2[%dma_wait3A_943, %dma_wait3A_944] : memref<32x1000000xf32, #tpu.memory_space<hbm>> -> memref<32x128xf32, #tpu.memory_space<hbm>>
      %dma_wait3A_946 = arith.constant 0 : i32
      %dma_wait3A_947 = arith.constant 0 : i32
      %dma_wait3A_948 = tpu.memref_slice %arg6[%dma_wait3A_938, %dma_wait3A_946, %dma_wait3A_947] : memref<8x32x128xf32, #tpu.memory_space<vmem>> -> memref<1x32x128xf32, #tpu.memory_space<vmem>>
      %dma_wait3A_949 = tpu.memref_squeeze %dma_wait3A_948 : memref<1x32x128xf32, #tpu.memory_space<vmem>> -> memref<32x128xf32, #tpu.memory_space<vmem>>
      %dma_wait3A_950 = arith.constant 0 : i32
      %dma_wait3A_951 = arith.constant 0 : i32
      %dma_wait3A_952 = tpu.memref_slice %arg2[%dma_wait3A_950, %dma_wait3A_951] : memref<32x1000000xf32, #tpu.memory_space<hbm>> -> memref<32x128xf32, #tpu.memory_space<hbm>>
      tpu.wait_dma2 semaphore(%arg9 : memref<!tpu.dma_semaphore, #tpu.memory_space<semaphore_mem>>) src(%dma_wait3A_952 : memref<32x128xf32, #tpu.memory_space<hbm>>) dst(%dma_wait3A_949 : memref<32x128xf32, #tpu.memory_space<vmem>>)
      %dma_wait3A_953 = arith.constant 2 : i32
      %dma_wait3A_954 = arith.constant 0 : i32
      %dma_wait3A_955 = arith.constant 0 : i32
      %dma_wait3A_956 = tpu.memref_slice %arg6[%dma_wait3A_953, %dma_wait3A_954, %dma_wait3A_955] : memref<8x32x128xf32, #tpu.memory_space<vmem>> -> memref<1x32x128xf32, #tpu.memory_space<vmem>>
      %dma_wait3A_957 = tpu.memref_squeeze %dma_wait3A_956 : memref<1x32x128xf32, #tpu.memory_space<vmem>> -> memref<32x128xf32, #tpu.memory_space<vmem>>
      %dma_wait3A_958 = arith.constant 0 : i32
      %dma_wait3A_959 = arith.constant 0 : i32
      %dma_wait3A_960 = tpu.memref_slice %arg2[%dma_wait3A_958, %dma_wait3A_959] : memref<32x1000000xf32, #tpu.memory_space<hbm>> -> memref<32x128xf32, #tpu.memory_space<hbm>>
      %dma_wait3A_961 = arith.constant 0 : i32
      %dma_wait3A_962 = arith.constant 0 : i32
      %dma_wait3A_963 = tpu.memref_slice %arg6[%dma_wait3A_953, %dma_wait3A_961, %dma_wait3A_962] : memref<8x32x128xf32, #tpu.memory_space<vmem>> -> memref<1x32x128xf32, #tpu.memory_space<vmem>>
      %dma_wait3A_964 = tpu.memref_squeeze %dma_wait3A_963 : memref<1x32x128xf32, #tpu.memory_space<vmem>> -> memref<32x128xf32, #tpu.memory_space<vmem>>
      %dma_wait3A_965 = arith.constant 0 : i32
      %dma_wait3A_966 = arith.constant 0 : i32
      %dma_wait3A_967 = tpu.memref_slice %arg2[%dma_wait3A_965, %dma_wait3A_966] : memref<32x1000000xf32, #tpu.memory_space<hbm>> -> memref<32x128xf32, #tpu.memory_space<hbm>>
      tpu.wait_dma2 semaphore(%arg9 : memref<!tpu.dma_semaphore, #tpu.memory_space<semaphore_mem>>) src(%dma_wait3A_967 : memref<32x128xf32, #tpu.memory_space<hbm>>) dst(%dma_wait3A_964 : memref<32x128xf32, #tpu.memory_space<vmem>>)
      %dma_wait3A_968 = arith.constant 3 : i32
      %dma_wait3A_969 = arith.constant 0 : i32
      %dma_wait3A_970 = arith.constant 0 : i32
      %dma_wait3A_971 = tpu.memref_slice %arg6[%dma_wait3A_968, %dma_wait3A_969, %dma_wait3A_970] : memref<8x32x128xf32, #tpu.memory_space<vmem>> -> memref<1x32x128xf32, #tpu.memory_space<vmem>>
      %dma_wait3A_972 = tpu.memref_squeeze %dma_wait3A_971 : memref<1x32x128xf32, #tpu.memory_space<vmem>> -> memref<32x128xf32, #tpu.memory_space<vmem>>
      %dma_wait3A_973 = arith.constant 0 : i32
      %dma_wait3A_974 = arith.constant 0 : i32
      %dma_wait3A_975 = tpu.memref_slice %arg2[%dma_wait3A_973, %dma_wait3A_974] : memref<32x1000000xf32, #tpu.memory_space<hbm>> -> memref<32x128xf32, #tpu.memory_space<hbm>>
      %dma_wait3A_976 = arith.constant 0 : i32
      %dma_wait3A_977 = arith.constant 0 : i32
      %dma_wait3A_978 = tpu.memref_slice %arg6[%dma_wait3A_968, %dma_wait3A_976, %dma_wait3A_977] : memref<8x32x128xf32, #tpu.memory_space<vmem>> -> memref<1x32x128xf32, #tpu.memory_space<vmem>>
      %dma_wait3A_979 = tpu.memref_squeeze %dma_wait3A_978 : memref<1x32x128xf32, #tpu.memory_space<vmem>> -> memref<32x128xf32, #tpu.memory_space<vmem>>
      %dma_wait3A_980 = arith.constant 0 : i32
      %dma_wait3A_981 = arith.constant 0 : i32
      %dma_wait3A_982 = tpu.memref_slice %arg2[%dma_wait3A_980, %dma_wait3A_981] : memref<32x1000000xf32, #tpu.memory_space<hbm>> -> memref<32x128xf32, #tpu.memory_space<hbm>>
      tpu.wait_dma2 semaphore(%arg9 : memref<!tpu.dma_semaphore, #tpu.memory_space<semaphore_mem>>) src(%dma_wait3A_982 : memref<32x128xf32, #tpu.memory_space<hbm>>) dst(%dma_wait3A_979 : memref<32x128xf32, #tpu.memory_space<vmem>>)
      %dma_wait3A_983 = arith.constant 4 : i32
      %dma_wait3A_984 = arith.constant 0 : i32
      %dma_wait3A_985 = arith.constant 0 : i32
      %dma_wait3A_986 = tpu.memref_slice %arg6[%dma_wait3A_983, %dma_wait3A_984, %dma_wait3A_985] : memref<8x32x128xf32, #tpu.memory_space<vmem>> -> memref<1x32x128xf32, #tpu.memory_space<vmem>>
      %dma_wait3A_987 = tpu.memref_squeeze %dma_wait3A_986 : memref<1x32x128xf32, #tpu.memory_space<vmem>> -> memref<32x128xf32, #tpu.memory_space<vmem>>
      %dma_wait3A_988 = arith.constant 0 : i32
      %dma_wait3A_989 = arith.constant 0 : i32
      %dma_wait3A_990 = tpu.memref_slice %arg2[%dma_wait3A_988, %dma_wait3A_989] : memref<32x1000000xf32, #tpu.memory_space<hbm>> -> memref<32x128xf32, #tpu.memory_space<hbm>>
      %dma_wait3A_991 = arith.constant 0 : i32
      %dma_wait3A_992 = arith.constant 0 : i32
      %dma_wait3A_993 = tpu.memref_slice %arg6[%dma_wait3A_983, %dma_wait3A_991, %dma_wait3A_992] : memref<8x32x128xf32, #tpu.memory_space<vmem>> -> memref<1x32x128xf32, #tpu.memory_space<vmem>>
      %dma_wait3A_994 = tpu.memref_squeeze %dma_wait3A_993 : memref<1x32x128xf32, #tpu.memory_space<vmem>> -> memref<32x128xf32, #tpu.memory_space<vmem>>
      %dma_wait3A_995 = arith.constant 0 : i32
      %dma_wait3A_996 = arith.constant 0 : i32
      %dma_wait3A_997 = tpu.memref_slice %arg2[%dma_wait3A_995, %dma_wait3A_996] : memref<32x1000000xf32, #tpu.memory_space<hbm>> -> memref<32x128xf32, #tpu.memory_space<hbm>>
      tpu.wait_dma2 semaphore(%arg9 : memref<!tpu.dma_semaphore, #tpu.memory_space<semaphore_mem>>) src(%dma_wait3A_997 : memref<32x128xf32, #tpu.memory_space<hbm>>) dst(%dma_wait3A_994 : memref<32x128xf32, #tpu.memory_space<vmem>>)
      %dma_wait3A_998 = arith.constant 5 : i32
      %dma_wait3A_999 = arith.constant 0 : i32
      %dma_wait3A_1000 = arith.constant 0 : i32
      %dma_wait3A_1001 = tpu.memref_slice %arg6[%dma_wait3A_998, %dma_wait3A_999, %dma_wait3A_1000] : memref<8x32x128xf32, #tpu.memory_space<vmem>> -> memref<1x32x128xf32, #tpu.memory_space<vmem>>
      %dma_wait3A_1002 = tpu.memref_squeeze %dma_wait3A_1001 : memref<1x32x128xf32, #tpu.memory_space<vmem>> -> memref<32x128xf32, #tpu.memory_space<vmem>>
      %dma_wait3A_1003 = arith.constant 0 : i32
      %dma_wait3A_1004 = arith.constant 0 : i32
      %dma_wait3A_1005 = tpu.memref_slice %arg2[%dma_wait3A_1003, %dma_wait3A_1004] : memref<32x1000000xf32, #tpu.memory_space<hbm>> -> memref<32x128xf32, #tpu.memory_space<hbm>>
      %dma_wait3A_1006 = arith.constant 0 : i32
      %dma_wait3A_1007 = arith.constant 0 : i32
      %dma_wait3A_1008 = tpu.memref_slice %arg6[%dma_wait3A_998, %dma_wait3A_1006, %dma_wait3A_1007] : memref<8x32x128xf32, #tpu.memory_space<vmem>> -> memref<1x32x128xf32, #tpu.memory_space<vmem>>
      %dma_wait3A_1009 = tpu.memref_squeeze %dma_wait3A_1008 : memref<1x32x128xf32, #tpu.memory_space<vmem>> -> memref<32x128xf32, #tpu.memory_space<vmem>>
      %dma_wait3A_1010 = arith.constant 0 : i32
      %dma_wait3A_1011 = arith.constant 0 : i32
      %dma_wait3A_1012 = tpu.memref_slice %arg2[%dma_wait3A_1010, %dma_wait3A_1011] : memref<32x1000000xf32, #tpu.memory_space<hbm>> -> memref<32x128xf32, #tpu.memory_space<hbm>>
      tpu.wait_dma2 semaphore(%arg9 : memref<!tpu.dma_semaphore, #tpu.memory_space<semaphore_mem>>) src(%dma_wait3A_1012 : memref<32x128xf32, #tpu.memory_space<hbm>>) dst(%dma_wait3A_1009 : memref<32x128xf32, #tpu.memory_space<vmem>>)
      %dma_wait3A_1013 = arith.constant 6 : i32
      %dma_wait3A_1014 = arith.constant 0 : i32
      %dma_wait3A_1015 = arith.constant 0 : i32
      %dma_wait3A_1016 = tpu.memref_slice %arg6[%dma_wait3A_1013, %dma_wait3A_1014, %dma_wait3A_1015] : memref<8x32x128xf32, #tpu.memory_space<vmem>> -> memref<1x32x128xf32, #tpu.memory_space<vmem>>
      %dma_wait3A_1017 = tpu.memref_squeeze %dma_wait3A_1016 : memref<1x32x128xf32, #tpu.memory_space<vmem>> -> memref<32x128xf32, #tpu.memory_space<vmem>>
      %dma_wait3A_1018 = arith.constant 0 : i32
      %dma_wait3A_1019 = arith.constant 0 : i32
      %dma_wait3A_1020 = tpu.memref_slice %arg2[%dma_wait3A_1018, %dma_wait3A_1019] : memref<32x1000000xf32, #tpu.memory_space<hbm>> -> memref<32x128xf32, #tpu.memory_space<hbm>>
      %dma_wait3A_1021 = arith.constant 0 : i32
      %dma_wait3A_1022 = arith.constant 0 : i32
      %dma_wait3A_1023 = tpu.memref_slice %arg6[%dma_wait3A_1013, %dma_wait3A_1021, %dma_wait3A_1022] : memref<8x32x128xf32, #tpu.memory_space<vmem>> -> memref<1x32x128xf32, #tpu.memory_space<vmem>>
      %dma_wait3A_1024 = tpu.memref_squeeze %dma_wait3A_1023 : memref<1x32x128xf32, #tpu.memory_space<vmem>> -> memref<32x128xf32, #tpu.memory_space<vmem>>
      %dma_wait3A_1025 = arith.constant 0 : i32
      %dma_wait3A_1026 = arith.constant 0 : i32
      %dma_wait3A_1027 = tpu.memref_slice %arg2[%dma_wait3A_1025, %dma_wait3A_1026] : memref<32x1000000xf32, #tpu.memory_space<hbm>> -> memref<32x128xf32, #tpu.memory_space<hbm>>
      tpu.wait_dma2 semaphore(%arg9 : memref<!tpu.dma_semaphore, #tpu.memory_space<semaphore_mem>>) src(%dma_wait3A_1027 : memref<32x128xf32, #tpu.memory_space<hbm>>) dst(%dma_wait3A_1024 : memref<32x128xf32, #tpu.memory_space<vmem>>)
      %dma_wait3A_1028 = arith.constant 7 : i32
      %dma_wait3A_1029 = arith.constant 0 : i32
      %dma_wait3A_1030 = arith.constant 0 : i32
      %dma_wait3A_1031 = tpu.memref_slice %arg6[%dma_wait3A_1028, %dma_wait3A_1029, %dma_wait3A_1030] : memref<8x32x128xf32, #tpu.memory_space<vmem>> -> memref<1x32x128xf32, #tpu.memory_space<vmem>>
      %dma_wait3A_1032 = tpu.memref_squeeze %dma_wait3A_1031 : memref<1x32x128xf32, #tpu.memory_space<vmem>> -> memref<32x128xf32, #tpu.memory_space<vmem>>
      %dma_wait3A_1033 = arith.constant 0 : i32
      %dma_wait3A_1034 = arith.constant 0 : i32
      %dma_wait3A_1035 = tpu.memref_slice %arg2[%dma_wait3A_1033, %dma_wait3A_1034] : memref<32x1000000xf32, #tpu.memory_space<hbm>> -> memref<32x128xf32, #tpu.memory_space<hbm>>
      %dma_wait3A_1036 = arith.constant 0 : i32
      %dma_wait3A_1037 = arith.constant 0 : i32
      %dma_wait3A_1038 = tpu.memref_slice %arg6[%dma_wait3A_1028, %dma_wait3A_1036, %dma_wait3A_1037] : memref<8x32x128xf32, #tpu.memory_space<vmem>> -> memref<1x32x128xf32, #tpu.memory_space<vmem>>
      %dma_wait3A_1039 = tpu.memref_squeeze %dma_wait3A_1038 : memref<1x32x128xf32, #tpu.memory_space<vmem>> -> memref<32x128xf32, #tpu.memory_space<vmem>>
      %dma_wait3A_1040 = arith.constant 0 : i32
      %dma_wait3A_1041 = arith.constant 0 : i32
      %dma_wait3A_1042 = tpu.memref_slice %arg2[%dma_wait3A_1040, %dma_wait3A_1041] : memref<32x1000000xf32, #tpu.memory_space<hbm>> -> memref<32x128xf32, #tpu.memory_space<hbm>>
      tpu.wait_dma2 semaphore(%arg9 : memref<!tpu.dma_semaphore, #tpu.memory_space<semaphore_mem>>) src(%dma_wait3A_1042 : memref<32x128xf32, #tpu.memory_space<hbm>>) dst(%dma_wait3A_1039 : memref<32x128xf32, #tpu.memory_space<vmem>>)
      %and3A_1043 = arith.constant 127 : i32
      %and3A_1044 = vector.broadcast %and3A_1043 : i32 to vector<16xi32>
      %and3A_1045 = arith.andi %get3A_465, %and3A_1044 : vector<16xi32>
      %slice3A_1046 = vector.extract_strided_slice %and3A_1045 {offsets = [0], sizes = [1], strides = [1]} : vector<16xi32> to vector<1xi32>
      %squeeze3A_1047 = vector.extract %slice3A_1046[0] : i32 from vector<1xi32>
      %broadcast_in_dim3A = vector.broadcast %squeeze3A_1047 : i32 to vector<16xi32>
      %broadcast_in_dim3A_1048 = arith.constant 0 : i32
      %broadcast_in_dim3A_1049 = vector.broadcast %broadcast_in_dim3A_1048 : i32 to vector<16xi32>
      %mul3A_1050 = arith.constant 8 : i32
      %mul3A_1051 = arith.muli %mul3A_923, %mul3A_1050 : i32
      %add3A_1052 = arith.constant 0 : i32
      %add3A_1053 = arith.addi %mul3A_1051, %add3A_1052 : i32
      %broadcast_in_dim3A_1054 = vector.broadcast %add3A_1053 : i32 to vector<16xi32>
      %add3A_1055 = arith.constant 0 : i32
      %add3A_1056 = vector.broadcast %add3A_1055 : i32 to vector<16xi32>
      %add3A_1057 = arith.addi %iota3A, %add3A_1056 : vector<16xi32>
      %gather3A = tpu.vector_load_idx %arg6[%broadcast_in_dim3A_1049, %add3A_1057, %broadcast_in_dim3A] : memref<8x32x128xf32, #tpu.memory_space<vmem>>[vector<16xi32>, vector<16xi32>, vector<16xi32>], vector<16xf32>,
      tpu.vector_store_idx %arg8[%add3A_1057, %broadcast_in_dim3A_1054], %gather3A : memref<32x512xf32, #tpu.memory_space<vmem>>[vector<16xi32>, vector<16xi32>], vector<16xf32>,
      %add3A_1058 = arith.constant 16 : i32
      %add3A_1059 = vector.broadcast %add3A_1058 : i32 to vector<16xi32>
      %add3A_1060 = arith.addi %iota3A, %add3A_1059 : vector<16xi32>
      %gather3A_1061 = tpu.vector_load_idx %arg6[%broadcast_in_dim3A_1049, %add3A_1060, %broadcast_in_dim3A] : memref<8x32x128xf32, #tpu.memory_space<vmem>>[vector<16xi32>, vector<16xi32>, vector<16xi32>], vector<16xf32>,
      tpu.vector_store_idx %arg8[%add3A_1060, %broadcast_in_dim3A_1054], %gather3A_1061 : memref<32x512xf32, #tpu.memory_space<vmem>>[vector<16xi32>, vector<16xi32>], vector<16xf32>,
      %slice3A_1062 = vector.extract_strided_slice %and3A_1045 {offsets = [1], sizes = [1], strides = [1]} : vector<16xi32> to vector<1xi32>
      %squeeze3A_1063 = vector.extract %slice3A_1062[0] : i32 from vector<1xi32>
      %broadcast_in_dim3A_1064 = vector.broadcast %squeeze3A_1063 : i32 to vector<16xi32>
      %broadcast_in_dim3A_1065 = arith.constant 1 : i32
      %broadcast_in_dim3A_1066 = vector.broadcast %broadcast_in_dim3A_1065 : i32 to vector<16xi32>
      %mul3A_1067 = arith.constant 8 : i32
      %mul3A_1068 = arith.muli %mul3A_923, %mul3A_1067 : i32
      %add3A_1069 = arith.constant 1 : i32
      %add3A_1070 = arith.addi %mul3A_1068, %add3A_1069 : i32
      %broadcast_in_dim3A_1071 = vector.broadcast %add3A_1070 : i32 to vector<16xi32>
      %add3A_1072 = arith.constant 0 : i32
      %add3A_1073 = vector.broadcast %add3A_1072 : i32 to vector<16xi32>
      %add3A_1074 = arith.addi %iota3A, %add3A_1073 : vector<16xi32>
      %gather3A_1075 = tpu.vector_load_idx %arg6[%broadcast_in_dim3A_1066, %add3A_1074, %broadcast_in_dim3A_1064] : memref<8x32x128xf32, #tpu.memory_space<vmem>>[vector<16xi32>, vector<16xi32>, vector<16xi32>], vector<16xf32>,
      tpu.vector_store_idx %arg8[%add3A_1074, %broadcast_in_dim3A_1071], %gather3A_1075 : memref<32x512xf32, #tpu.memory_space<vmem>>[vector<16xi32>, vector<16xi32>], vector<16xf32>,
      %add3A_1076 = arith.constant 16 : i32
      %add3A_1077 = vector.broadcast %add3A_1076 : i32 to vector<16xi32>
      %add3A_1078 = arith.addi %iota3A, %add3A_1077 : vector<16xi32>
      %gather3A_1079 = tpu.vector_load_idx %arg6[%broadcast_in_dim3A_1066, %add3A_1078, %broadcast_in_dim3A_1064] : memref<8x32x128xf32, #tpu.memory_space<vmem>>[vector<16xi32>, vector<16xi32>, vector<16xi32>], vector<16xf32>,
      tpu.vector_store_idx %arg8[%add3A_1078, %broadcast_in_dim3A_1071], %gather3A_1079 : memref<32x512xf32, #tpu.memory_space<vmem>>[vector<16xi32>, vector<16xi32>], vector<16xf32>,
      %slice3A_1080 = vector.extract_strided_slice %and3A_1045 {offsets = [2], sizes = [1], strides = [1]} : vector<16xi32> to vector<1xi32>
      %squeeze3A_1081 = vector.extract %slice3A_1080[0] : i32 from vector<1xi32>
      %broadcast_in_dim3A_1082 = vector.broadcast %squeeze3A_1081 : i32 to vector<16xi32>
      %broadcast_in_dim3A_1083 = arith.constant 2 : i32
      %broadcast_in_dim3A_1084 = vector.broadcast %broadcast_in_dim3A_1083 : i32 to vector<16xi32>
      %mul3A_1085 = arith.constant 8 : i32
      %mul3A_1086 = arith.muli %mul3A_923, %mul3A_1085 : i32
      %add3A_1087 = arith.constant 2 : i32
      %add3A_1088 = arith.addi %mul3A_1086, %add3A_1087 : i32
      %broadcast_in_dim3A_1089 = vector.broadcast %add3A_1088 : i32 to vector<16xi32>
      %add3A_1090 = arith.constant 0 : i32
      %add3A_1091 = vector.broadcast %add3A_1090 : i32 to vector<16xi32>
      %add3A_1092 = arith.addi %iota3A, %add3A_1091 : vector<16xi32>
      %gather3A_1093 = tpu.vector_load_idx %arg6[%broadcast_in_dim3A_1084, %add3A_1092, %broadcast_in_dim3A_1082] : memref<8x32x128xf32, #tpu.memory_space<vmem>>[vector<16xi32>, vector<16xi32>, vector<16xi32>], vector<16xf32>,
      tpu.vector_store_idx %arg8[%add3A_1092, %broadcast_in_dim3A_1089], %gather3A_1093 : memref<32x512xf32, #tpu.memory_space<vmem>>[vector<16xi32>, vector<16xi32>], vector<16xf32>,
      %add3A_1094 = arith.constant 16 : i32
      %add3A_1095 = vector.broadcast %add3A_1094 : i32 to vector<16xi32>
      %add3A_1096 = arith.addi %iota3A, %add3A_1095 : vector<16xi32>
      %gather3A_1097 = tpu.vector_load_idx %arg6[%broadcast_in_dim3A_1084, %add3A_1096, %broadcast_in_dim3A_1082] : memref<8x32x128xf32, #tpu.memory_space<vmem>>[vector<16xi32>, vector<16xi32>, vector<16xi32>], vector<16xf32>,
      tpu.vector_store_idx %arg8[%add3A_1096, %broadcast_in_dim3A_1089], %gather3A_1097 : memref<32x512xf32, #tpu.memory_space<vmem>>[vector<16xi32>, vector<16xi32>], vector<16xf32>,
      %slice3A_1098 = vector.extract_strided_slice %and3A_1045 {offsets = [3], sizes = [1], strides = [1]} : vector<16xi32> to vector<1xi32>
      %squeeze3A_1099 = vector.extract %slice3A_1098[0] : i32 from vector<1xi32>
      %broadcast_in_dim3A_1100 = vector.broadcast %squeeze3A_1099 : i32 to vector<16xi32>
      %broadcast_in_dim3A_1101 = arith.constant 3 : i32
      %broadcast_in_dim3A_1102 = vector.broadcast %broadcast_in_dim3A_1101 : i32 to vector<16xi32>
      %mul3A_1103 = arith.constant 8 : i32
      %mul3A_1104 = arith.muli %mul3A_923, %mul3A_1103 : i32
      %add3A_1105 = arith.constant 3 : i32
      %add3A_1106 = arith.addi %mul3A_1104, %add3A_1105 : i32
      %broadcast_in_dim3A_1107 = vector.broadcast %add3A_1106 : i32 to vector<16xi32>
      %add3A_1108 = arith.constant 0 : i32
      %add3A_1109 = vector.broadcast %add3A_1108 : i32 to vector<16xi32>
      %add3A_1110 = arith.addi %iota3A, %add3A_1109 : vector<16xi32>
      %gather3A_1111 = tpu.vector_load_idx %arg6[%broadcast_in_dim3A_1102, %add3A_1110, %broadcast_in_dim3A_1100] : memref<8x32x128xf32, #tpu.memory_space<vmem>>[vector<16xi32>, vector<16xi32>, vector<16xi32>], vector<16xf32>,
      tpu.vector_store_idx %arg8[%add3A_1110, %broadcast_in_dim3A_1107], %gather3A_1111 : memref<32x512xf32, #tpu.memory_space<vmem>>[vector<16xi32>, vector<16xi32>], vector<16xf32>,
      %add3A_1112 = arith.constant 16 : i32
      %add3A_1113 = vector.broadcast %add3A_1112 : i32 to vector<16xi32>
      %add3A_1114 = arith.addi %iota3A, %add3A_1113 : vector<16xi32>
      %gather3A_1115 = tpu.vector_load_idx %arg6[%broadcast_in_dim3A_1102, %add3A_1114, %broadcast_in_dim3A_1100] : memref<8x32x128xf32, #tpu.memory_space<vmem>>[vector<16xi32>, vector<16xi32>, vector<16xi32>], vector<16xf32>,
      tpu.vector_store_idx %arg8[%add3A_1114, %broadcast_in_dim3A_1107], %gather3A_1115 : memref<32x512xf32, #tpu.memory_space<vmem>>[vector<16xi32>, vector<16xi32>], vector<16xf32>,
      %slice3A_1116 = vector.extract_strided_slice %and3A_1045 {offsets = [4], sizes = [1], strides = [1]} : vector<16xi32> to vector<1xi32>
      %squeeze3A_1117 = vector.extract %slice3A_1116[0] : i32 from vector<1xi32>
      %broadcast_in_dim3A_1118 = vector.broadcast %squeeze3A_1117 : i32 to vector<16xi32>
      %broadcast_in_dim3A_1119 = arith.constant 4 : i32
      %broadcast_in_dim3A_1120 = vector.broadcast %broadcast_in_dim3A_1119 : i32 to vector<16xi32>
      %mul3A_1121 = arith.constant 8 : i32
      %mul3A_1122 = arith.muli %mul3A_923, %mul3A_1121 : i32
      %add3A_1123 = arith.constant 4 : i32
      %add3A_1124 = arith.addi %mul3A_1122, %add3A_1123 : i32
      %broadcast_in_dim3A_1125 = vector.broadcast %add3A_1124 : i32 to vector<16xi32>
      %add3A_1126 = arith.constant 0 : i32
      %add3A_1127 = vector.broadcast %add3A_1126 : i32 to vector<16xi32>
      %add3A_1128 = arith.addi %iota3A, %add3A_1127 : vector<16xi32>
      %gather3A_1129 = tpu.vector_load_idx %arg6[%broadcast_in_dim3A_1120, %add3A_1128, %broadcast_in_dim3A_1118] : memref<8x32x128xf32, #tpu.memory_space<vmem>>[vector<16xi32>, vector<16xi32>, vector<16xi32>], vector<16xf32>,
      tpu.vector_store_idx %arg8[%add3A_1128, %broadcast_in_dim3A_1125], %gather3A_1129 : memref<32x512xf32, #tpu.memory_space<vmem>>[vector<16xi32>, vector<16xi32>], vector<16xf32>,
      %add3A_1130 = arith.constant 16 : i32
      %add3A_1131 = vector.broadcast %add3A_1130 : i32 to vector<16xi32>
      %add3A_1132 = arith.addi %iota3A, %add3A_1131 : vector<16xi32>
      %gather3A_1133 = tpu.vector_load_idx %arg6[%broadcast_in_dim3A_1120, %add3A_1132, %broadcast_in_dim3A_1118] : memref<8x32x128xf32, #tpu.memory_space<vmem>>[vector<16xi32>, vector<16xi32>, vector<16xi32>], vector<16xf32>,
      tpu.vector_store_idx %arg8[%add3A_1132, %broadcast_in_dim3A_1125], %gather3A_1133 : memref<32x512xf32, #tpu.memory_space<vmem>>[vector<16xi32>, vector<16xi32>], vector<16xf32>,
      %slice3A_1134 = vector.extract_strided_slice %and3A_1045 {offsets = [5], sizes = [1], strides = [1]} : vector<16xi32> to vector<1xi32>
      %squeeze3A_1135 = vector.extract %slice3A_1134[0] : i32 from vector<1xi32>
      %broadcast_in_dim3A_1136 = vector.broadcast %squeeze3A_1135 : i32 to vector<16xi32>
      %broadcast_in_dim3A_1137 = arith.constant 5 : i32
      %broadcast_in_dim3A_1138 = vector.broadcast %broadcast_in_dim3A_1137 : i32 to vector<16xi32>
      %mul3A_1139 = arith.constant 8 : i32
      %mul3A_1140 = arith.muli %mul3A_923, %mul3A_1139 : i32
      %add3A_1141 = arith.constant 5 : i32
      %add3A_1142 = arith.addi %mul3A_1140, %add3A_1141 : i32
      %broadcast_in_dim3A_1143 = vector.broadcast %add3A_1142 : i32 to vector<16xi32>
      %add3A_1144 = arith.constant 0 : i32
      %add3A_1145 = vector.broadcast %add3A_1144 : i32 to vector<16xi32>
      %add3A_1146 = arith.addi %iota3A, %add3A_1145 : vector<16xi32>
      %gather3A_1147 = tpu.vector_load_idx %arg6[%broadcast_in_dim3A_1138, %add3A_1146, %broadcast_in_dim3A_1136] : memref<8x32x128xf32, #tpu.memory_space<vmem>>[vector<16xi32>, vector<16xi32>, vector<16xi32>], vector<16xf32>,
      tpu.vector_store_idx %arg8[%add3A_1146, %broadcast_in_dim3A_1143], %gather3A_1147 : memref<32x512xf32, #tpu.memory_space<vmem>>[vector<16xi32>, vector<16xi32>], vector<16xf32>,
      %add3A_1148 = arith.constant 16 : i32
      %add3A_1149 = vector.broadcast %add3A_1148 : i32 to vector<16xi32>
      %add3A_1150 = arith.addi %iota3A, %add3A_1149 : vector<16xi32>
      %gather3A_1151 = tpu.vector_load_idx %arg6[%broadcast_in_dim3A_1138, %add3A_1150, %broadcast_in_dim3A_1136] : memref<8x32x128xf32, #tpu.memory_space<vmem>>[vector<16xi32>, vector<16xi32>, vector<16xi32>], vector<16xf32>,
      tpu.vector_store_idx %arg8[%add3A_1150, %broadcast_in_dim3A_1143], %gather3A_1151 : memref<32x512xf32, #tpu.memory_space<vmem>>[vector<16xi32>, vector<16xi32>], vector<16xf32>,
      %slice3A_1152 = vector.extract_strided_slice %and3A_1045 {offsets = [6], sizes = [1], strides = [1]} : vector<16xi32> to vector<1xi32>
      %squeeze3A_1153 = vector.extract %slice3A_1152[0] : i32 from vector<1xi32>
      %broadcast_in_dim3A_1154 = vector.broadcast %squeeze3A_1153 : i32 to vector<16xi32>
      %broadcast_in_dim3A_1155 = arith.constant 6 : i32
      %broadcast_in_dim3A_1156 = vector.broadcast %broadcast_in_dim3A_1155 : i32 to vector<16xi32>
      %mul3A_1157 = arith.constant 8 : i32
      %mul3A_1158 = arith.muli %mul3A_923, %mul3A_1157 : i32
      %add3A_1159 = arith.constant 6 : i32
      %add3A_1160 = arith.addi %mul3A_1158, %add3A_1159 : i32
      %broadcast_in_dim3A_1161 = vector.broadcast %add3A_1160 : i32 to vector<16xi32>
      %add3A_1162 = arith.constant 0 : i32
      %add3A_1163 = vector.broadcast %add3A_1162 : i32 to vector<16xi32>
      %add3A_1164 = arith.addi %iota3A, %add3A_1163 : vector<16xi32>
      %gather3A_1165 = tpu.vector_load_idx %arg6[%broadcast_in_dim3A_1156, %add3A_1164, %broadcast_in_dim3A_1154] : memref<8x32x128xf32, #tpu.memory_space<vmem>>[vector<16xi32>, vector<16xi32>, vector<16xi32>], vector<16xf32>,
      tpu.vector_store_idx %arg8[%add3A_1164, %broadcast_in_dim3A_1161], %gather3A_1165 : memref<32x512xf32, #tpu.memory_space<vmem>>[vector<16xi32>, vector<16xi32>], vector<16xf32>,
      %add3A_1166 = arith.constant 16 : i32
      %add3A_1167 = vector.broadcast %add3A_1166 : i32 to vector<16xi32>
      %add3A_1168 = arith.addi %iota3A, %add3A_1167 : vector<16xi32>
      %gather3A_1169 = tpu.vector_load_idx %arg6[%broadcast_in_dim3A_1156, %add3A_1168, %broadcast_in_dim3A_1154] : memref<8x32x128xf32, #tpu.memory_space<vmem>>[vector<16xi32>, vector<16xi32>, vector<16xi32>], vector<16xf32>,
      tpu.vector_store_idx %arg8[%add3A_1168, %broadcast_in_dim3A_1161], %gather3A_1169 : memref<32x512xf32, #tpu.memory_space<vmem>>[vector<16xi32>, vector<16xi32>], vector<16xf32>,
      %slice3A_1170 = vector.extract_strided_slice %and3A_1045 {offsets = [7], sizes = [1], strides = [1]} : vector<16xi32> to vector<1xi32>
      %squeeze3A_1171 = vector.extract %slice3A_1170[0] : i32 from vector<1xi32>
      %broadcast_in_dim3A_1172 = vector.broadcast %squeeze3A_1171 : i32 to vector<16xi32>
      %broadcast_in_dim3A_1173 = arith.constant 7 : i32
      %broadcast_in_dim3A_1174 = vector.broadcast %broadcast_in_dim3A_1173 : i32 to vector<16xi32>
      %mul3A_1175 = arith.constant 8 : i32
      %mul3A_1176 = arith.muli %mul3A_923, %mul3A_1175 : i32
      %add3A_1177 = arith.constant 7 : i32
      %add3A_1178 = arith.addi %mul3A_1176, %add3A_1177 : i32
      %broadcast_in_dim3A_1179 = vector.broadcast %add3A_1178 : i32 to vector<16xi32>
      %add3A_1180 = arith.constant 0 : i32
      %add3A_1181 = vector.broadcast %add3A_1180 : i32 to vector<16xi32>
      %add3A_1182 = arith.addi %iota3A, %add3A_1181 : vector<16xi32>
      %gather3A_1183 = tpu.vector_load_idx %arg6[%broadcast_in_dim3A_1174, %add3A_1182, %broadcast_in_dim3A_1172] : memref<8x32x128xf32, #tpu.memory_space<vmem>>[vector<16xi32>, vector<16xi32>, vector<16xi32>], vector<16xf32>,
      tpu.vector_store_idx %arg8[%add3A_1182, %broadcast_in_dim3A_1179], %gather3A_1183 : memref<32x512xf32, #tpu.memory_space<vmem>>[vector<16xi32>, vector<16xi32>], vector<16xf32>,
      %add3A_1184 = arith.constant 16 : i32
      %add3A_1185 = vector.broadcast %add3A_1184 : i32 to vector<16xi32>
      %add3A_1186 = arith.addi %iota3A, %add3A_1185 : vector<16xi32>
      %gather3A_1187 = tpu.vector_load_idx %arg6[%broadcast_in_dim3A_1174, %add3A_1186, %broadcast_in_dim3A_1172] : memref<8x32x128xf32, #tpu.memory_space<vmem>>[vector<16xi32>, vector<16xi32>, vector<16xi32>], vector<16xf32>,
      tpu.vector_store_idx %arg8[%add3A_1186, %broadcast_in_dim3A_1179], %gather3A_1187 : memref<32x512xf32, #tpu.memory_space<vmem>>[vector<16xi32>, vector<16xi32>], vector<16xf32>,
      %add3A_1188 = arith.constant 1 : i32
      %add3A_1189 = arith.addi %scan3A_459, %add3A_1188 : i32
      %min3A = arith.constant 31 : i32
      %min3A_1190 = arith.minsi %add3A_1189, %min3A : i32
      %mul3A_1191 = arith.constant 2 : i32
      %mul3A_1192 = arith.muli %min3A_1190, %mul3A_1191 : i32
      %mul3A_1193 = arith.constant 8 : i32
      %mul3A_1194 = arith.muli %mul3A_1192, %mul3A_1193 : i32
      %get3A_1195 = arith.index_cast %mul3A_1194 : i32 to index
      %get3A_1196 = tpu.vector_load %arg5[%get3A_1195] {strides = array<i32>} : memref<512xi32, #tpu.memory_space<vmem>>, vector<16xi32>,
      %add3A_1197 = arith.constant 1 : i32
      %add3A_1198 = arith.addi %scan3A_459, %add3A_1197 : i32
      %lt3A = arith.constant 32 : i32
      %lt3A_1199 = arith.cmpi slt, %add3A_1198, %lt3A : i32
      %convert_element_type3A = arith.extui %lt3A_1199 : i1 to i32
      %cond3A = arith.constant 0 : i32
      %cond3A_1200 = arith.cmpi ne, %convert_element_type3A, %cond3A : i32
      scf.if %cond3A_1200 {
        %slice3A_1472 = vector.extract_strided_slice %get3A_1196 {offsets = [0], sizes = [1], strides = [1]} : vector<16xi32> to vector<1xi32>
        %squeeze3A_1473 = vector.extract %slice3A_1472[0] : i32 from vector<1xi32>
        %and3A_1474 = arith.constant -128 : i32
        %and3A_1475 = arith.andi %squeeze3A_1473, %and3A_1474 : i32
        %multiple_of3A_1476 = tpu.assume_multiple %and3A_1475, 128 : i32
        %dma_start3A_1477 = arith.constant 0 : i32
        %dma_start3A_1478 = arith.constant 0 : i32
        %dma_start3A_1479 = arith.constant 0 : i32
        %dma_start3A_1480 = tpu.memref_slice %arg6[%dma_start3A_1477, %dma_start3A_1478, %dma_start3A_1479] : memref<8x32x128xf32, #tpu.memory_space<vmem>> -> memref<1x8x128xf32, #tpu.memory_space<vmem>>
        %dma_start3A_1481 = tpu.memref_squeeze %dma_start3A_1480 : memref<1x8x128xf32, #tpu.memory_space<vmem>> -> memref<8x128xf32, #tpu.memory_space<vmem>>
        %dma_start3A_1482 = arith.constant 0 : i32
        %dma_start3A_1483 = tpu.memref_slice %arg2[%dma_start3A_1482, %multiple_of3A_1476] : memref<32x1000000xf32, #tpu.memory_space<hbm>> -> memref<8x128xf32, #tpu.memory_space<hbm>>
        %dma_start3A_1484 = arith.constant 0 : i32
        %dma_start3A_1485 = arith.constant 0 : i32
        %dma_start3A_1486 = tpu.memref_slice %arg6[%dma_start3A_1477, %dma_start3A_1484, %dma_start3A_1485] : memref<8x32x128xf32, #tpu.memory_space<vmem>> -> memref<1x8x128xf32, #tpu.memory_space<vmem>>
        %dma_start3A_1487 = tpu.memref_squeeze %dma_start3A_1486 : memref<1x8x128xf32, #tpu.memory_space<vmem>> -> memref<8x128xf32, #tpu.memory_space<vmem>>
        %dma_start3A_1488 = arith.constant 0 : i32
        %dma_start3A_1489 = tpu.memref_slice %arg2[%dma_start3A_1488, %multiple_of3A_1476] : memref<32x1000000xf32, #tpu.memory_space<hbm>> -> memref<8x128xf32, #tpu.memory_space<hbm>>
        tpu.enqueue_dma source(%dma_start3A_1489 : memref<8x128xf32, #tpu.memory_space<hbm>>) target(%dma_start3A_1487 : memref<8x128xf32, #tpu.memory_space<vmem>>) target_semaphore(%arg9 : memref<!tpu.dma_semaphore, #tpu.memory_space<semaphore_mem>>)
        %dma_start3A_1490 = arith.constant 0 : i32
        %dma_start3A_1491 = arith.constant 8 : i32
        %dma_start3A_1492 = arith.constant 0 : i32
        %dma_start3A_1493 = tpu.memref_slice %arg6[%dma_start3A_1490, %dma_start3A_1491, %dma_start3A_1492] : memref<8x32x128xf32, #tpu.memory_space<vmem>> -> memref<1x8x128xf32, #tpu.memory_space<vmem>>
        %dma_start3A_1494 = tpu.memref_squeeze %dma_start3A_1493 : memref<1x8x128xf32, #tpu.memory_space<vmem>> -> memref<8x128xf32, #tpu.memory_space<vmem>>
        %dma_start3A_1495 = arith.constant 8 : i32
        %dma_start3A_1496 = tpu.memref_slice %arg2[%dma_start3A_1495, %multiple_of3A_1476] : memref<32x1000000xf32, #tpu.memory_space<hbm>> -> memref<8x128xf32, #tpu.memory_space<hbm>>
        %dma_start3A_1497 = arith.constant 8 : i32
        %dma_start3A_1498 = arith.constant 0 : i32
        %dma_start3A_1499 = tpu.memref_slice %arg6[%dma_start3A_1490, %dma_start3A_1497, %dma_start3A_1498] : memref<8x32x128xf32, #tpu.memory_space<vmem>> -> memref<1x8x128xf32, #tpu.memory_space<vmem>>
        %dma_start3A_1500 = tpu.memref_squeeze %dma_start3A_1499 : memref<1x8x128xf32, #tpu.memory_space<vmem>> -> memref<8x128xf32, #tpu.memory_space<vmem>>
        %dma_start3A_1501 = arith.constant 8 : i32
        %dma_start3A_1502 = tpu.memref_slice %arg2[%dma_start3A_1501, %multiple_of3A_1476] : memref<32x1000000xf32, #tpu.memory_space<hbm>> -> memref<8x128xf32, #tpu.memory_space<hbm>>
        tpu.enqueue_dma source(%dma_start3A_1502 : memref<8x128xf32, #tpu.memory_space<hbm>>) target(%dma_start3A_1500 : memref<8x128xf32, #tpu.memory_space<vmem>>) target_semaphore(%arg9 : memref<!tpu.dma_semaphore, #tpu.memory_space<semaphore_mem>>)
        %dma_start3A_1503 = arith.constant 0 : i32
        %dma_start3A_1504 = arith.constant 16 : i32
        %dma_start3A_1505 = arith.constant 0 : i32
        %dma_start3A_1506 = tpu.memref_slice %arg6[%dma_start3A_1503, %dma_start3A_1504, %dma_start3A_1505] : memref<8x32x128xf32, #tpu.memory_space<vmem>> -> memref<1x8x128xf32, #tpu.memory_space<vmem>>
        %dma_start3A_1507 = tpu.memref_squeeze %dma_start3A_1506 : memref<1x8x128xf32, #tpu.memory_space<vmem>> -> memref<8x128xf32, #tpu.memory_space<vmem>>
        %dma_start3A_1508 = arith.constant 16 : i32
        %dma_start3A_1509 = tpu.memref_slice %arg2[%dma_start3A_1508, %multiple_of3A_1476] : memref<32x1000000xf32, #tpu.memory_space<hbm>> -> memref<8x128xf32, #tpu.memory_space<hbm>>
        %dma_start3A_1510 = arith.constant 16 : i32
        %dma_start3A_1511 = arith.constant 0 : i32
        %dma_start3A_1512 = tpu.memref_slice %arg6[%dma_start3A_1503, %dma_start3A_1510, %dma_start3A_1511] : memref<8x32x128xf32, #tpu.memory_space<vmem>> -> memref<1x8x128xf32, #tpu.memory_space<vmem>>
        %dma_start3A_1513 = tpu.memref_squeeze %dma_start3A_1512 : memref<1x8x128xf32, #tpu.memory_space<vmem>> -> memref<8x128xf32, #tpu.memory_space<vmem>>
        %dma_start3A_1514 = arith.constant 16 : i32
        %dma_start3A_1515 = tpu.memref_slice %arg2[%dma_start3A_1514, %multiple_of3A_1476] : memref<32x1000000xf32, #tpu.memory_space<hbm>> -> memref<8x128xf32, #tpu.memory_space<hbm>>
        tpu.enqueue_dma source(%dma_start3A_1515 : memref<8x128xf32, #tpu.memory_space<hbm>>) target(%dma_start3A_1513 : memref<8x128xf32, #tpu.memory_space<vmem>>) target_semaphore(%arg9 : memref<!tpu.dma_semaphore, #tpu.memory_space<semaphore_mem>>)
        %dma_start3A_1516 = arith.constant 0 : i32
        %dma_start3A_1517 = arith.constant 24 : i32
        %dma_start3A_1518 = arith.constant 0 : i32
        %dma_start3A_1519 = tpu.memref_slice %arg6[%dma_start3A_1516, %dma_start3A_1517, %dma_start3A_1518] : memref<8x32x128xf32, #tpu.memory_space<vmem>> -> memref<1x8x128xf32, #tpu.memory_space<vmem>>
        %dma_start3A_1520 = tpu.memref_squeeze %dma_start3A_1519 : memref<1x8x128xf32, #tpu.memory_space<vmem>> -> memref<8x128xf32, #tpu.memory_space<vmem>>
        %dma_start3A_1521 = arith.constant 24 : i32
        %dma_start3A_1522 = tpu.memref_slice %arg2[%dma_start3A_1521, %multiple_of3A_1476] : memref<32x1000000xf32, #tpu.memory_space<hbm>> -> memref<8x128xf32, #tpu.memory_space<hbm>>
        %dma_start3A_1523 = arith.constant 24 : i32
        %dma_start3A_1524 = arith.constant 0 : i32
        %dma_start3A_1525 = tpu.memref_slice %arg6[%dma_start3A_1516, %dma_start3A_1523, %dma_start3A_1524] : memref<8x32x128xf32, #tpu.memory_space<vmem>> -> memref<1x8x128xf32, #tpu.memory_space<vmem>>
        %dma_start3A_1526 = tpu.memref_squeeze %dma_start3A_1525 : memref<1x8x128xf32, #tpu.memory_space<vmem>> -> memref<8x128xf32, #tpu.memory_space<vmem>>
        %dma_start3A_1527 = arith.constant 24 : i32
        %dma_start3A_1528 = tpu.memref_slice %arg2[%dma_start3A_1527, %multiple_of3A_1476] : memref<32x1000000xf32, #tpu.memory_space<hbm>> -> memref<8x128xf32, #tpu.memory_space<hbm>>
        tpu.enqueue_dma source(%dma_start3A_1528 : memref<8x128xf32, #tpu.memory_space<hbm>>) target(%dma_start3A_1526 : memref<8x128xf32, #tpu.memory_space<vmem>>) target_semaphore(%arg9 : memref<!tpu.dma_semaphore, #tpu.memory_space<semaphore_mem>>)
        %slice3A_1529 = vector.extract_strided_slice %get3A_1196 {offsets = [1], sizes = [1], strides = [1]} : vector<16xi32> to vector<1xi32>
        %squeeze3A_1530 = vector.extract %slice3A_1529[0] : i32 from vector<1xi32>
        %and3A_1531 = arith.constant -128 : i32
        %and3A_1532 = arith.andi %squeeze3A_1530, %and3A_1531 : i32
        %multiple_of3A_1533 = tpu.assume_multiple %and3A_1532, 128 : i32
        %dma_start3A_1534 = arith.constant 1 : i32
        %dma_start3A_1535 = arith.constant 0 : i32
        %dma_start3A_1536 = arith.constant 0 : i32
        %dma_start3A_1537 = tpu.memref_slice %arg6[%dma_start3A_1534, %dma_start3A_1535, %dma_start3A_1536] : memref<8x32x128xf32, #tpu.memory_space<vmem>> -> memref<1x8x128xf32, #tpu.memory_space<vmem>>
        %dma_start3A_1538 = tpu.memref_squeeze %dma_start3A_1537 : memref<1x8x128xf32, #tpu.memory_space<vmem>> -> memref<8x128xf32, #tpu.memory_space<vmem>>
        %dma_start3A_1539 = arith.constant 0 : i32
        %dma_start3A_1540 = tpu.memref_slice %arg2[%dma_start3A_1539, %multiple_of3A_1533] : memref<32x1000000xf32, #tpu.memory_space<hbm>> -> memref<8x128xf32, #tpu.memory_space<hbm>>
        %dma_start3A_1541 = arith.constant 0 : i32
        %dma_start3A_1542 = arith.constant 0 : i32
        %dma_start3A_1543 = tpu.memref_slice %arg6[%dma_start3A_1534, %dma_start3A_1541, %dma_start3A_1542] : memref<8x32x128xf32, #tpu.memory_space<vmem>> -> memref<1x8x128xf32, #tpu.memory_space<vmem>>
        %dma_start3A_1544 = tpu.memref_squeeze %dma_start3A_1543 : memref<1x8x128xf32, #tpu.memory_space<vmem>> -> memref<8x128xf32, #tpu.memory_space<vmem>>
        %dma_start3A_1545 = arith.constant 0 : i32
        %dma_start3A_1546 = tpu.memref_slice %arg2[%dma_start3A_1545, %multiple_of3A_1533] : memref<32x1000000xf32, #tpu.memory_space<hbm>> -> memref<8x128xf32, #tpu.memory_space<hbm>>
        tpu.enqueue_dma source(%dma_start3A_1546 : memref<8x128xf32, #tpu.memory_space<hbm>>) target(%dma_start3A_1544 : memref<8x128xf32, #tpu.memory_space<vmem>>) target_semaphore(%arg9 : memref<!tpu.dma_semaphore, #tpu.memory_space<semaphore_mem>>)
        %dma_start3A_1547 = arith.constant 1 : i32
        %dma_start3A_1548 = arith.constant 8 : i32
        %dma_start3A_1549 = arith.constant 0 : i32
        %dma_start3A_1550 = tpu.memref_slice %arg6[%dma_start3A_1547, %dma_start3A_1548, %dma_start3A_1549] : memref<8x32x128xf32, #tpu.memory_space<vmem>> -> memref<1x8x128xf32, #tpu.memory_space<vmem>>
        %dma_start3A_1551 = tpu.memref_squeeze %dma_start3A_1550 : memref<1x8x128xf32, #tpu.memory_space<vmem>> -> memref<8x128xf32, #tpu.memory_space<vmem>>
        %dma_start3A_1552 = arith.constant 8 : i32
        %dma_start3A_1553 = tpu.memref_slice %arg2[%dma_start3A_1552, %multiple_of3A_1533] : memref<32x1000000xf32, #tpu.memory_space<hbm>> -> memref<8x128xf32, #tpu.memory_space<hbm>>
        %dma_start3A_1554 = arith.constant 8 : i32
        %dma_start3A_1555 = arith.constant 0 : i32
        %dma_start3A_1556 = tpu.memref_slice %arg6[%dma_start3A_1547, %dma_start3A_1554, %dma_start3A_1555] : memref<8x32x128xf32, #tpu.memory_space<vmem>> -> memref<1x8x128xf32, #tpu.memory_space<vmem>>
        %dma_start3A_1557 = tpu.memref_squeeze %dma_start3A_1556 : memref<1x8x128xf32, #tpu.memory_space<vmem>> -> memref<8x128xf32, #tpu.memory_space<vmem>>
        %dma_start3A_1558 = arith.constant 8 : i32
        %dma_start3A_1559 = tpu.memref_slice %arg2[%dma_start3A_1558, %multiple_of3A_1533] : memref<32x1000000xf32, #tpu.memory_space<hbm>> -> memref<8x128xf32, #tpu.memory_space<hbm>>
        tpu.enqueue_dma source(%dma_start3A_1559 : memref<8x128xf32, #tpu.memory_space<hbm>>) target(%dma_start3A_1557 : memref<8x128xf32, #tpu.memory_space<vmem>>) target_semaphore(%arg9 : memref<!tpu.dma_semaphore, #tpu.memory_space<semaphore_mem>>)
        %dma_start3A_1560 = arith.constant 1 : i32
        %dma_start3A_1561 = arith.constant 16 : i32
        %dma_start3A_1562 = arith.constant 0 : i32
        %dma_start3A_1563 = tpu.memref_slice %arg6[%dma_start3A_1560, %dma_start3A_1561, %dma_start3A_1562] : memref<8x32x128xf32, #tpu.memory_space<vmem>> -> memref<1x8x128xf32, #tpu.memory_space<vmem>>
        %dma_start3A_1564 = tpu.memref_squeeze %dma_start3A_1563 : memref<1x8x128xf32, #tpu.memory_space<vmem>> -> memref<8x128xf32, #tpu.memory_space<vmem>>
        %dma_start3A_1565 = arith.constant 16 : i32
        %dma_start3A_1566 = tpu.memref_slice %arg2[%dma_start3A_1565, %multiple_of3A_1533] : memref<32x1000000xf32, #tpu.memory_space<hbm>> -> memref<8x128xf32, #tpu.memory_space<hbm>>
        %dma_start3A_1567 = arith.constant 16 : i32
        %dma_start3A_1568 = arith.constant 0 : i32
        %dma_start3A_1569 = tpu.memref_slice %arg6[%dma_start3A_1560, %dma_start3A_1567, %dma_start3A_1568] : memref<8x32x128xf32, #tpu.memory_space<vmem>> -> memref<1x8x128xf32, #tpu.memory_space<vmem>>
        %dma_start3A_1570 = tpu.memref_squeeze %dma_start3A_1569 : memref<1x8x128xf32, #tpu.memory_space<vmem>> -> memref<8x128xf32, #tpu.memory_space<vmem>>
        %dma_start3A_1571 = arith.constant 16 : i32
        %dma_start3A_1572 = tpu.memref_slice %arg2[%dma_start3A_1571, %multiple_of3A_1533] : memref<32x1000000xf32, #tpu.memory_space<hbm>> -> memref<8x128xf32, #tpu.memory_space<hbm>>
        tpu.enqueue_dma source(%dma_start3A_1572 : memref<8x128xf32, #tpu.memory_space<hbm>>) target(%dma_start3A_1570 : memref<8x128xf32, #tpu.memory_space<vmem>>) target_semaphore(%arg9 : memref<!tpu.dma_semaphore, #tpu.memory_space<semaphore_mem>>)
        %dma_start3A_1573 = arith.constant 1 : i32
        %dma_start3A_1574 = arith.constant 24 : i32
        %dma_start3A_1575 = arith.constant 0 : i32
        %dma_start3A_1576 = tpu.memref_slice %arg6[%dma_start3A_1573, %dma_start3A_1574, %dma_start3A_1575] : memref<8x32x128xf32, #tpu.memory_space<vmem>> -> memref<1x8x128xf32, #tpu.memory_space<vmem>>
        %dma_start3A_1577 = tpu.memref_squeeze %dma_start3A_1576 : memref<1x8x128xf32, #tpu.memory_space<vmem>> -> memref<8x128xf32, #tpu.memory_space<vmem>>
        %dma_start3A_1578 = arith.constant 24 : i32
        %dma_start3A_1579 = tpu.memref_slice %arg2[%dma_start3A_1578, %multiple_of3A_1533] : memref<32x1000000xf32, #tpu.memory_space<hbm>> -> memref<8x128xf32, #tpu.memory_space<hbm>>
        %dma_start3A_1580 = arith.constant 24 : i32
        %dma_start3A_1581 = arith.constant 0 : i32
        %dma_start3A_1582 = tpu.memref_slice %arg6[%dma_start3A_1573, %dma_start3A_1580, %dma_start3A_1581] : memref<8x32x128xf32, #tpu.memory_space<vmem>> -> memref<1x8x128xf32, #tpu.memory_space<vmem>>
        %dma_start3A_1583 = tpu.memref_squeeze %dma_start3A_1582 : memref<1x8x128xf32, #tpu.memory_space<vmem>> -> memref<8x128xf32, #tpu.memory_space<vmem>>
        %dma_start3A_1584 = arith.constant 24 : i32
        %dma_start3A_1585 = tpu.memref_slice %arg2[%dma_start3A_1584, %multiple_of3A_1533] : memref<32x1000000xf32, #tpu.memory_space<hbm>> -> memref<8x128xf32, #tpu.memory_space<hbm>>
        tpu.enqueue_dma source(%dma_start3A_1585 : memref<8x128xf32, #tpu.memory_space<hbm>>) target(%dma_start3A_1583 : memref<8x128xf32, #tpu.memory_space<vmem>>) target_semaphore(%arg9 : memref<!tpu.dma_semaphore, #tpu.memory_space<semaphore_mem>>)
        %slice3A_1586 = vector.extract_strided_slice %get3A_1196 {offsets = [2], sizes = [1], strides = [1]} : vector<16xi32> to vector<1xi32>
        %squeeze3A_1587 = vector.extract %slice3A_1586[0] : i32 from vector<1xi32>
        %and3A_1588 = arith.constant -128 : i32
        %and3A_1589 = arith.andi %squeeze3A_1587, %and3A_1588 : i32
        %multiple_of3A_1590 = tpu.assume_multiple %and3A_1589, 128 : i32
        %dma_start3A_1591 = arith.constant 2 : i32
        %dma_start3A_1592 = arith.constant 0 : i32
        %dma_start3A_1593 = arith.constant 0 : i32
        %dma_start3A_1594 = tpu.memref_slice %arg6[%dma_start3A_1591, %dma_start3A_1592, %dma_start3A_1593] : memref<8x32x128xf32, #tpu.memory_space<vmem>> -> memref<1x8x128xf32, #tpu.memory_space<vmem>>
        %dma_start3A_1595 = tpu.memref_squeeze %dma_start3A_1594 : memref<1x8x128xf32, #tpu.memory_space<vmem>> -> memref<8x128xf32, #tpu.memory_space<vmem>>
        %dma_start3A_1596 = arith.constant 0 : i32
        %dma_start3A_1597 = tpu.memref_slice %arg2[%dma_start3A_1596, %multiple_of3A_1590] : memref<32x1000000xf32, #tpu.memory_space<hbm>> -> memref<8x128xf32, #tpu.memory_space<hbm>>
        %dma_start3A_1598 = arith.constant 0 : i32
        %dma_start3A_1599 = arith.constant 0 : i32
        %dma_start3A_1600 = tpu.memref_slice %arg6[%dma_start3A_1591, %dma_start3A_1598, %dma_start3A_1599] : memref<8x32x128xf32, #tpu.memory_space<vmem>> -> memref<1x8x128xf32, #tpu.memory_space<vmem>>
        %dma_start3A_1601 = tpu.memref_squeeze %dma_start3A_1600 : memref<1x8x128xf32, #tpu.memory_space<vmem>> -> memref<8x128xf32, #tpu.memory_space<vmem>>
        %dma_start3A_1602 = arith.constant 0 : i32
        %dma_start3A_1603 = tpu.memref_slice %arg2[%dma_start3A_1602, %multiple_of3A_1590] : memref<32x1000000xf32, #tpu.memory_space<hbm>> -> memref<8x128xf32, #tpu.memory_space<hbm>>
        tpu.enqueue_dma source(%dma_start3A_1603 : memref<8x128xf32, #tpu.memory_space<hbm>>) target(%dma_start3A_1601 : memref<8x128xf32, #tpu.memory_space<vmem>>) target_semaphore(%arg9 : memref<!tpu.dma_semaphore, #tpu.memory_space<semaphore_mem>>)
        %dma_start3A_1604 = arith.constant 2 : i32
        %dma_start3A_1605 = arith.constant 8 : i32
        %dma_start3A_1606 = arith.constant 0 : i32
        %dma_start3A_1607 = tpu.memref_slice %arg6[%dma_start3A_1604, %dma_start3A_1605, %dma_start3A_1606] : memref<8x32x128xf32, #tpu.memory_space<vmem>> -> memref<1x8x128xf32, #tpu.memory_space<vmem>>
        %dma_start3A_1608 = tpu.memref_squeeze %dma_start3A_1607 : memref<1x8x128xf32, #tpu.memory_space<vmem>> -> memref<8x128xf32, #tpu.memory_space<vmem>>
        %dma_start3A_1609 = arith.constant 8 : i32
        %dma_start3A_1610 = tpu.memref_slice %arg2[%dma_start3A_1609, %multiple_of3A_1590] : memref<32x1000000xf32, #tpu.memory_space<hbm>> -> memref<8x128xf32, #tpu.memory_space<hbm>>
        %dma_start3A_1611 = arith.constant 8 : i32
        %dma_start3A_1612 = arith.constant 0 : i32
        %dma_start3A_1613 = tpu.memref_slice %arg6[%dma_start3A_1604, %dma_start3A_1611, %dma_start3A_1612] : memref<8x32x128xf32, #tpu.memory_space<vmem>> -> memref<1x8x128xf32, #tpu.memory_space<vmem>>
        %dma_start3A_1614 = tpu.memref_squeeze %dma_start3A_1613 : memref<1x8x128xf32, #tpu.memory_space<vmem>> -> memref<8x128xf32, #tpu.memory_space<vmem>>
        %dma_start3A_1615 = arith.constant 8 : i32
        %dma_start3A_1616 = tpu.memref_slice %arg2[%dma_start3A_1615, %multiple_of3A_1590] : memref<32x1000000xf32, #tpu.memory_space<hbm>> -> memref<8x128xf32, #tpu.memory_space<hbm>>
        tpu.enqueue_dma source(%dma_start3A_1616 : memref<8x128xf32, #tpu.memory_space<hbm>>) target(%dma_start3A_1614 : memref<8x128xf32, #tpu.memory_space<vmem>>) target_semaphore(%arg9 : memref<!tpu.dma_semaphore, #tpu.memory_space<semaphore_mem>>)
        %dma_start3A_1617 = arith.constant 2 : i32
        %dma_start3A_1618 = arith.constant 16 : i32
        %dma_start3A_1619 = arith.constant 0 : i32
        %dma_start3A_1620 = tpu.memref_slice %arg6[%dma_start3A_1617, %dma_start3A_1618, %dma_start3A_1619] : memref<8x32x128xf32, #tpu.memory_space<vmem>> -> memref<1x8x128xf32, #tpu.memory_space<vmem>>
        %dma_start3A_1621 = tpu.memref_squeeze %dma_start3A_1620 : memref<1x8x128xf32, #tpu.memory_space<vmem>> -> memref<8x128xf32, #tpu.memory_space<vmem>>
        %dma_start3A_1622 = arith.constant 16 : i32
        %dma_start3A_1623 = tpu.memref_slice %arg2[%dma_start3A_1622, %multiple_of3A_1590] : memref<32x1000000xf32, #tpu.memory_space<hbm>> -> memref<8x128xf32, #tpu.memory_space<hbm>>
        %dma_start3A_1624 = arith.constant 16 : i32
        %dma_start3A_1625 = arith.constant 0 : i32
        %dma_start3A_1626 = tpu.memref_slice %arg6[%dma_start3A_1617, %dma_start3A_1624, %dma_start3A_1625] : memref<8x32x128xf32, #tpu.memory_space<vmem>> -> memref<1x8x128xf32, #tpu.memory_space<vmem>>
        %dma_start3A_1627 = tpu.memref_squeeze %dma_start3A_1626 : memref<1x8x128xf32, #tpu.memory_space<vmem>> -> memref<8x128xf32, #tpu.memory_space<vmem>>
        %dma_start3A_1628 = arith.constant 16 : i32
        %dma_start3A_1629 = tpu.memref_slice %arg2[%dma_start3A_1628, %multiple_of3A_1590] : memref<32x1000000xf32, #tpu.memory_space<hbm>> -> memref<8x128xf32, #tpu.memory_space<hbm>>
        tpu.enqueue_dma source(%dma_start3A_1629 : memref<8x128xf32, #tpu.memory_space<hbm>>) target(%dma_start3A_1627 : memref<8x128xf32, #tpu.memory_space<vmem>>) target_semaphore(%arg9 : memref<!tpu.dma_semaphore, #tpu.memory_space<semaphore_mem>>)
        %dma_start3A_1630 = arith.constant 2 : i32
        %dma_start3A_1631 = arith.constant 24 : i32
        %dma_start3A_1632 = arith.constant 0 : i32
        %dma_start3A_1633 = tpu.memref_slice %arg6[%dma_start3A_1630, %dma_start3A_1631, %dma_start3A_1632] : memref<8x32x128xf32, #tpu.memory_space<vmem>> -> memref<1x8x128xf32, #tpu.memory_space<vmem>>
        %dma_start3A_1634 = tpu.memref_squeeze %dma_start3A_1633 : memref<1x8x128xf32, #tpu.memory_space<vmem>> -> memref<8x128xf32, #tpu.memory_space<vmem>>
        %dma_start3A_1635 = arith.constant 24 : i32
        %dma_start3A_1636 = tpu.memref_slice %arg2[%dma_start3A_1635, %multiple_of3A_1590] : memref<32x1000000xf32, #tpu.memory_space<hbm>> -> memref<8x128xf32, #tpu.memory_space<hbm>>
        %dma_start3A_1637 = arith.constant 24 : i32
        %dma_start3A_1638 = arith.constant 0 : i32
        %dma_start3A_1639 = tpu.memref_slice %arg6[%dma_start3A_1630, %dma_start3A_1637, %dma_start3A_1638] : memref<8x32x128xf32, #tpu.memory_space<vmem>> -> memref<1x8x128xf32, #tpu.memory_space<vmem>>
        %dma_start3A_1640 = tpu.memref_squeeze %dma_start3A_1639 : memref<1x8x128xf32, #tpu.memory_space<vmem>> -> memref<8x128xf32, #tpu.memory_space<vmem>>
        %dma_start3A_1641 = arith.constant 24 : i32
        %dma_start3A_1642 = tpu.memref_slice %arg2[%dma_start3A_1641, %multiple_of3A_1590] : memref<32x1000000xf32, #tpu.memory_space<hbm>> -> memref<8x128xf32, #tpu.memory_space<hbm>>
        tpu.enqueue_dma source(%dma_start3A_1642 : memref<8x128xf32, #tpu.memory_space<hbm>>) target(%dma_start3A_1640 : memref<8x128xf32, #tpu.memory_space<vmem>>) target_semaphore(%arg9 : memref<!tpu.dma_semaphore, #tpu.memory_space<semaphore_mem>>)
        %slice3A_1643 = vector.extract_strided_slice %get3A_1196 {offsets = [3], sizes = [1], strides = [1]} : vector<16xi32> to vector<1xi32>
        %squeeze3A_1644 = vector.extract %slice3A_1643[0] : i32 from vector<1xi32>
        %and3A_1645 = arith.constant -128 : i32
        %and3A_1646 = arith.andi %squeeze3A_1644, %and3A_1645 : i32
        %multiple_of3A_1647 = tpu.assume_multiple %and3A_1646, 128 : i32
        %dma_start3A_1648 = arith.constant 3 : i32
        %dma_start3A_1649 = arith.constant 0 : i32
        %dma_start3A_1650 = arith.constant 0 : i32
        %dma_start3A_1651 = tpu.memref_slice %arg6[%dma_start3A_1648, %dma_start3A_1649, %dma_start3A_1650] : memref<8x32x128xf32, #tpu.memory_space<vmem>> -> memref<1x8x128xf32, #tpu.memory_space<vmem>>
        %dma_start3A_1652 = tpu.memref_squeeze %dma_start3A_1651 : memref<1x8x128xf32, #tpu.memory_space<vmem>> -> memref<8x128xf32, #tpu.memory_space<vmem>>
        %dma_start3A_1653 = arith.constant 0 : i32
        %dma_start3A_1654 = tpu.memref_slice %arg2[%dma_start3A_1653, %multiple_of3A_1647] : memref<32x1000000xf32, #tpu.memory_space<hbm>> -> memref<8x128xf32, #tpu.memory_space<hbm>>
        %dma_start3A_1655 = arith.constant 0 : i32
        %dma_start3A_1656 = arith.constant 0 : i32
        %dma_start3A_1657 = tpu.memref_slice %arg6[%dma_start3A_1648, %dma_start3A_1655, %dma_start3A_1656] : memref<8x32x128xf32, #tpu.memory_space<vmem>> -> memref<1x8x128xf32, #tpu.memory_space<vmem>>
        %dma_start3A_1658 = tpu.memref_squeeze %dma_start3A_1657 : memref<1x8x128xf32, #tpu.memory_space<vmem>> -> memref<8x128xf32, #tpu.memory_space<vmem>>
        %dma_start3A_1659 = arith.constant 0 : i32
        %dma_start3A_1660 = tpu.memref_slice %arg2[%dma_start3A_1659, %multiple_of3A_1647] : memref<32x1000000xf32, #tpu.memory_space<hbm>> -> memref<8x128xf32, #tpu.memory_space<hbm>>
        tpu.enqueue_dma source(%dma_start3A_1660 : memref<8x128xf32, #tpu.memory_space<hbm>>) target(%dma_start3A_1658 : memref<8x128xf32, #tpu.memory_space<vmem>>) target_semaphore(%arg9 : memref<!tpu.dma_semaphore, #tpu.memory_space<semaphore_mem>>)
        %dma_start3A_1661 = arith.constant 3 : i32
        %dma_start3A_1662 = arith.constant 8 : i32
        %dma_start3A_1663 = arith.constant 0 : i32
        %dma_start3A_1664 = tpu.memref_slice %arg6[%dma_start3A_1661, %dma_start3A_1662, %dma_start3A_1663] : memref<8x32x128xf32, #tpu.memory_space<vmem>> -> memref<1x8x128xf32, #tpu.memory_space<vmem>>
        %dma_start3A_1665 = tpu.memref_squeeze %dma_start3A_1664 : memref<1x8x128xf32, #tpu.memory_space<vmem>> -> memref<8x128xf32, #tpu.memory_space<vmem>>
        %dma_start3A_1666 = arith.constant 8 : i32
        %dma_start3A_1667 = tpu.memref_slice %arg2[%dma_start3A_1666, %multiple_of3A_1647] : memref<32x1000000xf32, #tpu.memory_space<hbm>> -> memref<8x128xf32, #tpu.memory_space<hbm>>
        %dma_start3A_1668 = arith.constant 8 : i32
        %dma_start3A_1669 = arith.constant 0 : i32
        %dma_start3A_1670 = tpu.memref_slice %arg6[%dma_start3A_1661, %dma_start3A_1668, %dma_start3A_1669] : memref<8x32x128xf32, #tpu.memory_space<vmem>> -> memref<1x8x128xf32, #tpu.memory_space<vmem>>
        %dma_start3A_1671 = tpu.memref_squeeze %dma_start3A_1670 : memref<1x8x128xf32, #tpu.memory_space<vmem>> -> memref<8x128xf32, #tpu.memory_space<vmem>>
        %dma_start3A_1672 = arith.constant 8 : i32
        %dma_start3A_1673 = tpu.memref_slice %arg2[%dma_start3A_1672, %multiple_of3A_1647] : memref<32x1000000xf32, #tpu.memory_space<hbm>> -> memref<8x128xf32, #tpu.memory_space<hbm>>
        tpu.enqueue_dma source(%dma_start3A_1673 : memref<8x128xf32, #tpu.memory_space<hbm>>) target(%dma_start3A_1671 : memref<8x128xf32, #tpu.memory_space<vmem>>) target_semaphore(%arg9 : memref<!tpu.dma_semaphore, #tpu.memory_space<semaphore_mem>>)
        %dma_start3A_1674 = arith.constant 3 : i32
        %dma_start3A_1675 = arith.constant 16 : i32
        %dma_start3A_1676 = arith.constant 0 : i32
        %dma_start3A_1677 = tpu.memref_slice %arg6[%dma_start3A_1674, %dma_start3A_1675, %dma_start3A_1676] : memref<8x32x128xf32, #tpu.memory_space<vmem>> -> memref<1x8x128xf32, #tpu.memory_space<vmem>>
        %dma_start3A_1678 = tpu.memref_squeeze %dma_start3A_1677 : memref<1x8x128xf32, #tpu.memory_space<vmem>> -> memref<8x128xf32, #tpu.memory_space<vmem>>
        %dma_start3A_1679 = arith.constant 16 : i32
        %dma_start3A_1680 = tpu.memref_slice %arg2[%dma_start3A_1679, %multiple_of3A_1647] : memref<32x1000000xf32, #tpu.memory_space<hbm>> -> memref<8x128xf32, #tpu.memory_space<hbm>>
        %dma_start3A_1681 = arith.constant 16 : i32
        %dma_start3A_1682 = arith.constant 0 : i32
        %dma_start3A_1683 = tpu.memref_slice %arg6[%dma_start3A_1674, %dma_start3A_1681, %dma_start3A_1682] : memref<8x32x128xf32, #tpu.memory_space<vmem>> -> memref<1x8x128xf32, #tpu.memory_space<vmem>>
        %dma_start3A_1684 = tpu.memref_squeeze %dma_start3A_1683 : memref<1x8x128xf32, #tpu.memory_space<vmem>> -> memref<8x128xf32, #tpu.memory_space<vmem>>
        %dma_start3A_1685 = arith.constant 16 : i32
        %dma_start3A_1686 = tpu.memref_slice %arg2[%dma_start3A_1685, %multiple_of3A_1647] : memref<32x1000000xf32, #tpu.memory_space<hbm>> -> memref<8x128xf32, #tpu.memory_space<hbm>>
        tpu.enqueue_dma source(%dma_start3A_1686 : memref<8x128xf32, #tpu.memory_space<hbm>>) target(%dma_start3A_1684 : memref<8x128xf32, #tpu.memory_space<vmem>>) target_semaphore(%arg9 : memref<!tpu.dma_semaphore, #tpu.memory_space<semaphore_mem>>)
        %dma_start3A_1687 = arith.constant 3 : i32
        %dma_start3A_1688 = arith.constant 24 : i32
        %dma_start3A_1689 = arith.constant 0 : i32
        %dma_start3A_1690 = tpu.memref_slice %arg6[%dma_start3A_1687, %dma_start3A_1688, %dma_start3A_1689] : memref<8x32x128xf32, #tpu.memory_space<vmem>> -> memref<1x8x128xf32, #tpu.memory_space<vmem>>
        %dma_start3A_1691 = tpu.memref_squeeze %dma_start3A_1690 : memref<1x8x128xf32, #tpu.memory_space<vmem>> -> memref<8x128xf32, #tpu.memory_space<vmem>>
        %dma_start3A_1692 = arith.constant 24 : i32
        %dma_start3A_1693 = tpu.memref_slice %arg2[%dma_start3A_1692, %multiple_of3A_1647] : memref<32x1000000xf32, #tpu.memory_space<hbm>> -> memref<8x128xf32, #tpu.memory_space<hbm>>
        %dma_start3A_1694 = arith.constant 24 : i32
        %dma_start3A_1695 = arith.constant 0 : i32
        %dma_start3A_1696 = tpu.memref_slice %arg6[%dma_start3A_1687, %dma_start3A_1694, %dma_start3A_1695] : memref<8x32x128xf32, #tpu.memory_space<vmem>> -> memref<1x8x128xf32, #tpu.memory_space<vmem>>
        %dma_start3A_1697 = tpu.memref_squeeze %dma_start3A_1696 : memref<1x8x128xf32, #tpu.memory_space<vmem>> -> memref<8x128xf32, #tpu.memory_space<vmem>>
        %dma_start3A_1698 = arith.constant 24 : i32
        %dma_start3A_1699 = tpu.memref_slice %arg2[%dma_start3A_1698, %multiple_of3A_1647] : memref<32x1000000xf32, #tpu.memory_space<hbm>> -> memref<8x128xf32, #tpu.memory_space<hbm>>
        tpu.enqueue_dma source(%dma_start3A_1699 : memref<8x128xf32, #tpu.memory_space<hbm>>) target(%dma_start3A_1697 : memref<8x128xf32, #tpu.memory_space<vmem>>) target_semaphore(%arg9 : memref<!tpu.dma_semaphore, #tpu.memory_space<semaphore_mem>>)
        %slice3A_1700 = vector.extract_strided_slice %get3A_1196 {offsets = [4], sizes = [1], strides = [1]} : vector<16xi32> to vector<1xi32>
        %squeeze3A_1701 = vector.extract %slice3A_1700[0] : i32 from vector<1xi32>
        %and3A_1702 = arith.constant -128 : i32
        %and3A_1703 = arith.andi %squeeze3A_1701, %and3A_1702 : i32
        %multiple_of3A_1704 = tpu.assume_multiple %and3A_1703, 128 : i32
        %dma_start3A_1705 = arith.constant 4 : i32
        %dma_start3A_1706 = arith.constant 0 : i32
        %dma_start3A_1707 = arith.constant 0 : i32
        %dma_start3A_1708 = tpu.memref_slice %arg6[%dma_start3A_1705, %dma_start3A_1706, %dma_start3A_1707] : memref<8x32x128xf32, #tpu.memory_space<vmem>> -> memref<1x8x128xf32, #tpu.memory_space<vmem>>
        %dma_start3A_1709 = tpu.memref_squeeze %dma_start3A_1708 : memref<1x8x128xf32, #tpu.memory_space<vmem>> -> memref<8x128xf32, #tpu.memory_space<vmem>>
        %dma_start3A_1710 = arith.constant 0 : i32
        %dma_start3A_1711 = tpu.memref_slice %arg2[%dma_start3A_1710, %multiple_of3A_1704] : memref<32x1000000xf32, #tpu.memory_space<hbm>> -> memref<8x128xf32, #tpu.memory_space<hbm>>
        %dma_start3A_1712 = arith.constant 0 : i32
        %dma_start3A_1713 = arith.constant 0 : i32
        %dma_start3A_1714 = tpu.memref_slice %arg6[%dma_start3A_1705, %dma_start3A_1712, %dma_start3A_1713] : memref<8x32x128xf32, #tpu.memory_space<vmem>> -> memref<1x8x128xf32, #tpu.memory_space<vmem>>
        %dma_start3A_1715 = tpu.memref_squeeze %dma_start3A_1714 : memref<1x8x128xf32, #tpu.memory_space<vmem>> -> memref<8x128xf32, #tpu.memory_space<vmem>>
        %dma_start3A_1716 = arith.constant 0 : i32
        %dma_start3A_1717 = tpu.memref_slice %arg2[%dma_start3A_1716, %multiple_of3A_1704] : memref<32x1000000xf32, #tpu.memory_space<hbm>> -> memref<8x128xf32, #tpu.memory_space<hbm>>
        tpu.enqueue_dma source(%dma_start3A_1717 : memref<8x128xf32, #tpu.memory_space<hbm>>) target(%dma_start3A_1715 : memref<8x128xf32, #tpu.memory_space<vmem>>) target_semaphore(%arg9 : memref<!tpu.dma_semaphore, #tpu.memory_space<semaphore_mem>>)
        %dma_start3A_1718 = arith.constant 4 : i32
        %dma_start3A_1719 = arith.constant 8 : i32
        %dma_start3A_1720 = arith.constant 0 : i32
        %dma_start3A_1721 = tpu.memref_slice %arg6[%dma_start3A_1718, %dma_start3A_1719, %dma_start3A_1720] : memref<8x32x128xf32, #tpu.memory_space<vmem>> -> memref<1x8x128xf32, #tpu.memory_space<vmem>>
        %dma_start3A_1722 = tpu.memref_squeeze %dma_start3A_1721 : memref<1x8x128xf32, #tpu.memory_space<vmem>> -> memref<8x128xf32, #tpu.memory_space<vmem>>
        %dma_start3A_1723 = arith.constant 8 : i32
        %dma_start3A_1724 = tpu.memref_slice %arg2[%dma_start3A_1723, %multiple_of3A_1704] : memref<32x1000000xf32, #tpu.memory_space<hbm>> -> memref<8x128xf32, #tpu.memory_space<hbm>>
        %dma_start3A_1725 = arith.constant 8 : i32
        %dma_start3A_1726 = arith.constant 0 : i32
        %dma_start3A_1727 = tpu.memref_slice %arg6[%dma_start3A_1718, %dma_start3A_1725, %dma_start3A_1726] : memref<8x32x128xf32, #tpu.memory_space<vmem>> -> memref<1x8x128xf32, #tpu.memory_space<vmem>>
        %dma_start3A_1728 = tpu.memref_squeeze %dma_start3A_1727 : memref<1x8x128xf32, #tpu.memory_space<vmem>> -> memref<8x128xf32, #tpu.memory_space<vmem>>
        %dma_start3A_1729 = arith.constant 8 : i32
        %dma_start3A_1730 = tpu.memref_slice %arg2[%dma_start3A_1729, %multiple_of3A_1704] : memref<32x1000000xf32, #tpu.memory_space<hbm>> -> memref<8x128xf32, #tpu.memory_space<hbm>>
        tpu.enqueue_dma source(%dma_start3A_1730 : memref<8x128xf32, #tpu.memory_space<hbm>>) target(%dma_start3A_1728 : memref<8x128xf32, #tpu.memory_space<vmem>>) target_semaphore(%arg9 : memref<!tpu.dma_semaphore, #tpu.memory_space<semaphore_mem>>)
        %dma_start3A_1731 = arith.constant 4 : i32
        %dma_start3A_1732 = arith.constant 16 : i32
        %dma_start3A_1733 = arith.constant 0 : i32
        %dma_start3A_1734 = tpu.memref_slice %arg6[%dma_start3A_1731, %dma_start3A_1732, %dma_start3A_1733] : memref<8x32x128xf32, #tpu.memory_space<vmem>> -> memref<1x8x128xf32, #tpu.memory_space<vmem>>
        %dma_start3A_1735 = tpu.memref_squeeze %dma_start3A_1734 : memref<1x8x128xf32, #tpu.memory_space<vmem>> -> memref<8x128xf32, #tpu.memory_space<vmem>>
        %dma_start3A_1736 = arith.constant 16 : i32
        %dma_start3A_1737 = tpu.memref_slice %arg2[%dma_start3A_1736, %multiple_of3A_1704] : memref<32x1000000xf32, #tpu.memory_space<hbm>> -> memref<8x128xf32, #tpu.memory_space<hbm>>
        %dma_start3A_1738 = arith.constant 16 : i32
        %dma_start3A_1739 = arith.constant 0 : i32
        %dma_start3A_1740 = tpu.memref_slice %arg6[%dma_start3A_1731, %dma_start3A_1738, %dma_start3A_1739] : memref<8x32x128xf32, #tpu.memory_space<vmem>> -> memref<1x8x128xf32, #tpu.memory_space<vmem>>
        %dma_start3A_1741 = tpu.memref_squeeze %dma_start3A_1740 : memref<1x8x128xf32, #tpu.memory_space<vmem>> -> memref<8x128xf32, #tpu.memory_space<vmem>>
        %dma_start3A_1742 = arith.constant 16 : i32
        %dma_start3A_1743 = tpu.memref_slice %arg2[%dma_start3A_1742, %multiple_of3A_1704] : memref<32x1000000xf32, #tpu.memory_space<hbm>> -> memref<8x128xf32, #tpu.memory_space<hbm>>
        tpu.enqueue_dma source(%dma_start3A_1743 : memref<8x128xf32, #tpu.memory_space<hbm>>) target(%dma_start3A_1741 : memref<8x128xf32, #tpu.memory_space<vmem>>) target_semaphore(%arg9 : memref<!tpu.dma_semaphore, #tpu.memory_space<semaphore_mem>>)
        %dma_start3A_1744 = arith.constant 4 : i32
        %dma_start3A_1745 = arith.constant 24 : i32
        %dma_start3A_1746 = arith.constant 0 : i32
        %dma_start3A_1747 = tpu.memref_slice %arg6[%dma_start3A_1744, %dma_start3A_1745, %dma_start3A_1746] : memref<8x32x128xf32, #tpu.memory_space<vmem>> -> memref<1x8x128xf32, #tpu.memory_space<vmem>>
        %dma_start3A_1748 = tpu.memref_squeeze %dma_start3A_1747 : memref<1x8x128xf32, #tpu.memory_space<vmem>> -> memref<8x128xf32, #tpu.memory_space<vmem>>
        %dma_start3A_1749 = arith.constant 24 : i32
        %dma_start3A_1750 = tpu.memref_slice %arg2[%dma_start3A_1749, %multiple_of3A_1704] : memref<32x1000000xf32, #tpu.memory_space<hbm>> -> memref<8x128xf32, #tpu.memory_space<hbm>>
        %dma_start3A_1751 = arith.constant 24 : i32
        %dma_start3A_1752 = arith.constant 0 : i32
        %dma_start3A_1753 = tpu.memref_slice %arg6[%dma_start3A_1744, %dma_start3A_1751, %dma_start3A_1752] : memref<8x32x128xf32, #tpu.memory_space<vmem>> -> memref<1x8x128xf32, #tpu.memory_space<vmem>>
        %dma_start3A_1754 = tpu.memref_squeeze %dma_start3A_1753 : memref<1x8x128xf32, #tpu.memory_space<vmem>> -> memref<8x128xf32, #tpu.memory_space<vmem>>
        %dma_start3A_1755 = arith.constant 24 : i32
        %dma_start3A_1756 = tpu.memref_slice %arg2[%dma_start3A_1755, %multiple_of3A_1704] : memref<32x1000000xf32, #tpu.memory_space<hbm>> -> memref<8x128xf32, #tpu.memory_space<hbm>>
        tpu.enqueue_dma source(%dma_start3A_1756 : memref<8x128xf32, #tpu.memory_space<hbm>>) target(%dma_start3A_1754 : memref<8x128xf32, #tpu.memory_space<vmem>>) target_semaphore(%arg9 : memref<!tpu.dma_semaphore, #tpu.memory_space<semaphore_mem>>)
        %slice3A_1757 = vector.extract_strided_slice %get3A_1196 {offsets = [5], sizes = [1], strides = [1]} : vector<16xi32> to vector<1xi32>
        %squeeze3A_1758 = vector.extract %slice3A_1757[0] : i32 from vector<1xi32>
        %and3A_1759 = arith.constant -128 : i32
        %and3A_1760 = arith.andi %squeeze3A_1758, %and3A_1759 : i32
        %multiple_of3A_1761 = tpu.assume_multiple %and3A_1760, 128 : i32
        %dma_start3A_1762 = arith.constant 5 : i32
        %dma_start3A_1763 = arith.constant 0 : i32
        %dma_start3A_1764 = arith.constant 0 : i32
        %dma_start3A_1765 = tpu.memref_slice %arg6[%dma_start3A_1762, %dma_start3A_1763, %dma_start3A_1764] : memref<8x32x128xf32, #tpu.memory_space<vmem>> -> memref<1x8x128xf32, #tpu.memory_space<vmem>>
        %dma_start3A_1766 = tpu.memref_squeeze %dma_start3A_1765 : memref<1x8x128xf32, #tpu.memory_space<vmem>> -> memref<8x128xf32, #tpu.memory_space<vmem>>
        %dma_start3A_1767 = arith.constant 0 : i32
        %dma_start3A_1768 = tpu.memref_slice %arg2[%dma_start3A_1767, %multiple_of3A_1761] : memref<32x1000000xf32, #tpu.memory_space<hbm>> -> memref<8x128xf32, #tpu.memory_space<hbm>>
        %dma_start3A_1769 = arith.constant 0 : i32
        %dma_start3A_1770 = arith.constant 0 : i32
        %dma_start3A_1771 = tpu.memref_slice %arg6[%dma_start3A_1762, %dma_start3A_1769, %dma_start3A_1770] : memref<8x32x128xf32, #tpu.memory_space<vmem>> -> memref<1x8x128xf32, #tpu.memory_space<vmem>>
        %dma_start3A_1772 = tpu.memref_squeeze %dma_start3A_1771 : memref<1x8x128xf32, #tpu.memory_space<vmem>> -> memref<8x128xf32, #tpu.memory_space<vmem>>
        %dma_start3A_1773 = arith.constant 0 : i32
        %dma_start3A_1774 = tpu.memref_slice %arg2[%dma_start3A_1773, %multiple_of3A_1761] : memref<32x1000000xf32, #tpu.memory_space<hbm>> -> memref<8x128xf32, #tpu.memory_space<hbm>>
        tpu.enqueue_dma source(%dma_start3A_1774 : memref<8x128xf32, #tpu.memory_space<hbm>>) target(%dma_start3A_1772 : memref<8x128xf32, #tpu.memory_space<vmem>>) target_semaphore(%arg9 : memref<!tpu.dma_semaphore, #tpu.memory_space<semaphore_mem>>)
        %dma_start3A_1775 = arith.constant 5 : i32
        %dma_start3A_1776 = arith.constant 8 : i32
        %dma_start3A_1777 = arith.constant 0 : i32
        %dma_start3A_1778 = tpu.memref_slice %arg6[%dma_start3A_1775, %dma_start3A_1776, %dma_start3A_1777] : memref<8x32x128xf32, #tpu.memory_space<vmem>> -> memref<1x8x128xf32, #tpu.memory_space<vmem>>
        %dma_start3A_1779 = tpu.memref_squeeze %dma_start3A_1778 : memref<1x8x128xf32, #tpu.memory_space<vmem>> -> memref<8x128xf32, #tpu.memory_space<vmem>>
        %dma_start3A_1780 = arith.constant 8 : i32
        %dma_start3A_1781 = tpu.memref_slice %arg2[%dma_start3A_1780, %multiple_of3A_1761] : memref<32x1000000xf32, #tpu.memory_space<hbm>> -> memref<8x128xf32, #tpu.memory_space<hbm>>
        %dma_start3A_1782 = arith.constant 8 : i32
        %dma_start3A_1783 = arith.constant 0 : i32
        %dma_start3A_1784 = tpu.memref_slice %arg6[%dma_start3A_1775, %dma_start3A_1782, %dma_start3A_1783] : memref<8x32x128xf32, #tpu.memory_space<vmem>> -> memref<1x8x128xf32, #tpu.memory_space<vmem>>
        %dma_start3A_1785 = tpu.memref_squeeze %dma_start3A_1784 : memref<1x8x128xf32, #tpu.memory_space<vmem>> -> memref<8x128xf32, #tpu.memory_space<vmem>>
        %dma_start3A_1786 = arith.constant 8 : i32
        %dma_start3A_1787 = tpu.memref_slice %arg2[%dma_start3A_1786, %multiple_of3A_1761] : memref<32x1000000xf32, #tpu.memory_space<hbm>> -> memref<8x128xf32, #tpu.memory_space<hbm>>
        tpu.enqueue_dma source(%dma_start3A_1787 : memref<8x128xf32, #tpu.memory_space<hbm>>) target(%dma_start3A_1785 : memref<8x128xf32, #tpu.memory_space<vmem>>) target_semaphore(%arg9 : memref<!tpu.dma_semaphore, #tpu.memory_space<semaphore_mem>>)
        %dma_start3A_1788 = arith.constant 5 : i32
        %dma_start3A_1789 = arith.constant 16 : i32
        %dma_start3A_1790 = arith.constant 0 : i32
        %dma_start3A_1791 = tpu.memref_slice %arg6[%dma_start3A_1788, %dma_start3A_1789, %dma_start3A_1790] : memref<8x32x128xf32, #tpu.memory_space<vmem>> -> memref<1x8x128xf32, #tpu.memory_space<vmem>>
        %dma_start3A_1792 = tpu.memref_squeeze %dma_start3A_1791 : memref<1x8x128xf32, #tpu.memory_space<vmem>> -> memref<8x128xf32, #tpu.memory_space<vmem>>
        %dma_start3A_1793 = arith.constant 16 : i32
        %dma_start3A_1794 = tpu.memref_slice %arg2[%dma_start3A_1793, %multiple_of3A_1761] : memref<32x1000000xf32, #tpu.memory_space<hbm>> -> memref<8x128xf32, #tpu.memory_space<hbm>>
        %dma_start3A_1795 = arith.constant 16 : i32
        %dma_start3A_1796 = arith.constant 0 : i32
        %dma_start3A_1797 = tpu.memref_slice %arg6[%dma_start3A_1788, %dma_start3A_1795, %dma_start3A_1796] : memref<8x32x128xf32, #tpu.memory_space<vmem>> -> memref<1x8x128xf32, #tpu.memory_space<vmem>>
        %dma_start3A_1798 = tpu.memref_squeeze %dma_start3A_1797 : memref<1x8x128xf32, #tpu.memory_space<vmem>> -> memref<8x128xf32, #tpu.memory_space<vmem>>
        %dma_start3A_1799 = arith.constant 16 : i32
        %dma_start3A_1800 = tpu.memref_slice %arg2[%dma_start3A_1799, %multiple_of3A_1761] : memref<32x1000000xf32, #tpu.memory_space<hbm>> -> memref<8x128xf32, #tpu.memory_space<hbm>>
        tpu.enqueue_dma source(%dma_start3A_1800 : memref<8x128xf32, #tpu.memory_space<hbm>>) target(%dma_start3A_1798 : memref<8x128xf32, #tpu.memory_space<vmem>>) target_semaphore(%arg9 : memref<!tpu.dma_semaphore, #tpu.memory_space<semaphore_mem>>)
        %dma_start3A_1801 = arith.constant 5 : i32
        %dma_start3A_1802 = arith.constant 24 : i32
        %dma_start3A_1803 = arith.constant 0 : i32
        %dma_start3A_1804 = tpu.memref_slice %arg6[%dma_start3A_1801, %dma_start3A_1802, %dma_start3A_1803] : memref<8x32x128xf32, #tpu.memory_space<vmem>> -> memref<1x8x128xf32, #tpu.memory_space<vmem>>
        %dma_start3A_1805 = tpu.memref_squeeze %dma_start3A_1804 : memref<1x8x128xf32, #tpu.memory_space<vmem>> -> memref<8x128xf32, #tpu.memory_space<vmem>>
        %dma_start3A_1806 = arith.constant 24 : i32
        %dma_start3A_1807 = tpu.memref_slice %arg2[%dma_start3A_1806, %multiple_of3A_1761] : memref<32x1000000xf32, #tpu.memory_space<hbm>> -> memref<8x128xf32, #tpu.memory_space<hbm>>
        %dma_start3A_1808 = arith.constant 24 : i32
        %dma_start3A_1809 = arith.constant 0 : i32
        %dma_start3A_1810 = tpu.memref_slice %arg6[%dma_start3A_1801, %dma_start3A_1808, %dma_start3A_1809] : memref<8x32x128xf32, #tpu.memory_space<vmem>> -> memref<1x8x128xf32, #tpu.memory_space<vmem>>
        %dma_start3A_1811 = tpu.memref_squeeze %dma_start3A_1810 : memref<1x8x128xf32, #tpu.memory_space<vmem>> -> memref<8x128xf32, #tpu.memory_space<vmem>>
        %dma_start3A_1812 = arith.constant 24 : i32
        %dma_start3A_1813 = tpu.memref_slice %arg2[%dma_start3A_1812, %multiple_of3A_1761] : memref<32x1000000xf32, #tpu.memory_space<hbm>> -> memref<8x128xf32, #tpu.memory_space<hbm>>
        tpu.enqueue_dma source(%dma_start3A_1813 : memref<8x128xf32, #tpu.memory_space<hbm>>) target(%dma_start3A_1811 : memref<8x128xf32, #tpu.memory_space<vmem>>) target_semaphore(%arg9 : memref<!tpu.dma_semaphore, #tpu.memory_space<semaphore_mem>>)
        %slice3A_1814 = vector.extract_strided_slice %get3A_1196 {offsets = [6], sizes = [1], strides = [1]} : vector<16xi32> to vector<1xi32>
        %squeeze3A_1815 = vector.extract %slice3A_1814[0] : i32 from vector<1xi32>
        %and3A_1816 = arith.constant -128 : i32
        %and3A_1817 = arith.andi %squeeze3A_1815, %and3A_1816 : i32
        %multiple_of3A_1818 = tpu.assume_multiple %and3A_1817, 128 : i32
        %dma_start3A_1819 = arith.constant 6 : i32
        %dma_start3A_1820 = arith.constant 0 : i32
        %dma_start3A_1821 = arith.constant 0 : i32
        %dma_start3A_1822 = tpu.memref_slice %arg6[%dma_start3A_1819, %dma_start3A_1820, %dma_start3A_1821] : memref<8x32x128xf32, #tpu.memory_space<vmem>> -> memref<1x8x128xf32, #tpu.memory_space<vmem>>
        %dma_start3A_1823 = tpu.memref_squeeze %dma_start3A_1822 : memref<1x8x128xf32, #tpu.memory_space<vmem>> -> memref<8x128xf32, #tpu.memory_space<vmem>>
        %dma_start3A_1824 = arith.constant 0 : i32
        %dma_start3A_1825 = tpu.memref_slice %arg2[%dma_start3A_1824, %multiple_of3A_1818] : memref<32x1000000xf32, #tpu.memory_space<hbm>> -> memref<8x128xf32, #tpu.memory_space<hbm>>
        %dma_start3A_1826 = arith.constant 0 : i32
        %dma_start3A_1827 = arith.constant 0 : i32
        %dma_start3A_1828 = tpu.memref_slice %arg6[%dma_start3A_1819, %dma_start3A_1826, %dma_start3A_1827] : memref<8x32x128xf32, #tpu.memory_space<vmem>> -> memref<1x8x128xf32, #tpu.memory_space<vmem>>
        %dma_start3A_1829 = tpu.memref_squeeze %dma_start3A_1828 : memref<1x8x128xf32, #tpu.memory_space<vmem>> -> memref<8x128xf32, #tpu.memory_space<vmem>>
        %dma_start3A_1830 = arith.constant 0 : i32
        %dma_start3A_1831 = tpu.memref_slice %arg2[%dma_start3A_1830, %multiple_of3A_1818] : memref<32x1000000xf32, #tpu.memory_space<hbm>> -> memref<8x128xf32, #tpu.memory_space<hbm>>
        tpu.enqueue_dma source(%dma_start3A_1831 : memref<8x128xf32, #tpu.memory_space<hbm>>) target(%dma_start3A_1829 : memref<8x128xf32, #tpu.memory_space<vmem>>) target_semaphore(%arg9 : memref<!tpu.dma_semaphore, #tpu.memory_space<semaphore_mem>>)
        %dma_start3A_1832 = arith.constant 6 : i32
        %dma_start3A_1833 = arith.constant 8 : i32
        %dma_start3A_1834 = arith.constant 0 : i32
        %dma_start3A_1835 = tpu.memref_slice %arg6[%dma_start3A_1832, %dma_start3A_1833, %dma_start3A_1834] : memref<8x32x128xf32, #tpu.memory_space<vmem>> -> memref<1x8x128xf32, #tpu.memory_space<vmem>>
        %dma_start3A_1836 = tpu.memref_squeeze %dma_start3A_1835 : memref<1x8x128xf32, #tpu.memory_space<vmem>> -> memref<8x128xf32, #tpu.memory_space<vmem>>
        %dma_start3A_1837 = arith.constant 8 : i32
        %dma_start3A_1838 = tpu.memref_slice %arg2[%dma_start3A_1837, %multiple_of3A_1818] : memref<32x1000000xf32, #tpu.memory_space<hbm>> -> memref<8x128xf32, #tpu.memory_space<hbm>>
        %dma_start3A_1839 = arith.constant 8 : i32
        %dma_start3A_1840 = arith.constant 0 : i32
        %dma_start3A_1841 = tpu.memref_slice %arg6[%dma_start3A_1832, %dma_start3A_1839, %dma_start3A_1840] : memref<8x32x128xf32, #tpu.memory_space<vmem>> -> memref<1x8x128xf32, #tpu.memory_space<vmem>>
        %dma_start3A_1842 = tpu.memref_squeeze %dma_start3A_1841 : memref<1x8x128xf32, #tpu.memory_space<vmem>> -> memref<8x128xf32, #tpu.memory_space<vmem>>
        %dma_start3A_1843 = arith.constant 8 : i32
        %dma_start3A_1844 = tpu.memref_slice %arg2[%dma_start3A_1843, %multiple_of3A_1818] : memref<32x1000000xf32, #tpu.memory_space<hbm>> -> memref<8x128xf32, #tpu.memory_space<hbm>>
        tpu.enqueue_dma source(%dma_start3A_1844 : memref<8x128xf32, #tpu.memory_space<hbm>>) target(%dma_start3A_1842 : memref<8x128xf32, #tpu.memory_space<vmem>>) target_semaphore(%arg9 : memref<!tpu.dma_semaphore, #tpu.memory_space<semaphore_mem>>)
        %dma_start3A_1845 = arith.constant 6 : i32
        %dma_start3A_1846 = arith.constant 16 : i32
        %dma_start3A_1847 = arith.constant 0 : i32
        %dma_start3A_1848 = tpu.memref_slice %arg6[%dma_start3A_1845, %dma_start3A_1846, %dma_start3A_1847] : memref<8x32x128xf32, #tpu.memory_space<vmem>> -> memref<1x8x128xf32, #tpu.memory_space<vmem>>
        %dma_start3A_1849 = tpu.memref_squeeze %dma_start3A_1848 : memref<1x8x128xf32, #tpu.memory_space<vmem>> -> memref<8x128xf32, #tpu.memory_space<vmem>>
        %dma_start3A_1850 = arith.constant 16 : i32
        %dma_start3A_1851 = tpu.memref_slice %arg2[%dma_start3A_1850, %multiple_of3A_1818] : memref<32x1000000xf32, #tpu.memory_space<hbm>> -> memref<8x128xf32, #tpu.memory_space<hbm>>
        %dma_start3A_1852 = arith.constant 16 : i32
        %dma_start3A_1853 = arith.constant 0 : i32
        %dma_start3A_1854 = tpu.memref_slice %arg6[%dma_start3A_1845, %dma_start3A_1852, %dma_start3A_1853] : memref<8x32x128xf32, #tpu.memory_space<vmem>> -> memref<1x8x128xf32, #tpu.memory_space<vmem>>
        %dma_start3A_1855 = tpu.memref_squeeze %dma_start3A_1854 : memref<1x8x128xf32, #tpu.memory_space<vmem>> -> memref<8x128xf32, #tpu.memory_space<vmem>>
        %dma_start3A_1856 = arith.constant 16 : i32
        %dma_start3A_1857 = tpu.memref_slice %arg2[%dma_start3A_1856, %multiple_of3A_1818] : memref<32x1000000xf32, #tpu.memory_space<hbm>> -> memref<8x128xf32, #tpu.memory_space<hbm>>
        tpu.enqueue_dma source(%dma_start3A_1857 : memref<8x128xf32, #tpu.memory_space<hbm>>) target(%dma_start3A_1855 : memref<8x128xf32, #tpu.memory_space<vmem>>) target_semaphore(%arg9 : memref<!tpu.dma_semaphore, #tpu.memory_space<semaphore_mem>>)
        %dma_start3A_1858 = arith.constant 6 : i32
        %dma_start3A_1859 = arith.constant 24 : i32
        %dma_start3A_1860 = arith.constant 0 : i32
        %dma_start3A_1861 = tpu.memref_slice %arg6[%dma_start3A_1858, %dma_start3A_1859, %dma_start3A_1860] : memref<8x32x128xf32, #tpu.memory_space<vmem>> -> memref<1x8x128xf32, #tpu.memory_space<vmem>>
        %dma_start3A_1862 = tpu.memref_squeeze %dma_start3A_1861 : memref<1x8x128xf32, #tpu.memory_space<vmem>> -> memref<8x128xf32, #tpu.memory_space<vmem>>
        %dma_start3A_1863 = arith.constant 24 : i32
        %dma_start3A_1864 = tpu.memref_slice %arg2[%dma_start3A_1863, %multiple_of3A_1818] : memref<32x1000000xf32, #tpu.memory_space<hbm>> -> memref<8x128xf32, #tpu.memory_space<hbm>>
        %dma_start3A_1865 = arith.constant 24 : i32
        %dma_start3A_1866 = arith.constant 0 : i32
        %dma_start3A_1867 = tpu.memref_slice %arg6[%dma_start3A_1858, %dma_start3A_1865, %dma_start3A_1866] : memref<8x32x128xf32, #tpu.memory_space<vmem>> -> memref<1x8x128xf32, #tpu.memory_space<vmem>>
        %dma_start3A_1868 = tpu.memref_squeeze %dma_start3A_1867 : memref<1x8x128xf32, #tpu.memory_space<vmem>> -> memref<8x128xf32, #tpu.memory_space<vmem>>
        %dma_start3A_1869 = arith.constant 24 : i32
        %dma_start3A_1870 = tpu.memref_slice %arg2[%dma_start3A_1869, %multiple_of3A_1818] : memref<32x1000000xf32, #tpu.memory_space<hbm>> -> memref<8x128xf32, #tpu.memory_space<hbm>>
        tpu.enqueue_dma source(%dma_start3A_1870 : memref<8x128xf32, #tpu.memory_space<hbm>>) target(%dma_start3A_1868 : memref<8x128xf32, #tpu.memory_space<vmem>>) target_semaphore(%arg9 : memref<!tpu.dma_semaphore, #tpu.memory_space<semaphore_mem>>)
        %slice3A_1871 = vector.extract_strided_slice %get3A_1196 {offsets = [7], sizes = [1], strides = [1]} : vector<16xi32> to vector<1xi32>
        %squeeze3A_1872 = vector.extract %slice3A_1871[0] : i32 from vector<1xi32>
        %and3A_1873 = arith.constant -128 : i32
        %and3A_1874 = arith.andi %squeeze3A_1872, %and3A_1873 : i32
        %multiple_of3A_1875 = tpu.assume_multiple %and3A_1874, 128 : i32
        %dma_start3A_1876 = arith.constant 7 : i32
        %dma_start3A_1877 = arith.constant 0 : i32
        %dma_start3A_1878 = arith.constant 0 : i32
        %dma_start3A_1879 = tpu.memref_slice %arg6[%dma_start3A_1876, %dma_start3A_1877, %dma_start3A_1878] : memref<8x32x128xf32, #tpu.memory_space<vmem>> -> memref<1x8x128xf32, #tpu.memory_space<vmem>>
        %dma_start3A_1880 = tpu.memref_squeeze %dma_start3A_1879 : memref<1x8x128xf32, #tpu.memory_space<vmem>> -> memref<8x128xf32, #tpu.memory_space<vmem>>
        %dma_start3A_1881 = arith.constant 0 : i32
        %dma_start3A_1882 = tpu.memref_slice %arg2[%dma_start3A_1881, %multiple_of3A_1875] : memref<32x1000000xf32, #tpu.memory_space<hbm>> -> memref<8x128xf32, #tpu.memory_space<hbm>>
        %dma_start3A_1883 = arith.constant 0 : i32
        %dma_start3A_1884 = arith.constant 0 : i32
        %dma_start3A_1885 = tpu.memref_slice %arg6[%dma_start3A_1876, %dma_start3A_1883, %dma_start3A_1884] : memref<8x32x128xf32, #tpu.memory_space<vmem>> -> memref<1x8x128xf32, #tpu.memory_space<vmem>>
        %dma_start3A_1886 = tpu.memref_squeeze %dma_start3A_1885 : memref<1x8x128xf32, #tpu.memory_space<vmem>> -> memref<8x128xf32, #tpu.memory_space<vmem>>
        %dma_start3A_1887 = arith.constant 0 : i32
        %dma_start3A_1888 = tpu.memref_slice %arg2[%dma_start3A_1887, %multiple_of3A_1875] : memref<32x1000000xf32, #tpu.memory_space<hbm>> -> memref<8x128xf32, #tpu.memory_space<hbm>>
        tpu.enqueue_dma source(%dma_start3A_1888 : memref<8x128xf32, #tpu.memory_space<hbm>>) target(%dma_start3A_1886 : memref<8x128xf32, #tpu.memory_space<vmem>>) target_semaphore(%arg9 : memref<!tpu.dma_semaphore, #tpu.memory_space<semaphore_mem>>)
        %dma_start3A_1889 = arith.constant 7 : i32
        %dma_start3A_1890 = arith.constant 8 : i32
        %dma_start3A_1891 = arith.constant 0 : i32
        %dma_start3A_1892 = tpu.memref_slice %arg6[%dma_start3A_1889, %dma_start3A_1890, %dma_start3A_1891] : memref<8x32x128xf32, #tpu.memory_space<vmem>> -> memref<1x8x128xf32, #tpu.memory_space<vmem>>
        %dma_start3A_1893 = tpu.memref_squeeze %dma_start3A_1892 : memref<1x8x128xf32, #tpu.memory_space<vmem>> -> memref<8x128xf32, #tpu.memory_space<vmem>>
        %dma_start3A_1894 = arith.constant 8 : i32
        %dma_start3A_1895 = tpu.memref_slice %arg2[%dma_start3A_1894, %multiple_of3A_1875] : memref<32x1000000xf32, #tpu.memory_space<hbm>> -> memref<8x128xf32, #tpu.memory_space<hbm>>
        %dma_start3A_1896 = arith.constant 8 : i32
        %dma_start3A_1897 = arith.constant 0 : i32
        %dma_start3A_1898 = tpu.memref_slice %arg6[%dma_start3A_1889, %dma_start3A_1896, %dma_start3A_1897] : memref<8x32x128xf32, #tpu.memory_space<vmem>> -> memref<1x8x128xf32, #tpu.memory_space<vmem>>
        %dma_start3A_1899 = tpu.memref_squeeze %dma_start3A_1898 : memref<1x8x128xf32, #tpu.memory_space<vmem>> -> memref<8x128xf32, #tpu.memory_space<vmem>>
        %dma_start3A_1900 = arith.constant 8 : i32
        %dma_start3A_1901 = tpu.memref_slice %arg2[%dma_start3A_1900, %multiple_of3A_1875] : memref<32x1000000xf32, #tpu.memory_space<hbm>> -> memref<8x128xf32, #tpu.memory_space<hbm>>
        tpu.enqueue_dma source(%dma_start3A_1901 : memref<8x128xf32, #tpu.memory_space<hbm>>) target(%dma_start3A_1899 : memref<8x128xf32, #tpu.memory_space<vmem>>) target_semaphore(%arg9 : memref<!tpu.dma_semaphore, #tpu.memory_space<semaphore_mem>>)
        %dma_start3A_1902 = arith.constant 7 : i32
        %dma_start3A_1903 = arith.constant 16 : i32
        %dma_start3A_1904 = arith.constant 0 : i32
        %dma_start3A_1905 = tpu.memref_slice %arg6[%dma_start3A_1902, %dma_start3A_1903, %dma_start3A_1904] : memref<8x32x128xf32, #tpu.memory_space<vmem>> -> memref<1x8x128xf32, #tpu.memory_space<vmem>>
        %dma_start3A_1906 = tpu.memref_squeeze %dma_start3A_1905 : memref<1x8x128xf32, #tpu.memory_space<vmem>> -> memref<8x128xf32, #tpu.memory_space<vmem>>
        %dma_start3A_1907 = arith.constant 16 : i32
        %dma_start3A_1908 = tpu.memref_slice %arg2[%dma_start3A_1907, %multiple_of3A_1875] : memref<32x1000000xf32, #tpu.memory_space<hbm>> -> memref<8x128xf32, #tpu.memory_space<hbm>>
        %dma_start3A_1909 = arith.constant 16 : i32
        %dma_start3A_1910 = arith.constant 0 : i32
        %dma_start3A_1911 = tpu.memref_slice %arg6[%dma_start3A_1902, %dma_start3A_1909, %dma_start3A_1910] : memref<8x32x128xf32, #tpu.memory_space<vmem>> -> memref<1x8x128xf32, #tpu.memory_space<vmem>>
        %dma_start3A_1912 = tpu.memref_squeeze %dma_start3A_1911 : memref<1x8x128xf32, #tpu.memory_space<vmem>> -> memref<8x128xf32, #tpu.memory_space<vmem>>
        %dma_start3A_1913 = arith.constant 16 : i32
        %dma_start3A_1914 = tpu.memref_slice %arg2[%dma_start3A_1913, %multiple_of3A_1875] : memref<32x1000000xf32, #tpu.memory_space<hbm>> -> memref<8x128xf32, #tpu.memory_space<hbm>>
        tpu.enqueue_dma source(%dma_start3A_1914 : memref<8x128xf32, #tpu.memory_space<hbm>>) target(%dma_start3A_1912 : memref<8x128xf32, #tpu.memory_space<vmem>>) target_semaphore(%arg9 : memref<!tpu.dma_semaphore, #tpu.memory_space<semaphore_mem>>)
        %dma_start3A_1915 = arith.constant 7 : i32
        %dma_start3A_1916 = arith.constant 24 : i32
        %dma_start3A_1917 = arith.constant 0 : i32
        %dma_start3A_1918 = tpu.memref_slice %arg6[%dma_start3A_1915, %dma_start3A_1916, %dma_start3A_1917] : memref<8x32x128xf32, #tpu.memory_space<vmem>> -> memref<1x8x128xf32, #tpu.memory_space<vmem>>
        %dma_start3A_1919 = tpu.memref_squeeze %dma_start3A_1918 : memref<1x8x128xf32, #tpu.memory_space<vmem>> -> memref<8x128xf32, #tpu.memory_space<vmem>>
        %dma_start3A_1920 = arith.constant 24 : i32
        %dma_start3A_1921 = tpu.memref_slice %arg2[%dma_start3A_1920, %multiple_of3A_1875] : memref<32x1000000xf32, #tpu.memory_space<hbm>> -> memref<8x128xf32, #tpu.memory_space<hbm>>
        %dma_start3A_1922 = arith.constant 24 : i32
        %dma_start3A_1923 = arith.constant 0 : i32
        %dma_start3A_1924 = tpu.memref_slice %arg6[%dma_start3A_1915, %dma_start3A_1922, %dma_start3A_1923] : memref<8x32x128xf32, #tpu.memory_space<vmem>> -> memref<1x8x128xf32, #tpu.memory_space<vmem>>
        %dma_start3A_1925 = tpu.memref_squeeze %dma_start3A_1924 : memref<1x8x128xf32, #tpu.memory_space<vmem>> -> memref<8x128xf32, #tpu.memory_space<vmem>>
        %dma_start3A_1926 = arith.constant 24 : i32
        %dma_start3A_1927 = tpu.memref_slice %arg2[%dma_start3A_1926, %multiple_of3A_1875] : memref<32x1000000xf32, #tpu.memory_space<hbm>> -> memref<8x128xf32, #tpu.memory_space<hbm>>
        tpu.enqueue_dma source(%dma_start3A_1927 : memref<8x128xf32, #tpu.memory_space<hbm>>) target(%dma_start3A_1925 : memref<8x128xf32, #tpu.memory_space<vmem>>) target_semaphore(%arg9 : memref<!tpu.dma_semaphore, #tpu.memory_space<semaphore_mem>>)
      } else {
      }
      %mul3A_1201 = arith.constant 2 : i32
      %mul3A_1202 = arith.muli %mul3A_1201, %scan3A_459 : i32
      %add3A_1203 = arith.constant 1 : i32
      %add3A_1204 = arith.addi %mul3A_1202, %add3A_1203 : i32
      %dma_wait3A_1205 = arith.constant 0 : i32
      %dma_wait3A_1206 = arith.constant 0 : i32
      %dma_wait3A_1207 = arith.constant 0 : i32
      %dma_wait3A_1208 = tpu.memref_slice %arg7[%dma_wait3A_1205, %dma_wait3A_1206, %dma_wait3A_1207] : memref<8x32x128xf32, #tpu.memory_space<vmem>> -> memref<1x32x128xf32, #tpu.memory_space<vmem>>
      %dma_wait3A_1209 = tpu.memref_squeeze %dma_wait3A_1208 : memref<1x32x128xf32, #tpu.memory_space<vmem>> -> memref<32x128xf32, #tpu.memory_space<vmem>>
      %dma_wait3A_1210 = arith.constant 0 : i32
      %dma_wait3A_1211 = arith.constant 0 : i32
      %dma_wait3A_1212 = tpu.memref_slice %arg2[%dma_wait3A_1210, %dma_wait3A_1211] : memref<32x1000000xf32, #tpu.memory_space<hbm>> -> memref<32x128xf32, #tpu.memory_space<hbm>>
      %dma_wait3A_1213 = arith.constant 0 : i32
      %dma_wait3A_1214 = arith.constant 0 : i32
      %dma_wait3A_1215 = tpu.memref_slice %arg7[%dma_wait3A_1205, %dma_wait3A_1213, %dma_wait3A_1214] : memref<8x32x128xf32, #tpu.memory_space<vmem>> -> memref<1x32x128xf32, #tpu.memory_space<vmem>>
      %dma_wait3A_1216 = tpu.memref_squeeze %dma_wait3A_1215 : memref<1x32x128xf32, #tpu.memory_space<vmem>> -> memref<32x128xf32, #tpu.memory_space<vmem>>
      %dma_wait3A_1217 = arith.constant 0 : i32
      %dma_wait3A_1218 = arith.constant 0 : i32
      %dma_wait3A_1219 = tpu.memref_slice %arg2[%dma_wait3A_1217, %dma_wait3A_1218] : memref<32x1000000xf32, #tpu.memory_space<hbm>> -> memref<32x128xf32, #tpu.memory_space<hbm>>
      tpu.wait_dma2 semaphore(%arg10 : memref<!tpu.dma_semaphore, #tpu.memory_space<semaphore_mem>>) src(%dma_wait3A_1219 : memref<32x128xf32, #tpu.memory_space<hbm>>) dst(%dma_wait3A_1216 : memref<32x128xf32, #tpu.memory_space<vmem>>)
      %dma_wait3A_1220 = arith.constant 1 : i32
      %dma_wait3A_1221 = arith.constant 0 : i32
      %dma_wait3A_1222 = arith.constant 0 : i32
      %dma_wait3A_1223 = tpu.memref_slice %arg7[%dma_wait3A_1220, %dma_wait3A_1221, %dma_wait3A_1222] : memref<8x32x128xf32, #tpu.memory_space<vmem>> -> memref<1x32x128xf32, #tpu.memory_space<vmem>>
      %dma_wait3A_1224 = tpu.memref_squeeze %dma_wait3A_1223 : memref<1x32x128xf32, #tpu.memory_space<vmem>> -> memref<32x128xf32, #tpu.memory_space<vmem>>
      %dma_wait3A_1225 = arith.constant 0 : i32
      %dma_wait3A_1226 = arith.constant 0 : i32
      %dma_wait3A_1227 = tpu.memref_slice %arg2[%dma_wait3A_1225, %dma_wait3A_1226] : memref<32x1000000xf32, #tpu.memory_space<hbm>> -> memref<32x128xf32, #tpu.memory_space<hbm>>
      %dma_wait3A_1228 = arith.constant 0 : i32
      %dma_wait3A_1229 = arith.constant 0 : i32
      %dma_wait3A_1230 = tpu.memref_slice %arg7[%dma_wait3A_1220, %dma_wait3A_1228, %dma_wait3A_1229] : memref<8x32x128xf32, #tpu.memory_space<vmem>> -> memref<1x32x128xf32, #tpu.memory_space<vmem>>
      %dma_wait3A_1231 = tpu.memref_squeeze %dma_wait3A_1230 : memref<1x32x128xf32, #tpu.memory_space<vmem>> -> memref<32x128xf32, #tpu.memory_space<vmem>>
      %dma_wait3A_1232 = arith.constant 0 : i32
      %dma_wait3A_1233 = arith.constant 0 : i32
      %dma_wait3A_1234 = tpu.memref_slice %arg2[%dma_wait3A_1232, %dma_wait3A_1233] : memref<32x1000000xf32, #tpu.memory_space<hbm>> -> memref<32x128xf32, #tpu.memory_space<hbm>>
      tpu.wait_dma2 semaphore(%arg10 : memref<!tpu.dma_semaphore, #tpu.memory_space<semaphore_mem>>) src(%dma_wait3A_1234 : memref<32x128xf32, #tpu.memory_space<hbm>>) dst(%dma_wait3A_1231 : memref<32x128xf32, #tpu.memory_space<vmem>>)
      %dma_wait3A_1235 = arith.constant 2 : i32
      %dma_wait3A_1236 = arith.constant 0 : i32
      %dma_wait3A_1237 = arith.constant 0 : i32
      %dma_wait3A_1238 = tpu.memref_slice %arg7[%dma_wait3A_1235, %dma_wait3A_1236, %dma_wait3A_1237] : memref<8x32x128xf32, #tpu.memory_space<vmem>> -> memref<1x32x128xf32, #tpu.memory_space<vmem>>
      %dma_wait3A_1239 = tpu.memref_squeeze %dma_wait3A_1238 : memref<1x32x128xf32, #tpu.memory_space<vmem>> -> memref<32x128xf32, #tpu.memory_space<vmem>>
      %dma_wait3A_1240 = arith.constant 0 : i32
      %dma_wait3A_1241 = arith.constant 0 : i32
      %dma_wait3A_1242 = tpu.memref_slice %arg2[%dma_wait3A_1240, %dma_wait3A_1241] : memref<32x1000000xf32, #tpu.memory_space<hbm>> -> memref<32x128xf32, #tpu.memory_space<hbm>>
      %dma_wait3A_1243 = arith.constant 0 : i32
      %dma_wait3A_1244 = arith.constant 0 : i32
      %dma_wait3A_1245 = tpu.memref_slice %arg7[%dma_wait3A_1235, %dma_wait3A_1243, %dma_wait3A_1244] : memref<8x32x128xf32, #tpu.memory_space<vmem>> -> memref<1x32x128xf32, #tpu.memory_space<vmem>>
      %dma_wait3A_1246 = tpu.memref_squeeze %dma_wait3A_1245 : memref<1x32x128xf32, #tpu.memory_space<vmem>> -> memref<32x128xf32, #tpu.memory_space<vmem>>
      %dma_wait3A_1247 = arith.constant 0 : i32
      %dma_wait3A_1248 = arith.constant 0 : i32
      %dma_wait3A_1249 = tpu.memref_slice %arg2[%dma_wait3A_1247, %dma_wait3A_1248] : memref<32x1000000xf32, #tpu.memory_space<hbm>> -> memref<32x128xf32, #tpu.memory_space<hbm>>
      tpu.wait_dma2 semaphore(%arg10 : memref<!tpu.dma_semaphore, #tpu.memory_space<semaphore_mem>>) src(%dma_wait3A_1249 : memref<32x128xf32, #tpu.memory_space<hbm>>) dst(%dma_wait3A_1246 : memref<32x128xf32, #tpu.memory_space<vmem>>)
      %dma_wait3A_1250 = arith.constant 3 : i32
      %dma_wait3A_1251 = arith.constant 0 : i32
      %dma_wait3A_1252 = arith.constant 0 : i32
      %dma_wait3A_1253 = tpu.memref_slice %arg7[%dma_wait3A_1250, %dma_wait3A_1251, %dma_wait3A_1252] : memref<8x32x128xf32, #tpu.memory_space<vmem>> -> memref<1x32x128xf32, #tpu.memory_space<vmem>>
      %dma_wait3A_1254 = tpu.memref_squeeze %dma_wait3A_1253 : memref<1x32x128xf32, #tpu.memory_space<vmem>> -> memref<32x128xf32, #tpu.memory_space<vmem>>
      %dma_wait3A_1255 = arith.constant 0 : i32
      %dma_wait3A_1256 = arith.constant 0 : i32
      %dma_wait3A_1257 = tpu.memref_slice %arg2[%dma_wait3A_1255, %dma_wait3A_1256] : memref<32x1000000xf32, #tpu.memory_space<hbm>> -> memref<32x128xf32, #tpu.memory_space<hbm>>
      %dma_wait3A_1258 = arith.constant 0 : i32
      %dma_wait3A_1259 = arith.constant 0 : i32
      %dma_wait3A_1260 = tpu.memref_slice %arg7[%dma_wait3A_1250, %dma_wait3A_1258, %dma_wait3A_1259] : memref<8x32x128xf32, #tpu.memory_space<vmem>> -> memref<1x32x128xf32, #tpu.memory_space<vmem>>
      %dma_wait3A_1261 = tpu.memref_squeeze %dma_wait3A_1260 : memref<1x32x128xf32, #tpu.memory_space<vmem>> -> memref<32x128xf32, #tpu.memory_space<vmem>>
      %dma_wait3A_1262 = arith.constant 0 : i32
      %dma_wait3A_1263 = arith.constant 0 : i32
      %dma_wait3A_1264 = tpu.memref_slice %arg2[%dma_wait3A_1262, %dma_wait3A_1263] : memref<32x1000000xf32, #tpu.memory_space<hbm>> -> memref<32x128xf32, #tpu.memory_space<hbm>>
      tpu.wait_dma2 semaphore(%arg10 : memref<!tpu.dma_semaphore, #tpu.memory_space<semaphore_mem>>) src(%dma_wait3A_1264 : memref<32x128xf32, #tpu.memory_space<hbm>>) dst(%dma_wait3A_1261 : memref<32x128xf32, #tpu.memory_space<vmem>>)
      %dma_wait3A_1265 = arith.constant 4 : i32
      %dma_wait3A_1266 = arith.constant 0 : i32
      %dma_wait3A_1267 = arith.constant 0 : i32
      %dma_wait3A_1268 = tpu.memref_slice %arg7[%dma_wait3A_1265, %dma_wait3A_1266, %dma_wait3A_1267] : memref<8x32x128xf32, #tpu.memory_space<vmem>> -> memref<1x32x128xf32, #tpu.memory_space<vmem>>
      %dma_wait3A_1269 = tpu.memref_squeeze %dma_wait3A_1268 : memref<1x32x128xf32, #tpu.memory_space<vmem>> -> memref<32x128xf32, #tpu.memory_space<vmem>>
      %dma_wait3A_1270 = arith.constant 0 : i32
      %dma_wait3A_1271 = arith.constant 0 : i32
      %dma_wait3A_1272 = tpu.memref_slice %arg2[%dma_wait3A_1270, %dma_wait3A_1271] : memref<32x1000000xf32, #tpu.memory_space<hbm>> -> memref<32x128xf32, #tpu.memory_space<hbm>>
      %dma_wait3A_1273 = arith.constant 0 : i32
      %dma_wait3A_1274 = arith.constant 0 : i32
      %dma_wait3A_1275 = tpu.memref_slice %arg7[%dma_wait3A_1265, %dma_wait3A_1273, %dma_wait3A_1274] : memref<8x32x128xf32, #tpu.memory_space<vmem>> -> memref<1x32x128xf32, #tpu.memory_space<vmem>>
      %dma_wait3A_1276 = tpu.memref_squeeze %dma_wait3A_1275 : memref<1x32x128xf32, #tpu.memory_space<vmem>> -> memref<32x128xf32, #tpu.memory_space<vmem>>
      %dma_wait3A_1277 = arith.constant 0 : i32
      %dma_wait3A_1278 = arith.constant 0 : i32
      %dma_wait3A_1279 = tpu.memref_slice %arg2[%dma_wait3A_1277, %dma_wait3A_1278] : memref<32x1000000xf32, #tpu.memory_space<hbm>> -> memref<32x128xf32, #tpu.memory_space<hbm>>
      tpu.wait_dma2 semaphore(%arg10 : memref<!tpu.dma_semaphore, #tpu.memory_space<semaphore_mem>>) src(%dma_wait3A_1279 : memref<32x128xf32, #tpu.memory_space<hbm>>) dst(%dma_wait3A_1276 : memref<32x128xf32, #tpu.memory_space<vmem>>)
      %dma_wait3A_1280 = arith.constant 5 : i32
      %dma_wait3A_1281 = arith.constant 0 : i32
      %dma_wait3A_1282 = arith.constant 0 : i32
      %dma_wait3A_1283 = tpu.memref_slice %arg7[%dma_wait3A_1280, %dma_wait3A_1281, %dma_wait3A_1282] : memref<8x32x128xf32, #tpu.memory_space<vmem>> -> memref<1x32x128xf32, #tpu.memory_space<vmem>>
      %dma_wait3A_1284 = tpu.memref_squeeze %dma_wait3A_1283 : memref<1x32x128xf32, #tpu.memory_space<vmem>> -> memref<32x128xf32, #tpu.memory_space<vmem>>
      %dma_wait3A_1285 = arith.constant 0 : i32
      %dma_wait3A_1286 = arith.constant 0 : i32
      %dma_wait3A_1287 = tpu.memref_slice %arg2[%dma_wait3A_1285, %dma_wait3A_1286] : memref<32x1000000xf32, #tpu.memory_space<hbm>> -> memref<32x128xf32, #tpu.memory_space<hbm>>
      %dma_wait3A_1288 = arith.constant 0 : i32
      %dma_wait3A_1289 = arith.constant 0 : i32
      %dma_wait3A_1290 = tpu.memref_slice %arg7[%dma_wait3A_1280, %dma_wait3A_1288, %dma_wait3A_1289] : memref<8x32x128xf32, #tpu.memory_space<vmem>> -> memref<1x32x128xf32, #tpu.memory_space<vmem>>
      %dma_wait3A_1291 = tpu.memref_squeeze %dma_wait3A_1290 : memref<1x32x128xf32, #tpu.memory_space<vmem>> -> memref<32x128xf32, #tpu.memory_space<vmem>>
      %dma_wait3A_1292 = arith.constant 0 : i32
      %dma_wait3A_1293 = arith.constant 0 : i32
      %dma_wait3A_1294 = tpu.memref_slice %arg2[%dma_wait3A_1292, %dma_wait3A_1293] : memref<32x1000000xf32, #tpu.memory_space<hbm>> -> memref<32x128xf32, #tpu.memory_space<hbm>>
      tpu.wait_dma2 semaphore(%arg10 : memref<!tpu.dma_semaphore, #tpu.memory_space<semaphore_mem>>) src(%dma_wait3A_1294 : memref<32x128xf32, #tpu.memory_space<hbm>>) dst(%dma_wait3A_1291 : memref<32x128xf32, #tpu.memory_space<vmem>>)
      %dma_wait3A_1295 = arith.constant 6 : i32
      %dma_wait3A_1296 = arith.constant 0 : i32
      %dma_wait3A_1297 = arith.constant 0 : i32
      %dma_wait3A_1298 = tpu.memref_slice %arg7[%dma_wait3A_1295, %dma_wait3A_1296, %dma_wait3A_1297] : memref<8x32x128xf32, #tpu.memory_space<vmem>> -> memref<1x32x128xf32, #tpu.memory_space<vmem>>
      %dma_wait3A_1299 = tpu.memref_squeeze %dma_wait3A_1298 : memref<1x32x128xf32, #tpu.memory_space<vmem>> -> memref<32x128xf32, #tpu.memory_space<vmem>>
      %dma_wait3A_1300 = arith.constant 0 : i32
      %dma_wait3A_1301 = arith.constant 0 : i32
      %dma_wait3A_1302 = tpu.memref_slice %arg2[%dma_wait3A_1300, %dma_wait3A_1301] : memref<32x1000000xf32, #tpu.memory_space<hbm>> -> memref<32x128xf32, #tpu.memory_space<hbm>>
      %dma_wait3A_1303 = arith.constant 0 : i32
      %dma_wait3A_1304 = arith.constant 0 : i32
      %dma_wait3A_1305 = tpu.memref_slice %arg7[%dma_wait3A_1295, %dma_wait3A_1303, %dma_wait3A_1304] : memref<8x32x128xf32, #tpu.memory_space<vmem>> -> memref<1x32x128xf32, #tpu.memory_space<vmem>>
      %dma_wait3A_1306 = tpu.memref_squeeze %dma_wait3A_1305 : memref<1x32x128xf32, #tpu.memory_space<vmem>> -> memref<32x128xf32, #tpu.memory_space<vmem>>
      %dma_wait3A_1307 = arith.constant 0 : i32
      %dma_wait3A_1308 = arith.constant 0 : i32
      %dma_wait3A_1309 = tpu.memref_slice %arg2[%dma_wait3A_1307, %dma_wait3A_1308] : memref<32x1000000xf32, #tpu.memory_space<hbm>> -> memref<32x128xf32, #tpu.memory_space<hbm>>
      tpu.wait_dma2 semaphore(%arg10 : memref<!tpu.dma_semaphore, #tpu.memory_space<semaphore_mem>>) src(%dma_wait3A_1309 : memref<32x128xf32, #tpu.memory_space<hbm>>) dst(%dma_wait3A_1306 : memref<32x128xf32, #tpu.memory_space<vmem>>)
      %dma_wait3A_1310 = arith.constant 7 : i32
      %dma_wait3A_1311 = arith.constant 0 : i32
      %dma_wait3A_1312 = arith.constant 0 : i32
      %dma_wait3A_1313 = tpu.memref_slice %arg7[%dma_wait3A_1310, %dma_wait3A_1311, %dma_wait3A_1312] : memref<8x32x128xf32, #tpu.memory_space<vmem>> -> memref<1x32x128xf32, #tpu.memory_space<vmem>>
      %dma_wait3A_1314 = tpu.memref_squeeze %dma_wait3A_1313 : memref<1x32x128xf32, #tpu.memory_space<vmem>> -> memref<32x128xf32, #tpu.memory_space<vmem>>
      %dma_wait3A_1315 = arith.constant 0 : i32
      %dma_wait3A_1316 = arith.constant 0 : i32
      %dma_wait3A_1317 = tpu.memref_slice %arg2[%dma_wait3A_1315, %dma_wait3A_1316] : memref<32x1000000xf32, #tpu.memory_space<hbm>> -> memref<32x128xf32, #tpu.memory_space<hbm>>
      %dma_wait3A_1318 = arith.constant 0 : i32
      %dma_wait3A_1319 = arith.constant 0 : i32
      %dma_wait3A_1320 = tpu.memref_slice %arg7[%dma_wait3A_1310, %dma_wait3A_1318, %dma_wait3A_1319] : memref<8x32x128xf32, #tpu.memory_space<vmem>> -> memref<1x32x128xf32, #tpu.memory_space<vmem>>
      %dma_wait3A_1321 = tpu.memref_squeeze %dma_wait3A_1320 : memref<1x32x128xf32, #tpu.memory_space<vmem>> -> memref<32x128xf32, #tpu.memory_space<vmem>>
      %dma_wait3A_1322 = arith.constant 0 : i32
      %dma_wait3A_1323 = arith.constant 0 : i32
      %dma_wait3A_1324 = tpu.memref_slice %arg2[%dma_wait3A_1322, %dma_wait3A_1323] : memref<32x1000000xf32, #tpu.memory_space<hbm>> -> memref<32x128xf32, #tpu.memory_space<hbm>>
      tpu.wait_dma2 semaphore(%arg10 : memref<!tpu.dma_semaphore, #tpu.memory_space<semaphore_mem>>) src(%dma_wait3A_1324 : memref<32x128xf32, #tpu.memory_space<hbm>>) dst(%dma_wait3A_1321 : memref<32x128xf32, #tpu.memory_space<vmem>>)
      %and3A_1325 = arith.constant 127 : i32
      %and3A_1326 = vector.broadcast %and3A_1325 : i32 to vector<16xi32>
      %and3A_1327 = arith.andi %get3A_465, %and3A_1326 : vector<16xi32>
      %slice3A_1328 = vector.extract_strided_slice %and3A_1327 {offsets = [8], sizes = [1], strides = [1]} : vector<16xi32> to vector<1xi32>
      %squeeze3A_1329 = vector.extract %slice3A_1328[0] : i32 from vector<1xi32>
      %broadcast_in_dim3A_1330 = vector.broadcast %squeeze3A_1329 : i32 to vector<16xi32>
      %broadcast_in_dim3A_1331 = arith.constant 0 : i32
      %broadcast_in_dim3A_1332 = vector.broadcast %broadcast_in_dim3A_1331 : i32 to vector<16xi32>
      %mul3A_1333 = arith.constant 8 : i32
      %mul3A_1334 = arith.muli %add3A_1204, %mul3A_1333 : i32
      %add3A_1335 = arith.constant 0 : i32
      %add3A_1336 = arith.addi %mul3A_1334, %add3A_1335 : i32
      %broadcast_in_dim3A_1337 = vector.broadcast %add3A_1336 : i32 to vector<16xi32>
      %add3A_1338 = arith.constant 0 : i32
      %add3A_1339 = vector.broadcast %add3A_1338 : i32 to vector<16xi32>
      %add3A_1340 = arith.addi %iota3A, %add3A_1339 : vector<16xi32>
      %gather3A_1341 = tpu.vector_load_idx %arg7[%broadcast_in_dim3A_1332, %add3A_1340, %broadcast_in_dim3A_1330] : memref<8x32x128xf32, #tpu.memory_space<vmem>>[vector<16xi32>, vector<16xi32>, vector<16xi32>], vector<16xf32>,
      tpu.vector_store_idx %arg8[%add3A_1340, %broadcast_in_dim3A_1337], %gather3A_1341 : memref<32x512xf32, #tpu.memory_space<vmem>>[vector<16xi32>, vector<16xi32>], vector<16xf32>,
      %add3A_1342 = arith.constant 16 : i32
      %add3A_1343 = vector.broadcast %add3A_1342 : i32 to vector<16xi32>
      %add3A_1344 = arith.addi %iota3A, %add3A_1343 : vector<16xi32>
      %gather3A_1345 = tpu.vector_load_idx %arg7[%broadcast_in_dim3A_1332, %add3A_1344, %broadcast_in_dim3A_1330] : memref<8x32x128xf32, #tpu.memory_space<vmem>>[vector<16xi32>, vector<16xi32>, vector<16xi32>], vector<16xf32>,
      tpu.vector_store_idx %arg8[%add3A_1344, %broadcast_in_dim3A_1337], %gather3A_1345 : memref<32x512xf32, #tpu.memory_space<vmem>>[vector<16xi32>, vector<16xi32>], vector<16xf32>,
      %slice3A_1346 = vector.extract_strided_slice %and3A_1327 {offsets = [9], sizes = [1], strides = [1]} : vector<16xi32> to vector<1xi32>
      %squeeze3A_1347 = vector.extract %slice3A_1346[0] : i32 from vector<1xi32>
      %broadcast_in_dim3A_1348 = vector.broadcast %squeeze3A_1347 : i32 to vector<16xi32>
      %broadcast_in_dim3A_1349 = arith.constant 1 : i32
      %broadcast_in_dim3A_1350 = vector.broadcast %broadcast_in_dim3A_1349 : i32 to vector<16xi32>
      %mul3A_1351 = arith.constant 8 : i32
      %mul3A_1352 = arith.muli %add3A_1204, %mul3A_1351 : i32
      %add3A_1353 = arith.constant 1 : i32
      %add3A_1354 = arith.addi %mul3A_1352, %add3A_1353 : i32
      %broadcast_in_dim3A_1355 = vector.broadcast %add3A_1354 : i32 to vector<16xi32>
      %add3A_1356 = arith.constant 0 : i32
      %add3A_1357 = vector.broadcast %add3A_1356 : i32 to vector<16xi32>
      %add3A_1358 = arith.addi %iota3A, %add3A_1357 : vector<16xi32>
      %gather3A_1359 = tpu.vector_load_idx %arg7[%broadcast_in_dim3A_1350, %add3A_1358, %broadcast_in_dim3A_1348] : memref<8x32x128xf32, #tpu.memory_space<vmem>>[vector<16xi32>, vector<16xi32>, vector<16xi32>], vector<16xf32>,
      tpu.vector_store_idx %arg8[%add3A_1358, %broadcast_in_dim3A_1355], %gather3A_1359 : memref<32x512xf32, #tpu.memory_space<vmem>>[vector<16xi32>, vector<16xi32>], vector<16xf32>,
      %add3A_1360 = arith.constant 16 : i32
      %add3A_1361 = vector.broadcast %add3A_1360 : i32 to vector<16xi32>
      %add3A_1362 = arith.addi %iota3A, %add3A_1361 : vector<16xi32>
      %gather3A_1363 = tpu.vector_load_idx %arg7[%broadcast_in_dim3A_1350, %add3A_1362, %broadcast_in_dim3A_1348] : memref<8x32x128xf32, #tpu.memory_space<vmem>>[vector<16xi32>, vector<16xi32>, vector<16xi32>], vector<16xf32>,
      tpu.vector_store_idx %arg8[%add3A_1362, %broadcast_in_dim3A_1355], %gather3A_1363 : memref<32x512xf32, #tpu.memory_space<vmem>>[vector<16xi32>, vector<16xi32>], vector<16xf32>,
      %slice3A_1364 = vector.extract_strided_slice %and3A_1327 {offsets = [10], sizes = [1], strides = [1]} : vector<16xi32> to vector<1xi32>
      %squeeze3A_1365 = vector.extract %slice3A_1364[0] : i32 from vector<1xi32>
      %broadcast_in_dim3A_1366 = vector.broadcast %squeeze3A_1365 : i32 to vector<16xi32>
      %broadcast_in_dim3A_1367 = arith.constant 2 : i32
      %broadcast_in_dim3A_1368 = vector.broadcast %broadcast_in_dim3A_1367 : i32 to vector<16xi32>
      %mul3A_1369 = arith.constant 8 : i32
      %mul3A_1370 = arith.muli %add3A_1204, %mul3A_1369 : i32
      %add3A_1371 = arith.constant 2 : i32
      %add3A_1372 = arith.addi %mul3A_1370, %add3A_1371 : i32
      %broadcast_in_dim3A_1373 = vector.broadcast %add3A_1372 : i32 to vector<16xi32>
      %add3A_1374 = arith.constant 0 : i32
      %add3A_1375 = vector.broadcast %add3A_1374 : i32 to vector<16xi32>
      %add3A_1376 = arith.addi %iota3A, %add3A_1375 : vector<16xi32>
      %gather3A_1377 = tpu.vector_load_idx %arg7[%broadcast_in_dim3A_1368, %add3A_1376, %broadcast_in_dim3A_1366] : memref<8x32x128xf32, #tpu.memory_space<vmem>>[vector<16xi32>, vector<16xi32>, vector<16xi32>], vector<16xf32>,
      tpu.vector_store_idx %arg8[%add3A_1376, %broadcast_in_dim3A_1373], %gather3A_1377 : memref<32x512xf32, #tpu.memory_space<vmem>>[vector<16xi32>, vector<16xi32>], vector<16xf32>,
      %add3A_1378 = arith.constant 16 : i32
      %add3A_1379 = vector.broadcast %add3A_1378 : i32 to vector<16xi32>
      %add3A_1380 = arith.addi %iota3A, %add3A_1379 : vector<16xi32>
      %gather3A_1381 = tpu.vector_load_idx %arg7[%broadcast_in_dim3A_1368, %add3A_1380, %broadcast_in_dim3A_1366] : memref<8x32x128xf32, #tpu.memory_space<vmem>>[vector<16xi32>, vector<16xi32>, vector<16xi32>], vector<16xf32>,
      tpu.vector_store_idx %arg8[%add3A_1380, %broadcast_in_dim3A_1373], %gather3A_1381 : memref<32x512xf32, #tpu.memory_space<vmem>>[vector<16xi32>, vector<16xi32>], vector<16xf32>,
      %slice3A_1382 = vector.extract_strided_slice %and3A_1327 {offsets = [11], sizes = [1], strides = [1]} : vector<16xi32> to vector<1xi32>
      %squeeze3A_1383 = vector.extract %slice3A_1382[0] : i32 from vector<1xi32>
      %broadcast_in_dim3A_1384 = vector.broadcast %squeeze3A_1383 : i32 to vector<16xi32>
      %broadcast_in_dim3A_1385 = arith.constant 3 : i32
      %broadcast_in_dim3A_1386 = vector.broadcast %broadcast_in_dim3A_1385 : i32 to vector<16xi32>
      %mul3A_1387 = arith.constant 8 : i32
      %mul3A_1388 = arith.muli %add3A_1204, %mul3A_1387 : i32
      %add3A_1389 = arith.constant 3 : i32
      %add3A_1390 = arith.addi %mul3A_1388, %add3A_1389 : i32
      %broadcast_in_dim3A_1391 = vector.broadcast %add3A_1390 : i32 to vector<16xi32>
      %add3A_1392 = arith.constant 0 : i32
      %add3A_1393 = vector.broadcast %add3A_1392 : i32 to vector<16xi32>
      %add3A_1394 = arith.addi %iota3A, %add3A_1393 : vector<16xi32>
      %gather3A_1395 = tpu.vector_load_idx %arg7[%broadcast_in_dim3A_1386, %add3A_1394, %broadcast_in_dim3A_1384] : memref<8x32x128xf32, #tpu.memory_space<vmem>>[vector<16xi32>, vector<16xi32>, vector<16xi32>], vector<16xf32>,
      tpu.vector_store_idx %arg8[%add3A_1394, %broadcast_in_dim3A_1391], %gather3A_1395 : memref<32x512xf32, #tpu.memory_space<vmem>>[vector<16xi32>, vector<16xi32>], vector<16xf32>,
      %add3A_1396 = arith.constant 16 : i32
      %add3A_1397 = vector.broadcast %add3A_1396 : i32 to vector<16xi32>
      %add3A_1398 = arith.addi %iota3A, %add3A_1397 : vector<16xi32>
      %gather3A_1399 = tpu.vector_load_idx %arg7[%broadcast_in_dim3A_1386, %add3A_1398, %broadcast_in_dim3A_1384] : memref<8x32x128xf32, #tpu.memory_space<vmem>>[vector<16xi32>, vector<16xi32>, vector<16xi32>], vector<16xf32>,
      tpu.vector_store_idx %arg8[%add3A_1398, %broadcast_in_dim3A_1391], %gather3A_1399 : memref<32x512xf32, #tpu.memory_space<vmem>>[vector<16xi32>, vector<16xi32>], vector<16xf32>,
      %slice3A_1400 = vector.extract_strided_slice %and3A_1327 {offsets = [12], sizes = [1], strides = [1]} : vector<16xi32> to vector<1xi32>
      %squeeze3A_1401 = vector.extract %slice3A_1400[0] : i32 from vector<1xi32>
      %broadcast_in_dim3A_1402 = vector.broadcast %squeeze3A_1401 : i32 to vector<16xi32>
      %broadcast_in_dim3A_1403 = arith.constant 4 : i32
      %broadcast_in_dim3A_1404 = vector.broadcast %broadcast_in_dim3A_1403 : i32 to vector<16xi32>
      %mul3A_1405 = arith.constant 8 : i32
      %mul3A_1406 = arith.muli %add3A_1204, %mul3A_1405 : i32
      %add3A_1407 = arith.constant 4 : i32
      %add3A_1408 = arith.addi %mul3A_1406, %add3A_1407 : i32
      %broadcast_in_dim3A_1409 = vector.broadcast %add3A_1408 : i32 to vector<16xi32>
      %add3A_1410 = arith.constant 0 : i32
      %add3A_1411 = vector.broadcast %add3A_1410 : i32 to vector<16xi32>
      %add3A_1412 = arith.addi %iota3A, %add3A_1411 : vector<16xi32>
      %gather3A_1413 = tpu.vector_load_idx %arg7[%broadcast_in_dim3A_1404, %add3A_1412, %broadcast_in_dim3A_1402] : memref<8x32x128xf32, #tpu.memory_space<vmem>>[vector<16xi32>, vector<16xi32>, vector<16xi32>], vector<16xf32>,
      tpu.vector_store_idx %arg8[%add3A_1412, %broadcast_in_dim3A_1409], %gather3A_1413 : memref<32x512xf32, #tpu.memory_space<vmem>>[vector<16xi32>, vector<16xi32>], vector<16xf32>,
      %add3A_1414 = arith.constant 16 : i32
      %add3A_1415 = vector.broadcast %add3A_1414 : i32 to vector<16xi32>
      %add3A_1416 = arith.addi %iota3A, %add3A_1415 : vector<16xi32>
      %gather3A_1417 = tpu.vector_load_idx %arg7[%broadcast_in_dim3A_1404, %add3A_1416, %broadcast_in_dim3A_1402] : memref<8x32x128xf32, #tpu.memory_space<vmem>>[vector<16xi32>, vector<16xi32>, vector<16xi32>], vector<16xf32>,
      tpu.vector_store_idx %arg8[%add3A_1416, %broadcast_in_dim3A_1409], %gather3A_1417 : memref<32x512xf32, #tpu.memory_space<vmem>>[vector<16xi32>, vector<16xi32>], vector<16xf32>,
      %slice3A_1418 = vector.extract_strided_slice %and3A_1327 {offsets = [13], sizes = [1], strides = [1]} : vector<16xi32> to vector<1xi32>
      %squeeze3A_1419 = vector.extract %slice3A_1418[0] : i32 from vector<1xi32>
      %broadcast_in_dim3A_1420 = vector.broadcast %squeeze3A_1419 : i32 to vector<16xi32>
      %broadcast_in_dim3A_1421 = arith.constant 5 : i32
      %broadcast_in_dim3A_1422 = vector.broadcast %broadcast_in_dim3A_1421 : i32 to vector<16xi32>
      %mul3A_1423 = arith.constant 8 : i32
      %mul3A_1424 = arith.muli %add3A_1204, %mul3A_1423 : i32
      %add3A_1425 = arith.constant 5 : i32
      %add3A_1426 = arith.addi %mul3A_1424, %add3A_1425 : i32
      %broadcast_in_dim3A_1427 = vector.broadcast %add3A_1426 : i32 to vector<16xi32>
      %add3A_1428 = arith.constant 0 : i32
      %add3A_1429 = vector.broadcast %add3A_1428 : i32 to vector<16xi32>
      %add3A_1430 = arith.addi %iota3A, %add3A_1429 : vector<16xi32>
      %gather3A_1431 = tpu.vector_load_idx %arg7[%broadcast_in_dim3A_1422, %add3A_1430, %broadcast_in_dim3A_1420] : memref<8x32x128xf32, #tpu.memory_space<vmem>>[vector<16xi32>, vector<16xi32>, vector<16xi32>], vector<16xf32>,
      tpu.vector_store_idx %arg8[%add3A_1430, %broadcast_in_dim3A_1427], %gather3A_1431 : memref<32x512xf32, #tpu.memory_space<vmem>>[vector<16xi32>, vector<16xi32>], vector<16xf32>,
      %add3A_1432 = arith.constant 16 : i32
      %add3A_1433 = vector.broadcast %add3A_1432 : i32 to vector<16xi32>
      %add3A_1434 = arith.addi %iota3A, %add3A_1433 : vector<16xi32>
      %gather3A_1435 = tpu.vector_load_idx %arg7[%broadcast_in_dim3A_1422, %add3A_1434, %broadcast_in_dim3A_1420] : memref<8x32x128xf32, #tpu.memory_space<vmem>>[vector<16xi32>, vector<16xi32>, vector<16xi32>], vector<16xf32>,
      tpu.vector_store_idx %arg8[%add3A_1434, %broadcast_in_dim3A_1427], %gather3A_1435 : memref<32x512xf32, #tpu.memory_space<vmem>>[vector<16xi32>, vector<16xi32>], vector<16xf32>,
      %slice3A_1436 = vector.extract_strided_slice %and3A_1327 {offsets = [14], sizes = [1], strides = [1]} : vector<16xi32> to vector<1xi32>
      %squeeze3A_1437 = vector.extract %slice3A_1436[0] : i32 from vector<1xi32>
      %broadcast_in_dim3A_1438 = vector.broadcast %squeeze3A_1437 : i32 to vector<16xi32>
      %broadcast_in_dim3A_1439 = arith.constant 6 : i32
      %broadcast_in_dim3A_1440 = vector.broadcast %broadcast_in_dim3A_1439 : i32 to vector<16xi32>
      %mul3A_1441 = arith.constant 8 : i32
      %mul3A_1442 = arith.muli %add3A_1204, %mul3A_1441 : i32
      %add3A_1443 = arith.constant 6 : i32
      %add3A_1444 = arith.addi %mul3A_1442, %add3A_1443 : i32
      %broadcast_in_dim3A_1445 = vector.broadcast %add3A_1444 : i32 to vector<16xi32>
      %add3A_1446 = arith.constant 0 : i32
      %add3A_1447 = vector.broadcast %add3A_1446 : i32 to vector<16xi32>
      %add3A_1448 = arith.addi %iota3A, %add3A_1447 : vector<16xi32>
      %gather3A_1449 = tpu.vector_load_idx %arg7[%broadcast_in_dim3A_1440, %add3A_1448, %broadcast_in_dim3A_1438] : memref<8x32x128xf32, #tpu.memory_space<vmem>>[vector<16xi32>, vector<16xi32>, vector<16xi32>], vector<16xf32>,
      tpu.vector_store_idx %arg8[%add3A_1448, %broadcast_in_dim3A_1445], %gather3A_1449 : memref<32x512xf32, #tpu.memory_space<vmem>>[vector<16xi32>, vector<16xi32>], vector<16xf32>,
      %add3A_1450 = arith.constant 16 : i32
      %add3A_1451 = vector.broadcast %add3A_1450 : i32 to vector<16xi32>
      %add3A_1452 = arith.addi %iota3A, %add3A_1451 : vector<16xi32>
      %gather3A_1453 = tpu.vector_load_idx %arg7[%broadcast_in_dim3A_1440, %add3A_1452, %broadcast_in_dim3A_1438] : memref<8x32x128xf32, #tpu.memory_space<vmem>>[vector<16xi32>, vector<16xi32>, vector<16xi32>], vector<16xf32>,
      tpu.vector_store_idx %arg8[%add3A_1452, %broadcast_in_dim3A_1445], %gather3A_1453 : memref<32x512xf32, #tpu.memory_space<vmem>>[vector<16xi32>, vector<16xi32>], vector<16xf32>,
      %slice3A_1454 = vector.extract_strided_slice %and3A_1327 {offsets = [15], sizes = [1], strides = [1]} : vector<16xi32> to vector<1xi32>
      %squeeze3A_1455 = vector.extract %slice3A_1454[0] : i32 from vector<1xi32>
      %broadcast_in_dim3A_1456 = vector.broadcast %squeeze3A_1455 : i32 to vector<16xi32>
      %broadcast_in_dim3A_1457 = arith.constant 7 : i32
      %broadcast_in_dim3A_1458 = vector.broadcast %broadcast_in_dim3A_1457 : i32 to vector<16xi32>
      %mul3A_1459 = arith.constant 8 : i32
      %mul3A_1460 = arith.muli %add3A_1204, %mul3A_1459 : i32
      %add3A_1461 = arith.constant 7 : i32
      %add3A_1462 = arith.addi %mul3A_1460, %add3A_1461 : i32
      %broadcast_in_dim3A_1463 = vector.broadcast %add3A_1462 : i32 to vector<16xi32>
      %add3A_1464 = arith.constant 0 : i32
      %add3A_1465 = vector.broadcast %add3A_1464 : i32 to vector<16xi32>
      %add3A_1466 = arith.addi %iota3A, %add3A_1465 : vector<16xi32>
      %gather3A_1467 = tpu.vector_load_idx %arg7[%broadcast_in_dim3A_1458, %add3A_1466, %broadcast_in_dim3A_1456] : memref<8x32x128xf32, #tpu.memory_space<vmem>>[vector<16xi32>, vector<16xi32>, vector<16xi32>], vector<16xf32>,
      tpu.vector_store_idx %arg8[%add3A_1466, %broadcast_in_dim3A_1463], %gather3A_1467 : memref<32x512xf32, #tpu.memory_space<vmem>>[vector<16xi32>, vector<16xi32>], vector<16xf32>,
      %add3A_1468 = arith.constant 16 : i32
      %add3A_1469 = vector.broadcast %add3A_1468 : i32 to vector<16xi32>
      %add3A_1470 = arith.addi %iota3A, %add3A_1469 : vector<16xi32>
      %gather3A_1471 = tpu.vector_load_idx %arg7[%broadcast_in_dim3A_1458, %add3A_1470, %broadcast_in_dim3A_1456] : memref<8x32x128xf32, #tpu.memory_space<vmem>>[vector<16xi32>, vector<16xi32>, vector<16xi32>], vector<16xf32>,
      tpu.vector_store_idx %arg8[%add3A_1470, %broadcast_in_dim3A_1463], %gather3A_1471 : memref<32x512xf32, #tpu.memory_space<vmem>>[vector<16xi32>, vector<16xi32>], vector<16xf32>,
    }
    %scan3A_458 = arith.constant 32 : i32
    "tpu.region"() ({
      %run_scoped3A = tpu.sem_alloc : memref<!tpu.dma_semaphore, #tpu.memory_space<semaphore_mem>>
      %dma_start3A_459 = arith.constant 0 : i32
      %dma_start3A_460 = tpu.memref_slice %arg4[%dma_start3A_459, %mul3A_2] : memref<32x16384xf32, #tpu.memory_space<hbm>> -> memref<32x512xf32, #tpu.memory_space<hbm>>
      %dma_start3A_461 = arith.constant 0 : i32
      %dma_start3A_462 = tpu.memref_slice %arg4[%dma_start3A_461, %mul3A_2] : memref<32x16384xf32, #tpu.memory_space<hbm>> -> memref<32x512xf32, #tpu.memory_space<hbm>>
      tpu.enqueue_dma source(%arg8 : memref<32x512xf32, #tpu.memory_space<vmem>>) target(%dma_start3A_462 : memref<32x512xf32, #tpu.memory_space<hbm>>) target_semaphore(%run_scoped3A : memref<!tpu.dma_semaphore, #tpu.memory_space<semaphore_mem>>)
      %dma_wait3A = arith.constant 0 : i32
      %dma_wait3A_463 = tpu.memref_slice %arg4[%dma_wait3A, %mul3A_2] : memref<32x16384xf32, #tpu.memory_space<hbm>> -> memref<32x512xf32, #tpu.memory_space<hbm>>
      %dma_wait3A_464 = arith.constant 0 : i32
      %dma_wait3A_465 = tpu.memref_slice %arg4[%dma_wait3A_464, %mul3A_2] : memref<32x16384xf32, #tpu.memory_space<hbm>> -> memref<32x512xf32, #tpu.memory_space<hbm>>
      tpu.wait_dma2 semaphore(%run_scoped3A : memref<!tpu.dma_semaphore, #tpu.memory_space<semaphore_mem>>) src(%arg8 : memref<32x512xf32, #tpu.memory_space<vmem>>) dst(%dma_wait3A_465 : memref<32x512xf32, #tpu.memory_space<hbm>>)
      tpu.yield
    }) : () -> ()
    return
  }
}

</mosaic_0001>

<sc_bundles>
// kernel: kernel.3.cloned.1.call-start
scs
__scs_entry_jumppad:
0x0: {  	(pc) =	sbr.rel $0x88, $3  }
0x1: {  	(tag) =	ssettag $0x0;
	lr =	simm.s32 $0x1  }
0x2: {  	[smem:$0x3F9F] =	sst lr;
	_ =	strace $0xD0000000  }
0x3: {  	_ = 	snop  }
0x4: {  	_ = 	snop  }
0x5: {  	_ = 	snop  }
0x6: {  	_ = 	snop  }
0x7: {  	_ = 	snop  }
__scs_overlays_trampoline_lowered:
0x8: {  	[smem:$0x3FAE] =	sst s0  }
0x9: {  	[smem:$0x3FAF] =	sst s1  }
0xa: {  	[smem:$0x3FB0] =	sst s2  }
0xb: {  	[smem:$0x3FB1] =	sst s3  }
0xc: {  	[smem:$0x3FB2] =	sst s4  }
0xd: {  	[smem:$0x3FB3] =	sst s5  }
0xe: {  	[smem:$0x3FB4] =	sst s6  }
0xf: {  	[smem:$0x3FB5] =	sst s7  }
0x10: {  	[smem:$0x3FB6] =	sst s8  }
0x11: {  	[smem:$0x3FB7] =	sst s9;
	s0 =	simm.s32 @!p0 $0x0  }
0x12: {  	s1 =	sld [smem:$0x3F9D];
	s0 =	simm.s32 @p0 $0x1  }
0x13: {  	[smem:$0x3FB8] =	sst s0;
	s0 =	simm.s32 @!p1 $0x0  }
0x14: {  	s2 =	sld [smem:$0x3F9C];
	s0 =	simm.s32 @p1 $0x1  }
0x15: {  	[smem:$0x3FB9] =	sst s0;
	s0 =	simm.s32 @!p2 $0x0  }
0x16: {  	s3 =	sld [smem:$0x3FDB];
	s0 =	simm.s32 @p2 $0x1  }
0x17: {  	s4 =	simm.s32 $0x1BF5;
	[smem:$0x3FBB] =	sst s0  }
0x18: {  	s0 =	sld [smem:$0x3F9E];
	_ =	swait.ge [sflag:s4], $0x0  }
0x19: {  	s7 =	sld [smem:$0x3F9F]  }
0x1a: {  	s8 =	sadd.s32 $0xFFFFE003, lr  }
0x1b: {  	s9 =	sadd.s32 $0xFFFFFEF7, lr;
	s5 =	simm.s32 $0xFFFFFFFF;
	p2 =	slt.u32 s8, $0xFFFFF086  }
0x1c: {  	p1 =	slt.u32 s9, $0xF7A;
	s5 =	simm.s32 @!p2 $0x0  }
0x1d: {  	s5 =	simm.s32 @p1 $0x1;
	p0 =	seq.s32 s7, s2  }
0x1e: {  	s7 =	smul.u32 @!p0 $0xF7A, s2;
	p2 =	seq.s32 @!p0 s5, $0x0  }
0x1f: {  	s9 =	smul.u32 $0xF7A, s1;
	s8 =	simm.s32 @!p0 $0x1BF5;
	p2 =	por !p2, p0  }
0x20: {  	[sflag:s8] =	ssyncset.s32 @!p0 $0xFFFFF086;
	s6 =	sadd.s32 @!p0 s3, s7;
	s7 =	simm.s32 @!p0 $0x108  }
0x21: {  	s3 =	sadd.s32 s3, s9;
	s6 =	sadd.s32 @!p0 $0x88, s6;
	s7 =	simm.s32 @p2 $0x1082  }
0x22: {  	[simem:s7], [sflag:s8] =	dma.local @!p0 [hbm:s6], $0xF7A  }
0x23: {  	s9 =	sor.u32 $0xD0000000, s2;
	s6 =	simm.s32 $0x108;
	_ =	swait.ge @!p0 [sflag:s8], $0x0  }
0x24: {  	s3 =	sadd.s32 $0x88, s3;
	s6 =	simm.s32 @!p1 $0x1082;
	[sflag:s4] =	ssyncset.s32 $0xFFFFF086  }
0x25: {  	[simem:s6], [sflag:s4] =	dma.local [hbm:s3], $0xF7A  }
0x26: {  	[smem:$0x3F9F] =	sst s1;
	(tag) =	ssettag s2;
	_ =	strace s9  }
0x27: {  	s1 =	sld [smem:$0x3FAF]  }
0x28: {  	s2 =	sld [smem:$0x3FB0]  }
0x29: {  	s4 =	sld [smem:$0x3FB2]  }
0x2a: {  	p0 =	seq.s32 s5, $0x0;
	s5 =	sld [smem:$0x3FB3]  }
0x2b: {  	s6 =	sld [smem:$0x3FB4]  }
0x2c: {  	s7 =	sld [smem:$0x3FB5]  }
0x2d: {  	s3 =	simm.s32 $0x108;
	s8 =	sld [smem:$0x3FB6]  }
0x2e: {  	s3 =	simm.s32 @!p0 $0x1082;
	s9 =	sld [smem:$0x3FB7]  }
0x2f: {  	lr =	sadd.s32 s0, s3;
	s0 =	sld [smem:$0x3FAE]  }
0x30: {  	s3 =	sld [smem:$0x3FB1]  }
0x31: {  	[smem:$0x3FBA] =	sst s10  }
0x32: {  	s10 =	sld [smem:$0x3FB8];
	_ =	sdelay $0x3  }
0x33: {  	p0 =	seq.s32 s10, $0x1;
	s10 =	sld [smem:$0x3FBA];
	_ =	sdelay $0x3  }
0x34: {  	[smem:$0x3FBA] =	sst s10  }
0x35: {  	s10 =	sld [smem:$0x3FB9];
	_ =	sdelay $0x3  }
0x36: {  	p1 =	seq.s32 s10, $0x1;
	s10 =	sld [smem:$0x3FBA];
	_ =	sdelay $0x3  }
0x37: {  	[smem:$0x3FBA] =	sst s10  }
0x38: {  	s10 =	sld [smem:$0x3FBB]  }
0x39: {  	_ = 	snop;
	(pc) =	sbr.ind lr, $3  }
0x3a: {  	_ = 	snop  }
0x3b: {  	_ = 	snop  }
0x3c: {  	p2 =	seq.s32 s10, $0x1;
	s10 =	sld [smem:$0x3FBA]  }
0x3d: {  	_ =	shalt  }
0x3e: {  	_ =	shalt  }
0x3f: {  	_ =	shalt  }
0x40: {  	_ =	shalt  }
0x41: {  	_ =	shalt  }
0x42: {  	_ =	shalt  }
0x43: {  	_ =	shalt  }
0x44: {  	_ =	shalt  }
0x45: {  	_ =	shalt  }
0x46: {  	_ =	shalt  }
0x47: {  	_ =	shalt  }
0x48: {  	_ =	shalt  }
0x49: {  	_ =	shalt  }
0x4a: {  	_ =	shalt  }
0x4b: {  	_ =	shalt  }
0x4c: {  	_ =	shalt  }
0x4d: {  	_ =	shalt  }
0x4e: {  	_ =	shalt  }
0x4f: {  	_ =	shalt  }
0x50: {  	_ =	shalt  }
0x51: {  	_ =	shalt  }
0x52: {  	_ =	shalt  }
0x53: {  	_ =	shalt  }
0x54: {  	_ =	shalt  }
0x55: {  	_ =	shalt  }
0x56: {  	_ =	shalt  }
0x57: {  	_ =	shalt  }
0x58: {  	_ =	shalt  }
0x59: {  	_ =	shalt  }
0x5a: {  	_ =	shalt  }
0x5b: {  	_ =	shalt  }
0x5c: {  	_ =	shalt  }
0x5d: {  	_ =	shalt  }
0x5e: {  	_ =	shalt  }
0x5f: {  	_ =	shalt  }
0x60: {  	_ =	shalt  }
0x61: {  	_ =	shalt  }
0x62: {  	_ =	shalt  }
0x63: {  	_ =	shalt  }
0x64: {  	_ =	shalt  }
0x65: {  	_ =	shalt  }
0x66: {  	_ =	shalt  }
0x67: {  	_ =	shalt  }
0x68: {  	_ =	shalt  }
0x69: {  	_ =	shalt  }
0x6a: {  	_ =	shalt  }
0x6b: {  	_ =	shalt  }
0x6c: {  	_ =	shalt  }
0x6d: {  	_ =	shalt  }
0x6e: {  	_ =	shalt  }
0x6f: {  	_ =	shalt  }
0x70: {  	_ =	shalt  }
0x71: {  	_ =	shalt  }
0x72: {  	_ =	shalt  }
0x73: {  	_ =	shalt  }
0x74: {  	_ =	shalt  }
0x75: {  	_ =	shalt  }
0x76: {  	_ =	shalt  }
0x77: {  	_ =	shalt  }
0x78: {  	_ =	shalt  }
0x79: {  	_ =	shalt  }
0x7a: {  	_ =	shalt  }
0x7b: {  	_ =	shalt  }
0x7c: {  	_ =	shalt  }
0x7d: {  	_ =	shalt  }
0x7e: {  	_ =	shalt  }
0x7f: {  	_ =	shalt  }
0x80: {  	_ =	shalt  }
0x81: {  	_ =	shalt  }
0x82: {  	_ =	shalt  }
0x83: {  	_ =	shalt  }
0x84: {  	_ =	shalt  }
0x85: {  	_ =	shalt  }
0x86: {  	_ =	shalt  }
0x87: {  	_ =	shalt  }
.Lfunc_end0:
.L_simem_size_0:
called_computation_lowered:
.L_overlay_start_0:
0x88: {  	s2 =	sld [smem:$0x3FD9]  }
0x89: {  	s3 =	sld [smem:$0x3FFE];
	_ =	sdelay $0x1  }
0x8a: {  	s1 =	srdreg.scid  }
0x8b: {  	s0 =	sand.u32 $0x1, s1  }
0x8c: {  	s18 =	sshll.u32 s0, $0xA;
	s2 =	sadd.s32 s3, s2  }
0x8d: {  	s2 =	sadd.s32 s2, s18  }
0x8e: {  	[smem:$0x3FC6] =	sst s2  }
0x8f: {  	_ = 	snop  }
0x90: {  	s2 =	sld [smem:$0x3FC9]  }
0x91: {  	s19 =	sld [smem:$0x3FC8]  }
0x92: {  	s4 =	sld [smem:$0x3FD0];
	(tm) =	ssettm $0x1  }
0x93: {  	s5 =	sld [smem:$0x3FFB];
	_ =	sdelay $0x3  }
0x94: {  	_ =	strace s5  }
0x95: {  	s5 =	sld [smem:$0x3FFC];
	_ =	sdelay $0x3  }
0x96: {  	_ =	strace s5  }
0x97: {  	s5 =	sld [smem:$0x3FFD];
	_ =	sdelay $0x3  }
0x98: {  	_ =	strace s5  }
0x99: {  	_ =	strace $0x8FFFFFFF  }
0x9a: {  	s20 =	sld [smem:$0x3FDB];
	_ =	sdelay $0x1  }
0x9b: {  	s6 =	simm.s32 $_scs_section_size  }
0x9c: {  	s7 =	simm.s32 $_size__tile_overlayer_lowered;
	s8 =	simm.s32 $_tile_overlayer_lowered  }
0x9d: {  	s23 =	simm.s32 $0x1BFF;
	s22 =	sshll.u32 s8, $0x1;
	s5 =	sadd.s32 s6, s20  }
0x9e: {  	s9 =	simm.s32 $0x0;
	s21 =	sshll.u32 s7, $0x1;
	s7 =	sadd.s32 s22, s5  }
0x9f: {  	[timem:s9], [sflag:s23] =	dma.local [hbm:s7], s21  }
0xa0: {  	_ =	swait.ge [sflag:s23], s21  }
0xa1: {  	s6 =	ssub.s32 $0x0, s21;
	[sflag:s23] =	ssyncset.done $0x0  }
0xa2: {  	[sflag:s23] =	ssyncadd.s32 s6;
	_ =	sdelay $0x1  }
0xa3: {  	s24 =	simm.s32 $0x1B8B  }
0xa4: {  	_ =	swait.ge [sflag:s24], $0x1  }
0xa5: {  	[sflag:s24] =	ssyncset.done $0x0  }
0xa6: {  	s25 =	simm.s32 $0x1B8E;
	[sflag:s24] =	ssyncadd.s32 $0xFFFFFFFF  }
0xa7: {  	s26 =	simm.s32 $execute0_lowered;
	[smem:$0x3FD2] =	sst s25  }
0xa8: {  	s6 =	sshll.u32 s26, $0x1;
	_ =	strace $0x80000046;
	[dreg:$0x1] =	wrdreg $0xFFFFFFFF  }
0xa9: {  	s28 =	simm.s32 $_size_execute0_lowered;
	s5 =	sadd.s32 s5, s6;
	[dreg:$0x0] =	wrdreg $0x0  }
0xaa: {  	s6 =	sshll.u32 s28, $0x1;
	[dreg:$0x2] =	wrdreg s5  }
0xab: {  	[dreg:$0x3] =	wrdreg s6  }
0xac: {  	[dreg:$0x4] =	wrdreg $0xC0  }
0xad: {  	_ =	task [dreg:s9], $0x5FFFF  }
0xae: {  	[dreg:$0x1] =	wrdreg $0xFFFFFFFF  }
0xaf: {  	[dreg:$0x0] =	wrdreg $0x60  }
0xb0: {  	[dreg:$0x2] =	wrdreg s19  }
0xb1: {  	[dreg:$0x3] =	wrdreg s2  }
0xb2: {  	[dreg:$0x4] =	wrdreg s4  }
0xb3: {  	[dreg:$0x5] =	wrdreg $0x9  }
0xb4: {  	_ =	task.clear_ibuf [dreg:s9], $0x6FFFF;
	_ =	strace $0x90000046  }
0xb5: {  	s29 =	simm.s32 $0x9;
	_ =	strace $0x80000048  }
0xb6: {  	_ =	swait.ge [sflag:s29], $0x1  }
0xb7: {  	[sflag:s29] =	ssyncadd.s32 $0xFFFFFFFF  }
0xb8: {  	_ =	strace $0x90000048  }
0xb9: {  	_ =	sfence  }
0xba: {  	s30 =	sld [smem:$0x0];
	_ =	sdelay $0x2  }
0xbb: {  	s31 =	sshll.u32 s1, $0xD;
	s1 =	sshrl.u32 s1, $0x2  }
0xbc: {  	s3 =	sand.u32 $0x4000, s31;
	s1 =	sadd.s32 s1, s30  }
0xbd: {  	s0 =	sor.u32 s3, s0;
	s1 =	sshll.u32 s1, $0x11  }
0xbe: {  	s0 =	sor.u32 s1, s0  }
0xbf: {  	s0 =	sadd.s32 $0x8F2B, s0  }
0xc0: {  	[sflag:s0] =	ssyncadd.remote.s32 $0x1  }
0xc1: {  	_ =	sfence.sel $0xFFFF  }
0xc2: {  	[dreg:$0x0] =	wrdreg $0xFFFFFFFF;
	(pc) =	sbr.abs _section_cstart, $3  }
0xc3: {  	[dreg:$0x1] =	wrdreg $0xFFFFFFFF  }
0xc4: {  	_ =	task.clear_ibuf [dreg:s9], $0x2FFFF;
	_ =	strace $0x9FFFFFFF  }
0xc5: {  	(tm) =	ssettm $0x7FFFFFFF  }
tec
execute0_lowered:
.L_overlay_start_1:
0x0: {  	(tag) =	ssettag $0x1  }
0x1: {  	v0 =	vlaneseq.u32  }
0x2: {  	v1 =	vimm.s32 $0x1380;
	vm0 =	vcmask $0x300;
	vm1 =	vcmask $0x704  }
0x3: {  	v2 =	vimm.s32 $0x3380;
	vm2 =	vcmask $0xB08;
	vm4 =	vcmask $0xF0C  }
0x4: {  	vm5 =	vcmask $0x1310;
	vm6 =	vcmask $0x1714;
	vm7 =	vcmask $0x1B18  }
0x5: {  	s1 =	rddreg [dreg:$0x0];
	vm8 =	vcmask $0x1F1C;
	vm9 =	vcmask $0x2320;
	vm10 =	vcmask $0x2724  }
0x6: {  	s0 =	rddreg [dreg:$0x1];
	vm11 =	vcmask $0x2B28;
	vm12 =	vcmask $0x2F2C;
	vm13 =	vcmask $0x3330  }
0x7: {  	s2 =	rddreg [dreg:$0x2];
	vm14 =	vcmask $0x3734;
	v1 =	vsel vm0, $0x0, v1;
	v2 =	vsel vm0, $0x2000, v2  }
0x8: {  	s3 =	srdreg.scid;
	s5 =	stileid.u32;
	s21 =	simm.s32 $0x3;
	v0 =	vmul.u32 $0x80, v0;
	v1 =	vsel vm1, $0x80, v1;
	v2 =	vsel vm1, $0x2080, v2  }
0x9: {  	s8 =	simm.s32 $0x200;
	s12 =	simm.s32 $0x8200;
	s28 =	simm.s32 $0xBE00;
	vm15 =	vcmask $0x3B38;
	v1 =	vsel vm2, $0x100, v1;
	v2 =	vsel vm2, $0x2100, v2  }
0xa: {  	s29 =	simm.s32 $0xC200;
	s30 =	simm.s32 $0xC600;
	s31 =	simm.s32 $0xCA00;
	v4 =	vor.u32 $0x1000, v0;
	v5 =	vor.u32 $0x1800, v0;
	v6 =	vor.u32 $0x2000, v0  }
0xb: {  	s9 =	simm.s32 $0xE600;
	s10 =	simm.s32 $0xEA00;
	s11 =	simm.s32 $0xEE00;
	v7 =	vor.u32 $0x2800, v0;
	v1 =	vsel vm4, $0x180, v1;
	v2 =	vsel vm4, $0x2180, v2  }
0xc: {  	s13 =	simm.s32 $0xF200;
	s14 =	simm.s32 $0xF600;
	s15 =	simm.s32 $0xFA00;
	v8 =	vor.u32 $0x3000, v0;
	v1 =	vsel vm5, $0x200, v1;
	v2 =	vsel vm5, $0x2200, v2  }
0xd: {  	s16 =	simm.s32 $0xFE00;
	s17 =	simm.s32 $0x1;
	s18 =	simm.s32 $0x10200;
	v9 =	vor.u32 $0x3800, v0;
	v1 =	vsel vm6, $0x280, v1;
	v2 =	vsel vm6, $0x2280, v2  }
0xe: {  	s19 =	simm.s32 $0x2;
	s22 =	simm.s32 $0x0;
	s4 =	sand.u32 $0x1, s3;
	v10 =	vor.u32 $0x4000, v0;
	v1 =	vsel vm7, $0x300, v1;
	v2 =	vsel vm7, $0x2300, v2  }
0xf: {  	s3 =	simm.s32 $0x0;
	s5 =	sshll.u32 s5, $0xA;
	s6 =	sshll.u32 s4, $0x9;
	v11 =	vor.u32 $0x4800, v0;
	v1 =	vsel vm8, $0x380, v1;
	v2 =	vsel vm8, $0x2380, v2  }
0x10: {  	[smem:$0x7FF] =	sst s3;
	s4 =	ssub.s32 $0x2, s4;
	s5 =	sor.u32 s6, s5;
	v12 =	vor.u32 $0x5000, v0;
	v1 =	vsel vm9, $0x1000, v1;
	v2 =	vsel vm9, $0x3000, v2  }
0x11: {  	_ =	strace $0x80000047;
	s24 =	sshrl.u32 s4, $0x1;
	s6 =	simm.s32 $0xDE00;
	v13 =	vor.u32 $0x5800, v0;
	v1 =	vsel vm10, $0x1080, v1;
	v2 =	vsel vm10, $0x3080, v2  }
.Ltmp0:
0x12: {  	v14 =	vor.u32 $0x6000, v0;
	s7 =	sshrl.u32 s5, $0x3;
	s4 =	ssub.s32 s4, s24;
	v1 =	vsel vm11, $0x1100, v1;
	v2 =	vsel vm11, $0x3100, v2;
	(pc) =	sbr.rel .LBB2_1-.Ltmp0, $4  }
0x13: {  	v15 =	vor.u32 $0x6800, v0;
	s25 =	sadd.s32 s2, s5;
	s2 =	simm.s32 $0xD200;
	s5 =	simm.s32 $0xDA00;
	v1 =	vsel vm12, $0x1180, v1;
	v2 =	vsel vm12, $0x3180, v2  }
0x14: {  	v16 =	vor.u32 $0x7000, v0;
	s0 =	sadd.s32 s0, s7;
	[dreg:$0x5] =	wrdreg s25;
	s26 =	smax.u32 s4, $0x1;
	v1 =	vsel vm13, $0x1200, v1;
	v3 =	vsel vm13, $0x3200, v2  }
0x15: {  	v17 =	vor.u32 $0x7800, v0;
	s25 =	simm.s32 $0x8600;
	s4 =	simm.s32 $0xD600;
	[dreg:$0x4] =	wrdreg s0;
	v1 =	vsel vm14, $0x1280, v1;
	v3 =	vsel vm14, $0x3280, v3  }
0x16: {  	s7 =	simm.s32 $0xE200;
	[dreg:$0x6] =	wrdreg s26;
	s0 =	simm.s32 $0xCE00;
	v2 =	vor.u32 $0x800, v0;
	v1 =	vsel vm15, $0x1300, v1;
	v3 =	vsel vm15, $0x3300, v3  }
.LBB2_5:
0x17: {  	s20 =	rddreg [dreg:$0x5];
	s21 =	simm.s32 $0x1000;
	s22 =	simm.s32 $0x20000  }
0x18: {  	[hbm4b:s20+s21] =	stream.strided.scatter [tilespmem:s18], [sflag:$0x3], $0x4000, s22, s21, $0x38;
	[tilespmem:$0x14200] =	vst v63  }
0x19: {  	s21 =	simm.s32 $0x3  }
0x1a: {  	_ =	swait.ge [sflag:s21], $0x4000  }
0x1b: {  	s24 =	rddreg [dreg:$0x7]  }
0x1c: {  	s26 =	rddreg [dreg:$0x6];
	s22 =	sadd.s32 $0x1, s24  }
0x1d: {  	p0 =	sne.s32 s22, s26  }
.Ltmp1:
0x1e: {  	_ = 	snop;
	(pc) =	sbr.rel @!p0 .LBB2_6-.Ltmp1, $3  }
0x1f: {  	_ =	sdelay $0x1  }
0x20: {  	[sflag:s21] =	ssyncset.done $0x0  }
0x21: {  	[sflag:s21] =	ssyncadd.s32 $0xFFFFC000  }
.LBB2_1:
0x22: {  	[dreg:$0x7] =	wrdreg s22  }
0x23: {  	s20 =	rddreg [dreg:$0x4]  }
0x24: {  	[tilespmem:s3], [sflag:$0x3] =	stream.linear.gather [hbm4b:s20+s3], $0x200, $0x38;
	[tilespmem:$0x14200] =	vst v63  }
0x25: {  	_ =	swait.ge [sflag:s21], $0x200  }
0x26: {  	[sflag:s21] =	ssyncset.done $0x0  }
0x27: {  	[sflag:s21] =	ssyncadd.s32 $0xFFFFFE00  }
0x28: {  	v18 =	vld [tilespmem:$0x0];
	_ =	sdelay $0x4  }
0x29: {  	(v2sf) =	vpush v18, $0x0;
	_ =	sdelay $0x7  }
0x2a: {  	(v2sf) =	vpush v18, $0x1;
	_ =	sdelay $0x6  }
0x2b: {  	s23 =	spop (v2sf)  }
0x2c: {  	s20 =	sand.u32 $0xFFFFF80, s23  }
0x2d: {  	(v2sf) =	vpush v18, $0x2;
	s20 =	sadd.s32 s1, s20  }
0x2e: {  	[tilespmem:s8], [sflag:$0x1] =	stream.linear.gather [hbm4b:s20+s3], $0x400, $0x38;
	[tilespmem:$0x14200] =	vst v63  }
0x2f: {  	s26 =	simm.s32 $0x600;
	s24 =	sadd.s32 $0xF4280, s20  }
0x30: {  	[tilespmem:s26], [sflag:$0x1] =	stream.linear.gather [hbm4b:s24+s3], $0x400, $0x38;
	[tilespmem:$0x14200] =	vst v63  }
0x31: {  	s23 =	sadd.s32 $0x1E8500, s20;
	s24 =	simm.s32 $0xA00  }
0x32: {  	[tilespmem:s24], [sflag:$0x1] =	stream.linear.gather [hbm4b:s23+s3], $0x400, $0x38;
	[tilespmem:$0x14200] =	vst v63  }
0x33: {  	s22 =	spop (v2sf);
	s20 =	sadd.s32 $0x2DC780, s20;
	s26 =	simm.s32 $0xE00  }
0x34: {  	[tilespmem:s26], [sflag:$0x1] =	stream.linear.gather [hbm4b:s20+s3], $0x400, $0x38;
	[tilespmem:$0x14200] =	vst v63  }
0x35: {  	s20 =	sand.u32 $0xFFFFF80, s22  }
0x36: {  	(v2sf) =	vpush v18, $0x3;
	s23 =	simm.s32 $0x1200;
	s20 =	sadd.s32 s1, s20  }
0x37: {  	[tilespmem:s23], [sflag:$0x1] =	stream.linear.gather [hbm4b:s20+s3], $0x400, $0x38;
	[tilespmem:$0x14200] =	vst v63  }
0x38: {  	s26 =	simm.s32 $0x1600;
	s24 =	sadd.s32 $0xF4280, s20  }
0x39: {  	[tilespmem:s26], [sflag:$0x1] =	stream.linear.gather [hbm4b:s24+s3], $0x400, $0x38;
	[tilespmem:$0x14200] =	vst v63  }
0x3a: {  	s23 =	sadd.s32 $0x1E8500, s20;
	s24 =	simm.s32 $0x1A00  }
0x3b: {  	[tilespmem:s24], [sflag:$0x1] =	stream.linear.gather [hbm4b:s23+s3], $0x400, $0x38;
	[tilespmem:$0x14200] =	vst v63  }
0x3c: {  	s20 =	sadd.s32 $0x2DC780, s20;
	s26 =	simm.s32 $0x1E00;
	s22 =	spop (v2sf)  }
0x3d: {  	[tilespmem:s26], [sflag:$0x1] =	stream.linear.gather [hbm4b:s20+s3], $0x400, $0x38;
	[tilespmem:$0x14200] =	vst v63  }
0x3e: {  	s20 =	sand.u32 $0xFFFFF80, s22  }
0x3f: {  	s23 =	simm.s32 $0x2200;
	(v2sf) =	vpush v18, $0x4;
	s20 =	sadd.s32 s1, s20  }
0x40: {  	[tilespmem:s23], [sflag:$0x1] =	stream.linear.gather [hbm4b:s20+s3], $0x400, $0x38;
	[tilespmem:$0x14200] =	vst v63  }
0x41: {  	s26 =	simm.s32 $0x2600;
	s24 =	sadd.s32 $0xF4280, s20  }
0x42: {  	[tilespmem:s26], [sflag:$0x1] =	stream.linear.gather [hbm4b:s24+s3], $0x400, $0x38;
	[tilespmem:$0x14200] =	vst v63  }
0x43: {  	s23 =	sadd.s32 $0x1E8500, s20;
	s24 =	simm.s32 $0x2A00  }
0x44: {  	[tilespmem:s24], [sflag:$0x1] =	stream.linear.gather [hbm4b:s23+s3], $0x400, $0x38;
	[tilespmem:$0x14200] =	vst v63  }
0x45: {  	s22 =	spop (v2sf);
	s20 =	sadd.s32 $0x2DC780, s20;
	s26 =	simm.s32 $0x2E00  }
0x46: {  	[tilespmem:s26], [sflag:$0x1] =	stream.linear.gather [hbm4b:s20+s3], $0x400, $0x38;
	[tilespmem:$0x14200] =	vst v63  }
0x47: {  	s20 =	sand.u32 $0xFFFFF80, s22  }
0x48: {  	(v2sf) =	vpush v18, $0x5;
	s23 =	simm.s32 $0x3200;
	s20 =	sadd.s32 s1, s20  }
0x49: {  	[tilespmem:s23], [sflag:$0x1] =	stream.linear.gather [hbm4b:s20+s3], $0x400, $0x38;
	[tilespmem:$0x14200] =	vst v63  }
0x4a: {  	s26 =	simm.s32 $0x3600;
	s24 =	sadd.s32 $0xF4280, s20  }
0x4b: {  	[tilespmem:s26], [sflag:$0x1] =	stream.linear.gather [hbm4b:s24+s3], $0x400, $0x38;
	[tilespmem:$0x14200] =	vst v63  }
0x4c: {  	s23 =	sadd.s32 $0x1E8500, s20;
	s24 =	simm.s32 $0x3A00  }
0x4d: {  	[tilespmem:s24], [sflag:$0x1] =	stream.linear.gather [hbm4b:s23+s3], $0x400, $0x38;
	[tilespmem:$0x14200] =	vst v63  }
0x4e: {  	s20 =	sadd.s32 $0x2DC780, s20;
	s26 =	simm.s32 $0x3E00;
	s22 =	spop (v2sf)  }
0x4f: {  	(v2sf) =	vpush v18, $0x6;
	[tilespmem:s26], [sflag:$0x1] =	stream.linear.gather [hbm4b:s20+s3], $0x400, $0x38;
	[tilespmem:$0x14200] =	vst v63  }
0x50: {  	s20 =	sand.u32 $0xFFFFF80, s22  }
0x51: {  	s23 =	simm.s32 $0x4200;
	s20 =	sadd.s32 s1, s20  }
0x52: {  	[tilespmem:s23], [sflag:$0x1] =	stream.linear.gather [hbm4b:s20+s3], $0x400, $0x38;
	[tilespmem:$0x14200] =	vst v63  }
0x53: {  	s26 =	simm.s32 $0x4600;
	s24 =	sadd.s32 $0xF4280, s20  }
0x54: {  	[tilespmem:s26], [sflag:$0x1] =	stream.linear.gather [hbm4b:s24+s3], $0x400, $0x38;
	[tilespmem:$0x14200] =	vst v63  }
0x55: {  	s23 =	sadd.s32 $0x1E8500, s20;
	s24 =	simm.s32 $0x4A00  }
0x56: {  	[tilespmem:s24], [sflag:$0x1] =	stream.linear.gather [hbm4b:s23+s3], $0x400, $0x38;
	[tilespmem:$0x14200] =	vst v63  }
0x57: {  	s22 =	spop (v2sf);
	s20 =	sadd.s32 $0x2DC780, s20;
	s26 =	simm.s32 $0x4E00  }
0x58: {  	[tilespmem:s26], [sflag:$0x1] =	stream.linear.gather [hbm4b:s20+s3], $0x400, $0x38;
	[tilespmem:$0x14200] =	vst v63  }
0x59: {  	(v2sf) =	vpush v18, $0x7;
	s20 =	sand.u32 $0xFFFFF80, s22  }
0x5a: {  	s23 =	simm.s32 $0x5200;
	s20 =	sadd.s32 s1, s20  }
0x5b: {  	[tilespmem:s23], [sflag:$0x1] =	stream.linear.gather [hbm4b:s20+s3], $0x400, $0x38;
	[tilespmem:$0x14200] =	vst v63  }
0x5c: {  	s26 =	simm.s32 $0x5600;
	s24 =	sadd.s32 $0xF4280, s20;
	s22 =	sadd.s32 $0x1E8500, s20  }
0x5d: {  	[tilespmem:s26], [sflag:$0x1] =	stream.linear.gather [hbm4b:s24+s3], $0x400, $0x38;
	[tilespmem:$0x14200] =	vst v63  }
0x5e: {  	s23 =	simm.s32 $0x5A00;
	s20 =	sadd.s32 $0x2DC780, s20;
	s24 =	spop (v2sf)  }
0x5f: {  	[tilespmem:s23], [sflag:$0x1] =	stream.linear.gather [hbm4b:s22+s3], $0x400, $0x38;
	[tilespmem:$0x14200] =	vst v63  }
0x60: {  	s26 =	simm.s32 $0x5E00;
	s22 =	sand.u32 $0xFFFFF80, s24  }
0x61: {  	[tilespmem:s26], [sflag:$0x1] =	stream.linear.gather [hbm4b:s20+s3], $0x400, $0x38;
	[tilespmem:$0x14200] =	vst v63  }
0x62: {  	s23 =	simm.s32 $0x6200;
	s20 =	sadd.s32 s1, s22  }
0x63: {  	[tilespmem:s23], [sflag:$0x1] =	stream.linear.gather [hbm4b:s20+s3], $0x400, $0x38;
	[tilespmem:$0x14200] =	vst v63  }
0x64: {  	s26 =	simm.s32 $0x6600;
	s24 =	sadd.s32 $0xF4280, s20  }
0x65: {  	[tilespmem:s26], [sflag:$0x1] =	stream.linear.gather [hbm4b:s24+s3], $0x400, $0x38;
	[tilespmem:$0x14200] =	vst v63  }
0x66: {  	s23 =	sadd.s32 $0x1E8500, s20;
	s24 =	simm.s32 $0x6A00  }
0x67: {  	[tilespmem:s24], [sflag:$0x1] =	stream.linear.gather [hbm4b:s23+s3], $0x400, $0x38;
	[tilespmem:$0x14200] =	vst v63  }
0x68: {  	s22 =	spop (v2sf);
	s20 =	sadd.s32 $0x2DC780, s20;
	s26 =	simm.s32 $0x6E00  }
0x69: {  	[tilespmem:s26], [sflag:$0x1] =	stream.linear.gather [hbm4b:s20+s3], $0x400, $0x38;
	[tilespmem:$0x14200] =	vst v63  }
0x6a: {  	s20 =	sand.u32 $0xFFFFF80, s22  }
0x6b: {  	s23 =	simm.s32 $0x7200;
	s20 =	sadd.s32 s1, s20  }
0x6c: {  	[tilespmem:s23], [sflag:$0x1] =	stream.linear.gather [hbm4b:s20+s3], $0x400, $0x38;
	[tilespmem:$0x14200] =	vst v63  }
0x6d: {  	s26 =	simm.s32 $0x7600;
	s24 =	sadd.s32 $0xF4280, s20  }
0x6e: {  	[tilespmem:s26], [sflag:$0x1] =	stream.linear.gather [hbm4b:s24+s3], $0x400, $0x38;
	[tilespmem:$0x14200] =	vst v63  }
.Ltmp2:
0x6f: {  	s23 =	sadd.s32 $0x1E8500, s20;
	s24 =	simm.s32 $0x7A00;
	(pc) =	sbr.rel .LBB2_2-.Ltmp2, $4  }
0x70: {  	[tilespmem:s24], [sflag:$0x1] =	stream.linear.gather [hbm4b:s23+s3], $0x400, $0x38;
	[tilespmem:$0x14200] =	vst v63  }
0x71: {  	s20 =	sadd.s32 $0x2DC780, s20;
	s26 =	simm.s32 $0x7E00  }
0x72: {  	[tilespmem:s26], [sflag:$0x1] =	stream.linear.gather [hbm4b:s20+s3], $0x400, $0x38;
	[tilespmem:$0x14200] =	vst v63  }
0x73: {  	s21 =	simm.s32 $0x0;
	s22 =	simm.s32 $0x1;
	s20 =	simm.s32 $0xF  }
.LBB2_4:
0x74: {  	_ =	swait.ge [sflag:s19], $0x1000  }
0x75: {  	[sflag:s19] =	ssyncset.done $0x0  }
0x76: {  	[sflag:s19] =	ssyncadd.s32 $0xFFFFF000  }
0x77: {  	_ =	swait.ge [sflag:s19], $0x1000  }
0x78: {  	[sflag:s19] =	ssyncset.done $0x0  }
0x79: {  	[sflag:s19] =	ssyncadd.s32 $0xFFFFF000  }
0x7a: {  	_ =	swait.ge [sflag:s19], $0x1000  }
0x7b: {  	[sflag:s19] =	ssyncset.done $0x0  }
0x7c: {  	[sflag:s19] =	ssyncadd.s32 $0xFFFFF000  }
0x7d: {  	_ =	swait.ge [sflag:s19], $0x1000  }
0x7e: {  	[sflag:s19] =	ssyncset.done $0x0  }
0x7f: {  	[sflag:s19] =	ssyncadd.s32 $0xFFFFF000  }
0x80: {  	_ =	swait.ge [sflag:s19], $0x1000  }
0x81: {  	[sflag:s19] =	ssyncset.done $0x0  }
0x82: {  	[sflag:s19] =	ssyncadd.s32 $0xFFFFF000  }
0x83: {  	_ =	swait.ge [sflag:s19], $0x1000  }
0x84: {  	[sflag:s19] =	ssyncset.done $0x0  }
0x85: {  	v19 =	vbroadcast v18, $0x8;
	[sflag:s19] =	ssyncadd.s32 $0xFFFFF000  }
0x86: {  	_ =	swait.ge [sflag:s19], $0x1000  }
0x87: {  	s23 =	sadd.s32 $0xFFFFFFF9, s20;
	v20 =	vor.u32 v0, v19;
	[sflag:s19] =	ssyncset.done $0x0  }
0x88: {  	v21 =	vmov s23;
	[sflag:s19] =	ssyncadd.s32 $0xFFFFF000  }
0x89: {  	v22 =	vshll.u32 v21, $0x3;
	_ =	swait.ge [sflag:s19], $0x1000  }
0x8a: {  	v21 =	vand.u32 $0x78, v21;
	v22 =	vand.u32 $0xC00, v22;
	[sflag:s19] =	ssyncset.done $0x0  }
0x8b: {  	v21 =	vor.u32 v21, v22;
	[sflag:s19] =	ssyncadd.s32 $0xFFFFF000  }
0x8c: {  	v22 =	vor.u32 v1, v21;
	v20 =	vld.idx.msk [tilespmem:v20+s12+$0x0], $0xffff  }
0x8d: {  	v19 =	vor.u32 v2, v19;
	_ =	sdelay $0x3  }
0x8e: {  	v32 =	vbroadcast v18, $0x9;
	[tilespmem:v22+s18+$0x0] =	vst.idx.msk $0xffff, v20  }
0x8f: {  	v21 =	vor.u32 v3, v21;
	v19 =	vld.idx.msk [tilespmem:v19+s12+$0x0], $0xffff  }
0x90: {  	s24 =	sadd.s32 $0xFFFFFFFA, s20;
	v33 =	vor.u32 v4, v32  }
0x91: {  	v23 =	vmov s24  }
0x92: {  	v24 =	vshll.u32 v23, $0x3  }
0x93: {  	v23 =	vand.u32 $0x79, v23;
	v24 =	vand.u32 $0xC00, v24  }
0x94: {  	[tilespmem:v21+s18+$0x0] =	vst.idx.msk $0xffff, v19;
	v19 =	vor.u32 v23, v24  }
0x95: {  	v21 =	vld.idx.msk [tilespmem:v33+s12+$0x0], $0xffff;
	v34 =	vor.u32 v1, v19  }
0x96: {  	v20 =	vor.u32 v5, v32;
	_ =	sdelay $0x3  }
0x97: {  	v35 =	vbroadcast v18, $0xA;
	[tilespmem:v34+s18+$0x0] =	vst.idx.msk $0xffff, v21  }
0x98: {  	v19 =	vor.u32 v3, v19;
	v20 =	vld.idx.msk [tilespmem:v20+s12+$0x0], $0xffff  }
0x99: {  	s26 =	sadd.s32 $0xFFFFFFFB, s20;
	v36 =	vor.u32 v6, v35  }
0x9a: {  	v37 =	vmov s26  }
0x9b: {  	v38 =	vshll.u32 v37, $0x3  }
0x9c: {  	v23 =	vand.u32 $0x7A, v37;
	v24 =	vand.u32 $0xC00, v38  }
0x9d: {  	[tilespmem:v19+s18+$0x0] =	vst.idx.msk $0xffff, v20;
	v19 =	vor.u32 v23, v24  }
0x9e: {  	v20 =	vld.idx.msk [tilespmem:v36+s12+$0x0], $0xffff;
	v39 =	vor.u32 v1, v19  }
0x9f: {  	v21 =	vor.u32 v7, v35;
	_ =	sdelay $0x3  }
0xa0: {  	v40 =	vbroadcast v18, $0xB;
	[tilespmem:v39+s18+$0x0] =	vst.idx.msk $0xffff, v20  }
0xa1: {  	v19 =	vor.u32 v3, v19;
	v21 =	vld.idx.msk [tilespmem:v21+s12+$0x0], $0xffff  }
0xa2: {  	s24 =	sadd.s32 $0xFFFFFFFC, s20;
	v41 =	vor.u32 v8, v40  }
0xa3: {  	v42 =	vmov s24  }
0xa4: {  	v43 =	vshll.u32 v42, $0x3  }
0xa5: {  	v23 =	vand.u32 $0x7B, v42;
	v24 =	vand.u32 $0xC00, v43  }
0xa6: {  	[tilespmem:v19+s18+$0x0] =	vst.idx.msk $0xffff, v21;
	v19 =	vor.u32 v23, v24  }
0xa7: {  	v21 =	vld.idx.msk [tilespmem:v41+s12+$0x0], $0xffff;
	v44 =	vor.u32 v1, v19  }
0xa8: {  	v20 =	vor.u32 v9, v40;
	_ =	sdelay $0x3  }
0xa9: {  	v45 =	vbroadcast v18, $0xC;
	[tilespmem:v44+s18+$0x0] =	vst.idx.msk $0xffff, v21  }
0xaa: {  	v19 =	vor.u32 v3, v19;
	v20 =	vld.idx.msk [tilespmem:v20+s12+$0x0], $0xffff  }
0xab: {  	s26 =	sadd.s32 $0xFFFFFFFD, s20;
	v46 =	vor.u32 v10, v45  }
0xac: {  	v47 =	vmov s26  }
0xad: {  	v48 =	vshll.u32 v47, $0x3  }
0xae: {  	v23 =	vand.u32 $0x7C, v47;
	v24 =	vand.u32 $0xC00, v48  }
0xaf: {  	[tilespmem:v19+s18+$0x0] =	vst.idx.msk $0xffff, v20;
	v19 =	vor.u32 v23, v24  }
0xb0: {  	v20 =	vld.idx.msk [tilespmem:v46+s12+$0x0], $0xffff;
	v49 =	vor.u32 v1, v19  }
0xb1: {  	v21 =	vor.u32 v11, v45;
	_ =	sdelay $0x3  }
0xb2: {  	v50 =	vbroadcast v18, $0xD;
	[tilespmem:v49+s18+$0x0] =	vst.idx.msk $0xffff, v20  }
0xb3: {  	v19 =	vor.u32 v3, v19;
	v21 =	vld.idx.msk [tilespmem:v21+s12+$0x0], $0xffff  }
0xb4: {  	s24 =	sadd.s32 $0xFFFFFFFE, s20;
	v51 =	vor.u32 v12, v50  }
0xb5: {  	v52 =	vmov s24  }
0xb6: {  	v53 =	vshll.u32 v52, $0x3  }
0xb7: {  	v23 =	vand.u32 $0x7D, v52;
	v24 =	vand.u32 $0xC00, v53  }
0xb8: {  	[tilespmem:v19+s18+$0x0] =	vst.idx.msk $0xffff, v21;
	v19 =	vor.u32 v23, v24  }
0xb9: {  	v21 =	vld.idx.msk [tilespmem:v51+s12+$0x0], $0xffff;
	v54 =	vor.u32 v1, v19  }
0xba: {  	v20 =	vor.u32 v13, v50;
	_ =	sdelay $0x3  }
0xbb: {  	v55 =	vbroadcast v18, $0xE;
	[tilespmem:v54+s18+$0x0] =	vst.idx.msk $0xffff, v21  }
0xbc: {  	v19 =	vor.u32 v3, v19;
	v20 =	vld.idx.msk [tilespmem:v20+s12+$0x0], $0xffff  }
0xbd: {  	s26 =	sadd.s32 $0xFFFFFFFF, s20;
	v56 =	vor.u32 v14, v55  }
0xbe: {  	v57 =	vmov s26  }
0xbf: {  	v58 =	vshll.u32 v57, $0x3  }
0xc0: {  	v23 =	vand.u32 $0x7E, v57;
	v24 =	vand.u32 $0xC00, v58  }
0xc1: {  	[tilespmem:v19+s18+$0x0] =	vst.idx.msk $0xffff, v20;
	v19 =	vor.u32 v23, v24  }
0xc2: {  	v20 =	vld.idx.msk [tilespmem:v56+s12+$0x0], $0xffff;
	v59 =	vor.u32 v1, v19  }
0xc3: {  	v21 =	vor.u32 v15, v55;
	_ =	sdelay $0x3  }
0xc4: {  	v18 =	vbroadcast v18, $0xF;
	[tilespmem:v59+s18+$0x0] =	vst.idx.msk $0xffff, v20  }
0xc5: {  	v19 =	vor.u32 v3, v19;
	v20 =	vld.idx.msk [tilespmem:v21+s12+$0x0], $0xffff  }
0xc6: {  	v60 =	vor.u32 v16, v18  }
0xc7: {  	v61 =	vmov s20  }
0xc8: {  	v62 =	vshll.u32 v61, $0x3  }
0xc9: {  	v22 =	vand.u32 $0x7F, v61;
	v23 =	vand.u32 $0xC00, v62  }
0xca: {  	[tilespmem:v19+s18+$0x0] =	vst.idx.msk $0xffff, v20;
	v19 =	vor.u32 v22, v23  }
0xcb: {  	v20 =	vld.idx.msk [tilespmem:v60+s12+$0x0], $0xffff;
	v63 =	vor.u32 v1, v19  }
0xcc: {  	v18 =	vor.u32 v17, v18;
	_ =	sdelay $0x3  }
0xcd: {  	s20 =	sadd.s32 $0x10, s20;
	[tilespmem:v63+s18+$0x0] =	vst.idx.msk $0xffff, v20  }
0xce: {  	p0 =	sne.s32 s20, $0x20F;
	v19 =	vor.u32 v3, v19;
	v18 =	vld.idx.msk [tilespmem:v18+s12+$0x0], $0xffff  }
.Ltmp3:
0xcf: {  	_ = 	snop;
	(pc) =	sbr.rel @!p0 .LBB2_5-.Ltmp3, $2  }
0xd0: {  	_ =	sdelay $0x2  }
0xd1: {  	s22 =	sadd.s32 $0x1, s22;
	s21 =	sadd.s32 $0x10, s21;
	[tilespmem:v19+s18+$0x0] =	vst.idx.msk $0xffff, v18  }
.LBB2_2:
0xd2: {  	v18 =	vld [tilespmem:s21+$0x0];
	_ =	sdelay $0x4  }
0xd3: {  	(v2sf) =	vpush v18, $0x8;
	_ =	sdelay $0x7  }
0xd4: {  	(v2sf) =	vpush v18, $0x9;
	_ =	sdelay $0x6  }
0xd5: {  	s23 =	spop (v2sf)  }
0xd6: {  	s23 =	sand.u32 $0xFFFFF80, s23  }
0xd7: {  	(v2sf) =	vpush v18, $0xA;
	s23 =	sadd.s32 s1, s23  }
0xd8: {  	[tilespmem:s12], [sflag:$0x2] =	stream.linear.gather [hbm4b:s23+s3], $0x400, $0x38;
	[tilespmem:$0x14200] =	vst v63  }
0xd9: {  	s24 =	sadd.s32 $0xF4280, s23  }
0xda: {  	[tilespmem:s25], [sflag:$0x2] =	stream.linear.gather [hbm4b:s24+s3], $0x400, $0x38;
	[tilespmem:$0x14200] =	vst v63  }
0xdb: {  	s26 =	simm.s32 $0x8A00;
	s24 =	sadd.s32 $0x1E8500, s23  }
0xdc: {  	[tilespmem:s26], [sflag:$0x2] =	stream.linear.gather [hbm4b:s24+s3], $0x400, $0x38;
	[tilespmem:$0x14200] =	vst v63  }
0xdd: {  	s23 =	sadd.s32 $0x2DC780, s23;
	s26 =	simm.s32 $0x8E00;
	s24 =	spop (v2sf)  }
0xde: {  	[tilespmem:s26], [sflag:$0x2] =	stream.linear.gather [hbm4b:s23+s3], $0x400, $0x38;
	[tilespmem:$0x14200] =	vst v63  }
0xdf: {  	s23 =	sand.u32 $0xFFFFF80, s24  }
0xe0: {  	(v2sf) =	vpush v18, $0xB;
	s26 =	simm.s32 $0x9200;
	s23 =	sadd.s32 s1, s23  }
0xe1: {  	[tilespmem:s26], [sflag:$0x2] =	stream.linear.gather [hbm4b:s23+s3], $0x400, $0x38;
	[tilespmem:$0x14200] =	vst v63  }
0xe2: {  	s24 =	sadd.s32 $0xF4280, s23;
	s26 =	simm.s32 $0x9600  }
0xe3: {  	[tilespmem:s26], [sflag:$0x2] =	stream.linear.gather [hbm4b:s24+s3], $0x400, $0x38;
	[tilespmem:$0x14200] =	vst v63  }
0xe4: {  	s24 =	sadd.s32 $0x1E8500, s23;
	s26 =	simm.s32 $0x9A00  }
0xe5: {  	[tilespmem:s26], [sflag:$0x2] =	stream.linear.gather [hbm4b:s24+s3], $0x400, $0x38;
	[tilespmem:$0x14200] =	vst v63  }
0xe6: {  	s23 =	sadd.s32 $0x2DC780, s23;
	s26 =	simm.s32 $0x9E00;
	s24 =	spop (v2sf)  }
0xe7: {  	[tilespmem:s26], [sflag:$0x2] =	stream.linear.gather [hbm4b:s23+s3], $0x400, $0x38;
	[tilespmem:$0x14200] =	vst v63  }
0xe8: {  	s23 =	sand.u32 $0xFFFFF80, s24  }
0xe9: {  	(v2sf) =	vpush v18, $0xC;
	s26 =	simm.s32 $0xA200;
	s23 =	sadd.s32 s1, s23  }
0xea: {  	[tilespmem:s26], [sflag:$0x2] =	stream.linear.gather [hbm4b:s23+s3], $0x400, $0x38;
	[tilespmem:$0x14200] =	vst v63  }
0xeb: {  	s24 =	sadd.s32 $0xF4280, s23;
	s26 =	simm.s32 $0xA600  }
0xec: {  	[tilespmem:s26], [sflag:$0x2] =	stream.linear.gather [hbm4b:s24+s3], $0x400, $0x38;
	[tilespmem:$0x14200] =	vst v63  }
0xed: {  	s24 =	sadd.s32 $0x1E8500, s23;
	s26 =	simm.s32 $0xAA00  }
0xee: {  	[tilespmem:s26], [sflag:$0x2] =	stream.linear.gather [hbm4b:s24+s3], $0x400, $0x38;
	[tilespmem:$0x14200] =	vst v63  }
0xef: {  	s23 =	sadd.s32 $0x2DC780, s23;
	s26 =	simm.s32 $0xAE00;
	s24 =	spop (v2sf)  }
0xf0: {  	[tilespmem:s26], [sflag:$0x2] =	stream.linear.gather [hbm4b:s23+s3], $0x400, $0x38;
	[tilespmem:$0x14200] =	vst v63  }
0xf1: {  	s23 =	sand.u32 $0xFFFFF80, s24  }
0xf2: {  	(v2sf) =	vpush v18, $0xD;
	s26 =	simm.s32 $0xB200;
	s23 =	sadd.s32 s1, s23  }
0xf3: {  	[tilespmem:s26], [sflag:$0x2] =	stream.linear.gather [hbm4b:s23+s3], $0x400, $0x38;
	[tilespmem:$0x14200] =	vst v63  }
0xf4: {  	s24 =	sadd.s32 $0xF4280, s23;
	s26 =	simm.s32 $0xB600  }
0xf5: {  	[tilespmem:s26], [sflag:$0x2] =	stream.linear.gather [hbm4b:s24+s3], $0x400, $0x38;
	[tilespmem:$0x14200] =	vst v63  }
0xf6: {  	s24 =	sadd.s32 $0x1E8500, s23;
	s26 =	simm.s32 $0xBA00  }
0xf7: {  	[tilespmem:s26], [sflag:$0x2] =	stream.linear.gather [hbm4b:s24+s3], $0x400, $0x38;
	[tilespmem:$0x14200] =	vst v63  }
0xf8: {  	s23 =	sadd.s32 $0x2DC780, s23;
	s24 =	spop (v2sf)  }
0xf9: {  	[tilespmem:s28], [sflag:$0x2] =	stream.linear.gather [hbm4b:s23+s3], $0x400, $0x38;
	[tilespmem:$0x14200] =	vst v63  }
0xfa: {  	s23 =	sand.u32 $0xFFFFF80, s24  }
0xfb: {  	(v2sf) =	vpush v18, $0xE;
	s23 =	sadd.s32 s1, s23  }
0xfc: {  	[tilespmem:s29], [sflag:$0x2] =	stream.linear.gather [hbm4b:s23+s3], $0x400, $0x38;
	[tilespmem:$0x14200] =	vst v63  }
0xfd: {  	s26 =	sadd.s32 $0xF4280, s23  }
0xfe: {  	[tilespmem:s30], [sflag:$0x2] =	stream.linear.gather [hbm4b:s26+s3], $0x400, $0x38;
	[tilespmem:$0x14200] =	vst v63  }
0xff: {  	s26 =	sadd.s32 $0x1E8500, s23  }
0x100: {  	[tilespmem:s31], [sflag:$0x2] =	stream.linear.gather [hbm4b:s26+s3], $0x400, $0x38;
	[tilespmem:$0x14200] =	vst v63  }
0x101: {  	s23 =	sadd.s32 $0x2DC780, s23;
	s24 =	spop (v2sf)  }
0x102: {  	[tilespmem:s0], [sflag:$0x2] =	stream.linear.gather [hbm4b:s23+s3], $0x400, $0x38;
	[tilespmem:$0x14200] =	vst v63  }
0x103: {  	s23 =	sand.u32 $0xFFFFF80, s24  }
0x104: {  	(v2sf) =	vpush v18, $0xF;
	s23 =	sadd.s32 s1, s23  }
0x105: {  	[tilespmem:s2], [sflag:$0x2] =	stream.linear.gather [hbm4b:s23+s3], $0x400, $0x38;
	[tilespmem:$0x14200] =	vst v63  }
0x106: {  	s26 =	sadd.s32 $0xF4280, s23  }
0x107: {  	[tilespmem:s4], [sflag:$0x2] =	stream.linear.gather [hbm4b:s26+s3], $0x400, $0x38;
	[tilespmem:$0x14200] =	vst v63  }
0x108: {  	s26 =	sadd.s32 $0x1E8500, s23  }
0x109: {  	[tilespmem:s5], [sflag:$0x2] =	stream.linear.gather [hbm4b:s26+s3], $0x400, $0x38;
	[tilespmem:$0x14200] =	vst v63  }
0x10a: {  	s26 =	spop (v2sf)  }
0x10b: {  	s23 =	sadd.s32 $0x2DC780, s23;
	s24 =	sand.u32 $0xFFFFF80, s26  }
0x10c: {  	[tilespmem:s6], [sflag:$0x2] =	stream.linear.gather [hbm4b:s23+s3], $0x400, $0x38;
	[tilespmem:$0x14200] =	vst v63  }
0x10d: {  	s23 =	sadd.s32 s1, s24  }
0x10e: {  	[tilespmem:s7], [sflag:$0x2] =	stream.linear.gather [hbm4b:s23+s3], $0x400, $0x38;
	[tilespmem:$0x14200] =	vst v63  }
0x10f: {  	s26 =	sadd.s32 $0xF4280, s23  }
0x110: {  	[tilespmem:s9], [sflag:$0x2] =	stream.linear.gather [hbm4b:s26+s3], $0x400, $0x38;
	[tilespmem:$0x14200] =	vst v63  }
0x111: {  	s26 =	sadd.s32 $0x1E8500, s23  }
0x112: {  	[tilespmem:s10], [sflag:$0x2] =	stream.linear.gather [hbm4b:s26+s3], $0x400, $0x38;
	[tilespmem:$0x14200] =	vst v63  }
0x113: {  	s23 =	sadd.s32 $0x2DC780, s23;
	s24 =	spop (v2sf)  }
0x114: {  	[tilespmem:s11], [sflag:$0x2] =	stream.linear.gather [hbm4b:s23+s3], $0x400, $0x38;
	[tilespmem:$0x14200] =	vst v63  }
0x115: {  	s23 =	sand.u32 $0xFFFFF80, s24  }
0x116: {  	s23 =	sadd.s32 s1, s23  }
0x117: {  	[tilespmem:s13], [sflag:$0x2] =	stream.linear.gather [hbm4b:s23+s3], $0x400, $0x38;
	[tilespmem:$0x14200] =	vst v63  }
0x118: {  	s26 =	sadd.s32 $0xF4280, s23  }
0x119: {  	[tilespmem:s14], [sflag:$0x2] =	stream.linear.gather [hbm4b:s26+s3], $0x400, $0x38;
	[tilespmem:$0x14200] =	vst v63  }
0x11a: {  	s26 =	sadd.s32 $0x1E8500, s23  }
0x11b: {  	[tilespmem:s15], [sflag:$0x2] =	stream.linear.gather [hbm4b:s26+s3], $0x400, $0x38;
	[tilespmem:$0x14200] =	vst v63  }
0x11c: {  	s23 =	sadd.s32 $0x2DC780, s23  }
0x11d: {  	[tilespmem:s16], [sflag:$0x2] =	stream.linear.gather [hbm4b:s23+s3], $0x400, $0x38;
	[tilespmem:$0x14200] =	vst v63  }
0x11e: {  	_ =	swait.ge [sflag:s17], $0x1000  }
0x11f: {  	[sflag:s17] =	ssyncset.done $0x0  }
0x120: {  	[sflag:s17] =	ssyncadd.s32 $0xFFFFF000  }
0x121: {  	_ =	swait.ge [sflag:s17], $0x1000  }
0x122: {  	[sflag:s17] =	ssyncset.done $0x0  }
0x123: {  	[sflag:s17] =	ssyncadd.s32 $0xFFFFF000  }
0x124: {  	_ =	swait.ge [sflag:s17], $0x1000  }
0x125: {  	[sflag:s17] =	ssyncset.done $0x0  }
0x126: {  	[sflag:s17] =	ssyncadd.s32 $0xFFFFF000  }
0x127: {  	_ =	swait.ge [sflag:s17], $0x1000  }
0x128: {  	[sflag:s17] =	ssyncset.done $0x0  }
0x129: {  	[sflag:s17] =	ssyncadd.s32 $0xFFFFF000  }
0x12a: {  	_ =	swait.ge [sflag:s17], $0x1000  }
0x12b: {  	[sflag:s17] =	ssyncset.done $0x0  }
0x12c: {  	[sflag:s17] =	ssyncadd.s32 $0xFFFFF000  }
0x12d: {  	_ =	swait.ge [sflag:s17], $0x1000  }
0x12e: {  	v18 =	vand.u32 $0x7F, v18;
	[sflag:s17] =	ssyncset.done $0x0  }
0x12f: {  	v19 =	vbroadcast v18, $0x0;
	[sflag:s17] =	ssyncadd.s32 $0xFFFFF000  }
0x130: {  	_ =	swait.ge [sflag:s17], $0x1000  }
0x131: {  	v20 =	vor.u32 v0, v19;
	s24 =	sadd.s32 $0xFFFFFFF1, s20;
	[sflag:s17] =	ssyncset.done $0x0  }
0x132: {  	v21 =	vmov s24;
	[sflag:s17] =	ssyncadd.s32 $0xFFFFF000  }
0x133: {  	v22 =	vshll.u32 v21, $0x3;
	_ =	swait.ge [sflag:s17], $0x1000  }
0x134: {  	v21 =	vand.u32 $0x70, v21;
	v22 =	vand.u32 $0xC00, v22;
	[sflag:s17] =	ssyncset.done $0x0  }
0x135: {  	v21 =	vor.u32 v21, v22;
	[sflag:s17] =	ssyncadd.s32 $0xFFFFF000  }
0x136: {  	v22 =	vor.u32 v1, v21;
	v20 =	vld.idx.msk [tilespmem:v20+s8+$0x0], $0xffff  }
0x137: {  	v19 =	vor.u32 v2, v19;
	_ =	sdelay $0x3  }
0x138: {  	[tilespmem:v22+s18+$0x0] =	vst.idx.msk $0xffff, v20;
	v20 =	vbroadcast v18, $0x1  }
0x139: {  	v21 =	vor.u32 v3, v21;
	v19 =	vld.idx.msk [tilespmem:v19+s8+$0x0], $0xffff  }
0x13a: {  	s26 =	sadd.s32 $0xFFFFFFF2, s20;
	v35 =	vor.u32 v4, v20  }
0x13b: {  	v23 =	vmov s26  }
0x13c: {  	v24 =	vshll.u32 v23, $0x3  }
0x13d: {  	v23 =	vand.u32 $0x71, v23;
	v24 =	vand.u32 $0xC00, v24  }
0x13e: {  	[tilespmem:v21+s18+$0x0] =	vst.idx.msk $0xffff, v19;
	v19 =	vor.u32 v23, v24  }
0x13f: {  	v21 =	vld.idx.msk [tilespmem:v35+s8+$0x0], $0xffff;
	v36 =	vor.u32 v1, v19  }
0x140: {  	v20 =	vor.u32 v5, v20;
	_ =	sdelay $0x3  }
0x141: {  	v37 =	vbroadcast v18, $0x2;
	[tilespmem:v36+s18+$0x0] =	vst.idx.msk $0xffff, v21  }
0x142: {  	v19 =	vor.u32 v3, v19;
	v20 =	vld.idx.msk [tilespmem:v20+s8+$0x0], $0xffff  }
0x143: {  	v38 =	vor.u32 v6, v37;
	s24 =	sadd.s32 $0xFFFFFFF3, s20  }
0x144: {  	v39 =	vmov s24  }
0x145: {  	v40 =	vshll.u32 v39, $0x3  }
0x146: {  	v23 =	vand.u32 $0x72, v39;
	v24 =	vand.u32 $0xC00, v40  }
0x147: {  	[tilespmem:v19+s18+$0x0] =	vst.idx.msk $0xffff, v20;
	v19 =	vor.u32 v23, v24  }
0x148: {  	v20 =	vld.idx.msk [tilespmem:v38+s8+$0x0], $0xffff;
	v41 =	vor.u32 v1, v19  }
0x149: {  	v21 =	vor.u32 v7, v37;
	_ =	sdelay $0x3  }
0x14a: {  	[tilespmem:v41+s18+$0x0] =	vst.idx.msk $0xffff, v20;
	v20 =	vbroadcast v18, $0x3  }
0x14b: {  	v19 =	vor.u32 v3, v19;
	v21 =	vld.idx.msk [tilespmem:v21+s8+$0x0], $0xffff  }
0x14c: {  	s26 =	sadd.s32 $0xFFFFFFF4, s20;
	v42 =	vor.u32 v8, v20  }
0x14d: {  	v43 =	vmov s26  }
0x14e: {  	v44 =	vshll.u32 v43, $0x3  }
0x14f: {  	v23 =	vand.u32 $0x73, v43;
	v24 =	vand.u32 $0xC00, v44  }
0x150: {  	[tilespmem:v19+s18+$0x0] =	vst.idx.msk $0xffff, v21;
	v19 =	vor.u32 v23, v24  }
0x151: {  	v21 =	vld.idx.msk [tilespmem:v42+s8+$0x0], $0xffff;
	v45 =	vor.u32 v1, v19  }
0x152: {  	v20 =	vor.u32 v9, v20;
	_ =	sdelay $0x3  }
0x153: {  	v46 =	vbroadcast v18, $0x4;
	[tilespmem:v45+s18+$0x0] =	vst.idx.msk $0xffff, v21  }
0x154: {  	v19 =	vor.u32 v3, v19;
	v20 =	vld.idx.msk [tilespmem:v20+s8+$0x0], $0xffff  }
0x155: {  	v47 =	vor.u32 v10, v46;
	s24 =	sadd.s32 $0xFFFFFFF5, s20  }
0x156: {  	v48 =	vmov s24  }
0x157: {  	v49 =	vshll.u32 v48, $0x3  }
0x158: {  	v23 =	vand.u32 $0x74, v48;
	v24 =	vand.u32 $0xC00, v49  }
0x159: {  	[tilespmem:v19+s18+$0x0] =	vst.idx.msk $0xffff, v20;
	v19 =	vor.u32 v23, v24  }
0x15a: {  	v20 =	vld.idx.msk [tilespmem:v47+s8+$0x0], $0xffff;
	v50 =	vor.u32 v1, v19  }
0x15b: {  	v21 =	vor.u32 v11, v46;
	_ =	sdelay $0x3  }
0x15c: {  	[tilespmem:v50+s18+$0x0] =	vst.idx.msk $0xffff, v20;
	v20 =	vbroadcast v18, $0x5  }
0x15d: {  	v19 =	vor.u32 v3, v19;
	v21 =	vld.idx.msk [tilespmem:v21+s8+$0x0], $0xffff  }
0x15e: {  	s26 =	sadd.s32 $0xFFFFFFF6, s20;
	v51 =	vor.u32 v12, v20  }
0x15f: {  	v52 =	vmov s26  }
0x160: {  	v53 =	vshll.u32 v52, $0x3  }
0x161: {  	v23 =	vand.u32 $0x75, v52;
	v24 =	vand.u32 $0xC00, v53  }
0x162: {  	[tilespmem:v19+s18+$0x0] =	vst.idx.msk $0xffff, v21;
	v19 =	vor.u32 v23, v24  }
0x163: {  	v21 =	vld.idx.msk [tilespmem:v51+s8+$0x0], $0xffff;
	v54 =	vor.u32 v1, v19  }
0x164: {  	v20 =	vor.u32 v13, v20;
	_ =	sdelay $0x3  }
0x165: {  	v55 =	vbroadcast v18, $0x6;
	[tilespmem:v54+s18+$0x0] =	vst.idx.msk $0xffff, v21  }
0x166: {  	v19 =	vor.u32 v3, v19;
	v20 =	vld.idx.msk [tilespmem:v20+s8+$0x0], $0xffff  }
0x167: {  	v56 =	vor.u32 v14, v55;
	s24 =	sadd.s32 $0xFFFFFFF7, s20  }
0x168: {  	v57 =	vmov s24  }
0x169: {  	v58 =	vshll.u32 v57, $0x3  }
0x16a: {  	v23 =	vand.u32 $0x76, v57;
	v24 =	vand.u32 $0xC00, v58  }
0x16b: {  	[tilespmem:v19+s18+$0x0] =	vst.idx.msk $0xffff, v20;
	v19 =	vor.u32 v23, v24  }
0x16c: {  	v20 =	vld.idx.msk [tilespmem:v56+s8+$0x0], $0xffff;
	v59 =	vor.u32 v1, v19  }
0x16d: {  	v21 =	vor.u32 v15, v55;
	_ =	sdelay $0x3  }
0x16e: {  	[tilespmem:v59+s18+$0x0] =	vst.idx.msk $0xffff, v20;
	v20 =	vbroadcast v18, $0x7  }
0x16f: {  	v19 =	vor.u32 v3, v19;
	v21 =	vld.idx.msk [tilespmem:v21+s8+$0x0], $0xffff  }
0x170: {  	s26 =	sadd.s32 $0xFFFFFFF8, s20;
	v60 =	vor.u32 v16, v20  }
0x171: {  	v61 =	vmov s26  }
0x172: {  	v62 =	vshll.u32 v61, $0x3  }
0x173: {  	v23 =	vand.u32 $0x77, v61;
	v24 =	vand.u32 $0xC00, v62  }
0x174: {  	[tilespmem:v19+s18+$0x0] =	vst.idx.msk $0xffff, v21;
	v19 =	vor.u32 v23, v24  }
0x175: {  	v21 =	vld.idx.msk [tilespmem:v60+s8+$0x0], $0xffff;
	v63 =	vor.u32 v1, v19  }
0x176: {  	v20 =	vor.u32 v17, v20;
	_ =	sdelay $0x3  }
0x177: {  	[tilespmem:v63+s18+$0x0] =	vst.idx.msk $0xffff, v21  }
0x178: {  	p0 =	seq.s32 s20, $0x1FF;
	v19 =	vor.u32 v3, v19;
	v20 =	vld.idx.msk [tilespmem:v20+s8+$0x0], $0xffff  }
.Ltmp4:
0x179: {  	_ = 	snop;
	(pc) =	sbr.rel @p0 .LBB2_4-.Ltmp4, $2  }
0x17a: {  	_ =	sdelay $0x2  }
0x17b: {  	[tilespmem:v19+s18+$0x0] =	vst.idx.msk $0xffff, v20  }
0x17c: {  	s23 =	smin.u32 s22, $0x1F  }
0x17d: {  	s23 =	sshll.u32 s23, $0x4  }
0x17e: {  	v19 =	vld [tilespmem:s23+$0x0];
	_ =	sdelay $0x4  }
0x17f: {  	(v2sf) =	vpush v19, $0x0;
	_ =	sdelay $0x7  }
0x180: {  	(v2sf) =	vpush v19, $0x1;
	_ =	sdelay $0x6  }
0x181: {  	s24 =	spop (v2sf)  }
0x182: {  	s23 =	sand.u32 $0xFFFFF80, s24  }
0x183: {  	(v2sf) =	vpush v19, $0x2;
	s23 =	sadd.s32 s1, s23  }
0x184: {  	[tilespmem:s8], [sflag:$0x1] =	stream.linear.gather [hbm4b:s23+s3], $0x400, $0x38;
	[tilespmem:$0x14200] =	vst v63  }
0x185: {  	s25 =	simm.s32 $0x600;
	s24 =	sadd.s32 $0xF4280, s23  }
0x186: {  	[tilespmem:s25], [sflag:$0x1] =	stream.linear.gather [hbm4b:s24+s3], $0x400, $0x38;
	[tilespmem:$0x14200] =	vst v63  }
0x187: {  	s26 =	simm.s32 $0xA00;
	s25 =	sadd.s32 $0x1E8500, s23  }
0x188: {  	[tilespmem:s26], [sflag:$0x1] =	stream.linear.gather [hbm4b:s25+s3], $0x400, $0x38;
	[tilespmem:$0x14200] =	vst v63  }
0x189: {  	s23 =	sadd.s32 $0x2DC780, s23;
	s26 =	simm.s32 $0xE00;
	s25 =	spop (v2sf)  }
0x18a: {  	[tilespmem:s26], [sflag:$0x1] =	stream.linear.gather [hbm4b:s23+s3], $0x400, $0x38;
	[tilespmem:$0x14200] =	vst v63  }
0x18b: {  	s23 =	sand.u32 $0xFFFFF80, s25  }
0x18c: {  	(v2sf) =	vpush v19, $0x3;
	s26 =	simm.s32 $0x1200;
	s23 =	sadd.s32 s1, s23  }
0x18d: {  	[tilespmem:s26], [sflag:$0x1] =	stream.linear.gather [hbm4b:s23+s3], $0x400, $0x38;
	[tilespmem:$0x14200] =	vst v63  }
0x18e: {  	s25 =	sadd.s32 $0xF4280, s23;
	s26 =	simm.s32 $0x1600  }
0x18f: {  	[tilespmem:s26], [sflag:$0x1] =	stream.linear.gather [hbm4b:s25+s3], $0x400, $0x38;
	[tilespmem:$0x14200] =	vst v63  }
0x190: {  	s25 =	sadd.s32 $0x1E8500, s23;
	s26 =	simm.s32 $0x1A00  }
0x191: {  	[tilespmem:s26], [sflag:$0x1] =	stream.linear.gather [hbm4b:s25+s3], $0x400, $0x38;
	[tilespmem:$0x14200] =	vst v63  }
0x192: {  	s23 =	sadd.s32 $0x2DC780, s23;
	s26 =	simm.s32 $0x1E00;
	s25 =	spop (v2sf)  }
0x193: {  	[tilespmem:s26], [sflag:$0x1] =	stream.linear.gather [hbm4b:s23+s3], $0x400, $0x38;
	[tilespmem:$0x14200] =	vst v63  }
0x194: {  	s23 =	sand.u32 $0xFFFFF80, s25  }
0x195: {  	(v2sf) =	vpush v19, $0x4;
	s26 =	simm.s32 $0x2200;
	s23 =	sadd.s32 s1, s23  }
0x196: {  	[tilespmem:s26], [sflag:$0x1] =	stream.linear.gather [hbm4b:s23+s3], $0x400, $0x38;
	[tilespmem:$0x14200] =	vst v63  }
0x197: {  	s25 =	sadd.s32 $0xF4280, s23;
	s26 =	simm.s32 $0x2600  }
0x198: {  	[tilespmem:s26], [sflag:$0x1] =	stream.linear.gather [hbm4b:s25+s3], $0x400, $0x38;
	[tilespmem:$0x14200] =	vst v63  }
0x199: {  	s25 =	sadd.s32 $0x1E8500, s23;
	s26 =	simm.s32 $0x2A00  }
0x19a: {  	[tilespmem:s26], [sflag:$0x1] =	stream.linear.gather [hbm4b:s25+s3], $0x400, $0x38;
	[tilespmem:$0x14200] =	vst v63  }
0x19b: {  	s23 =	sadd.s32 $0x2DC780, s23;
	s26 =	simm.s32 $0x2E00;
	s25 =	spop (v2sf)  }
0x19c: {  	[tilespmem:s26], [sflag:$0x1] =	stream.linear.gather [hbm4b:s23+s3], $0x400, $0x38;
	[tilespmem:$0x14200] =	vst v63  }
0x19d: {  	s23 =	sand.u32 $0xFFFFF80, s25  }
0x19e: {  	(v2sf) =	vpush v19, $0x5;
	s26 =	simm.s32 $0x3200;
	s23 =	sadd.s32 s1, s23  }
0x19f: {  	[tilespmem:s26], [sflag:$0x1] =	stream.linear.gather [hbm4b:s23+s3], $0x400, $0x38;
	[tilespmem:$0x14200] =	vst v63  }
0x1a0: {  	s25 =	sadd.s32 $0xF4280, s23;
	s26 =	simm.s32 $0x3600  }
0x1a1: {  	[tilespmem:s26], [sflag:$0x1] =	stream.linear.gather [hbm4b:s25+s3], $0x400, $0x38;
	[tilespmem:$0x14200] =	vst v63  }
0x1a2: {  	s25 =	sadd.s32 $0x1E8500, s23;
	s26 =	simm.s32 $0x3A00  }
0x1a3: {  	[tilespmem:s26], [sflag:$0x1] =	stream.linear.gather [hbm4b:s25+s3], $0x400, $0x38;
	[tilespmem:$0x14200] =	vst v63  }
0x1a4: {  	s23 =	sadd.s32 $0x2DC780, s23;
	s26 =	simm.s32 $0x3E00;
	s25 =	spop (v2sf)  }
0x1a5: {  	[tilespmem:s26], [sflag:$0x1] =	stream.linear.gather [hbm4b:s23+s3], $0x400, $0x38;
	[tilespmem:$0x14200] =	vst v63  }
0x1a6: {  	(v2sf) =	vpush v19, $0x6;
	s23 =	sand.u32 $0xFFFFF80, s25  }
0x1a7: {  	s26 =	simm.s32 $0x4200;
	s23 =	sadd.s32 s1, s23  }
0x1a8: {  	[tilespmem:s26], [sflag:$0x1] =	stream.linear.gather [hbm4b:s23+s3], $0x400, $0x38;
	[tilespmem:$0x14200] =	vst v63  }
0x1a9: {  	s25 =	sadd.s32 $0xF4280, s23;
	s26 =	simm.s32 $0x4600  }
0x1aa: {  	[tilespmem:s26], [sflag:$0x1] =	stream.linear.gather [hbm4b:s25+s3], $0x400, $0x38;
	[tilespmem:$0x14200] =	vst v63  }
0x1ab: {  	s25 =	sadd.s32 $0x1E8500, s23;
	s26 =	simm.s32 $0x4A00  }
0x1ac: {  	[tilespmem:s26], [sflag:$0x1] =	stream.linear.gather [hbm4b:s25+s3], $0x400, $0x38;
	[tilespmem:$0x14200] =	vst v63  }
0x1ad: {  	s23 =	sadd.s32 $0x2DC780, s23;
	s26 =	simm.s32 $0x4E00;
	s25 =	spop (v2sf)  }
0x1ae: {  	[tilespmem:s26], [sflag:$0x1] =	stream.linear.gather [hbm4b:s23+s3], $0x400, $0x38;
	[tilespmem:$0x14200] =	vst v63  }
0x1af: {  	s23 =	sand.u32 $0xFFFFF80, s25  }
0x1b0: {  	(v2sf) =	vpush v19, $0x7;
	s26 =	simm.s32 $0x5200;
	s23 =	sadd.s32 s1, s23  }
0x1b1: {  	[tilespmem:s26], [sflag:$0x1] =	stream.linear.gather [hbm4b:s23+s3], $0x400, $0x38;
	[tilespmem:$0x14200] =	vst v63  }
0x1b2: {  	s25 =	sadd.s32 $0xF4280, s23;
	s26 =	simm.s32 $0x5600  }
0x1b3: {  	[tilespmem:s26], [sflag:$0x1] =	stream.linear.gather [hbm4b:s25+s3], $0x400, $0x38;
	[tilespmem:$0x14200] =	vst v63  }
0x1b4: {  	s25 =	sadd.s32 $0x1E8500, s23  }
0x1b5: {  	s26 =	simm.s32 $0x5A00;
	s23 =	sadd.s32 $0x2DC780, s23;
	s24 =	spop (v2sf)  }
0x1b6: {  	[tilespmem:s26], [sflag:$0x1] =	stream.linear.gather [hbm4b:s25+s3], $0x400, $0x38;
	[tilespmem:$0x14200] =	vst v63  }
0x1b7: {  	s26 =	simm.s32 $0x5E00;
	s25 =	sand.u32 $0xFFFFF80, s24  }
0x1b8: {  	[tilespmem:s26], [sflag:$0x1] =	stream.linear.gather [hbm4b:s23+s3], $0x400, $0x38;
	[tilespmem:$0x14200] =	vst v63  }
0x1b9: {  	s23 =	sadd.s32 s1, s25;
	s26 =	simm.s32 $0x6200  }
0x1ba: {  	[tilespmem:s26], [sflag:$0x1] =	stream.linear.gather [hbm4b:s23+s3], $0x400, $0x38;
	[tilespmem:$0x14200] =	vst v63  }
0x1bb: {  	s25 =	sadd.s32 $0xF4280, s23;
	s26 =	simm.s32 $0x6600  }
0x1bc: {  	[tilespmem:s26], [sflag:$0x1] =	stream.linear.gather [hbm4b:s25+s3], $0x400, $0x38;
	[tilespmem:$0x14200] =	vst v63  }
0x1bd: {  	s25 =	sadd.s32 $0x1E8500, s23;
	s26 =	simm.s32 $0x6A00  }
0x1be: {  	[tilespmem:s26], [sflag:$0x1] =	stream.linear.gather [hbm4b:s25+s3], $0x400, $0x38;
	[tilespmem:$0x14200] =	vst v63  }
0x1bf: {  	s23 =	sadd.s32 $0x2DC780, s23;
	s26 =	simm.s32 $0x6E00;
	s25 =	spop (v2sf)  }
0x1c0: {  	[tilespmem:s26], [sflag:$0x1] =	stream.linear.gather [hbm4b:s23+s3], $0x400, $0x38;
	[tilespmem:$0x14200] =	vst v63  }
0x1c1: {  	s23 =	sand.u32 $0xFFFFF80, s25  }
0x1c2: {  	s26 =	simm.s32 $0x7200;
	s23 =	sadd.s32 s1, s23  }
0x1c3: {  	[tilespmem:s26], [sflag:$0x1] =	stream.linear.gather [hbm4b:s23+s3], $0x400, $0x38;
	[tilespmem:$0x14200] =	vst v63  }
0x1c4: {  	s25 =	sadd.s32 $0xF4280, s23;
	s26 =	simm.s32 $0x7600  }
0x1c5: {  	[tilespmem:s26], [sflag:$0x1] =	stream.linear.gather [hbm4b:s25+s3], $0x400, $0x38;
	[tilespmem:$0x14200] =	vst v63  }
.Ltmp5:
0x1c6: {  	_ = 	snop;
	(pc) =	sbr.rel .LBB2_4-.Ltmp5, $4  }
0x1c7: {  	s25 =	sadd.s32 $0x1E8500, s23;
	s26 =	simm.s32 $0x7A00  }
0x1c8: {  	[tilespmem:s26], [sflag:$0x1] =	stream.linear.gather [hbm4b:s25+s3], $0x400, $0x38;
	[tilespmem:$0x14200] =	vst v63  }
0x1c9: {  	s23 =	sadd.s32 $0x2DC780, s23;
	s25 =	simm.s32 $0x8600;
	s26 =	simm.s32 $0x7E00  }
0x1ca: {  	[tilespmem:s26], [sflag:$0x1] =	stream.linear.gather [hbm4b:s23+s3], $0x400, $0x38;
	[tilespmem:$0x14200] =	vst v63  }
.LBB2_6:
0x1cb: {  	_ =	sfence.sel $0x180000  }
0x1cc: {  	[bflag:$0x0] =	sbarrier.arrive $0xFFFF  }
0x1cd: {  	_ =	strace $0x90000047  }
0x1ce: {  	s0 =	stileid.u32;
	[bflag:$0x2] =	sbarrier.arrive $0xFFFF  }
0x1cf: {  	p0 =	sne.s32 s0, $0x0;
	s0 =	rddreg [dreg:$0x3]  }
0x1d0: {  	s0 =	sadd.s32 @!p0 $0x100000, s0  }
0x1d1: {  	[sflag:s0] =	ssyncadd.tile.s32 @!p0 $0x1;
	_ =	shalt  }
.Lfunc_end2:
_tile_overlayer_lowered:
.L_overlay_start_2:
0x1d2: {  	(tag) =	ssettag $0x2  }
0x1d3: {  	s0 =	rddreg [dreg:$0x0];
	s2 =	stileid.u32  }
0x1d4: {  	s1 =	rddreg [dreg:$0x1];
	p0 =	sne.s32 s2, $0x0  }
0x1d5: {  	s3 =	rddreg [dreg:$0x2];
	[bflag:$0x3] =	sbarrier.arrive $0xFFFF;
	s2 =	simm.s32 @!p0 $0x1C03  }
0x1d6: {  	[timem:s3], [sflag:s2] =	dma.local @!p0 [hbm:s0], s1  }
0x1d7: {  	s0 =	simm.s32 @!p0 $0x3  }
0x1d8: {  	_ =	swait.ge @!p0 [sflag:s0], s1  }
0x1d9: {  	s1 =	ssub.s32 @!p0 $0x0, s1;
	[sflag:s0] =	ssyncset.done @!p0 $0x0  }
0x1da: {  	[sflag:s0] =	ssyncadd.s32 @!p0 s1  }
0x1db: {  	[bflag:$0x3] =	sbarrier.arrive $0xFFFF  }
0x1dc: {  	_ =	shalt  }

</sc_bundles>
